<compile_context>
chip_gen: v7x
topology: tpu7x:2x2x1
jax: 0.10.2.dev20260603
libtpu: 0.0.44.dev20260713+nightly
codegen_flags: <defaults>
</compile_context>

<pallas_src>
import functools

import jax
import jax.numpy as jnp
from jax import lax
from jax.experimental import pallas as pl
from jax.experimental.pallas import tpu as pltpu
from jax.experimental.pallas import tpu_sc as plsc

_F = 128
_M = 65536
_C = 80
_B = 256
_TEMP = 0.05
_TOP = 0.1
_ALPHA = 0.1
_BLK = 8192
_CPAD = 128
_NW = 32
_RPW = _M // _NW
_CH = 128
_NCH = _RPW // _CH


def _sc_body(feat_hbm, lab_hbm, idx_hbm,
             sparts_hbm, cparts_hbm, tgt_hbm,
             fbuf, lbuf, obuf, ibuf, tbuf, acc_sh, cnt_sh, sems, lsems, sem):
    nc = 2
    sid = lax.axis_index("s")
    cid = lax.axis_index("c")
    wid = sid * nc + cid
    base = wid * _RPW

    def _zero(r, _):
        obuf[r, :] = jnp.zeros((16,), jnp.float32)
        for j in range(_F // 16):
            fbuf[0, r, pl.ds(j * 16, 16)] = jnp.zeros((16,), jnp.float32)
        return _

    lax.fori_loop(0, _CH, _zero, 0)

    @pl.when(sid == 0)
    def _zero_shared():
        pltpu.sync_copy(fbuf.at[0], acc_sh)
        pltpu.sync_copy(obuf, cnt_sh)

    plsc.subcore_barrier()

    sixteenth = jnp.full((16,), 0.0625, jnp.float32)

    def _fill(r, _):
        obuf[r, :] = sixteenth
        return _

    lax.fori_loop(0, _CH, _fill, 0)

    cps = [None, None]
    lps = [None, None]

    def _start(c):
        b = c % 2
        st = base + c * _CH
        cps[b] = pltpu.async_copy(
            feat_hbm.at[pl.ds(st, _CH)], fbuf.at[b], sems.at[b])
        lps[b] = pltpu.async_copy(
            lab_hbm.at[pl.ds(st, _CH)], lbuf.at[c], lsems.at[b])

    _start(0)
    for c in range(_NCH):
        b = c % 2
        cw, lw = cps[b], lps[b]
        if c + 1 < _NCH:
            _start(c + 1)
        cw.wait()
        lw.wait()
        pltpu.sync_copy(fbuf.at[b], acc_sh.at[lbuf.at[c]], add=True)
        pltpu.sync_copy(obuf, cnt_sh.at[lbuf.at[c]], add=True)

    plsc.subcore_barrier()

    @pl.when(sid == 0)
    def _flush():
        pltpu.sync_copy(acc_sh, sparts_hbm.at[cid])
        pltpu.sync_copy(cnt_sh, cparts_hbm.at[cid])

    @pl.when(wid == 0)
    def _gather_targets():
        pltpu.sync_copy(idx_hbm, ibuf)
        pltpu.async_copy(lab_hbm.at[ibuf], tbuf, sem).wait()
        pltpu.sync_copy(tbuf, tgt_hbm)


_NSC = 2


_sc_segsum = pl.kernel(
    _sc_body,
    out_type=(
        jax.ShapeDtypeStruct((_NSC, _CPAD, _F), jnp.float32),
        jax.ShapeDtypeStruct((_NSC, _CPAD, 16), jnp.float32),
        jax.ShapeDtypeStruct((_B,), jnp.int32),
    ),
    mesh=plsc.VectorSubcoreMesh(core_axis_name="c", subcore_axis_name="s"),
    scratch_types=[
        pltpu.VMEM((2, _CH, _F), jnp.float32),
        pltpu.VMEM((_NCH, _CH), jnp.int32),
        pltpu.VMEM((_CH, 16), jnp.float32),
        pltpu.VMEM((_B,), jnp.int32),
        pltpu.VMEM((_B,), jnp.int32),
        pltpu.VMEM_SHARED((_CPAD, _F), jnp.float32),
        pltpu.VMEM_SHARED((_CPAD, 16), jnp.float32),
        pltpu.SemaphoreType.DMA((2,)),
        pltpu.SemaphoreType.DMA((2,)),
        pltpu.SemaphoreType.DMA,
    ],
)


def _g_kernel(f_ref, g_ref):
    i = pl.program_id(0)

    @pl.when(i == 0)
    def _init():
        g_ref[...] = jnp.zeros_like(g_ref)

    fb = f_ref[...].astype(jnp.bfloat16)
    g_ref[...] += jax.lax.dot_general(
        fb, fb, (((0,), (0,)), ((), ())), preferred_element_type=jnp.float32)


def _epilogue_kernel(res_ref, tgt_ref, g_ref, sp_ref, cp_ref, loss_ref):
    x = res_ref[...]
    norm = jnp.sqrt(jnp.sum(x * x, axis=1, keepdims=True))
    x = x / (norm + 1e-12)

    s_mat = jnp.sum(sp_ref[...], axis=0)
    cnt2 = jnp.sum(cp_ref[...], axis=0)
    ones16 = jnp.ones((1, 16), jnp.float32)
    cnt = jax.lax.dot_general(
        ones16, cnt2, (((1,), (1,)), ((), ())),
        preferred_element_type=jnp.float32)

    xg = jnp.dot(x, g_ref[...], preferred_element_type=jnp.float32)
    d_mat = jax.lax.dot_general(
        xg, x, (((1,), (1,)), ((), ())), preferred_element_type=jnp.float32)
    diag = jnp.sum(xg * x, axis=1, keepdims=True)
    simn = d_mat / (_TEMP * jnp.sqrt(diag))

    tgt = tgt_ref[...]
    cls = jax.lax.broadcasted_iota(jnp.int32, (_B, _CPAD), 1)
    oh_pos_t = (tgt == cls)
    p0 = oh_pos_t.astype(jnp.float32)

    rows = jax.lax.broadcasted_iota(jnp.int32, (_B, _B), 0)
    colsb = jax.lax.broadcasted_iota(jnp.int32, (_B, _B), 1)
    eye = (rows == colsb).astype(jnp.float32)
    a1 = ((1.0 - _ALPHA) * eye + _ALPHA * simn).astype(jnp.bfloat16)

    def _sq(m):
        return jnp.dot(m, m, preferred_element_type=jnp.float32
                       ).astype(jnp.bfloat16)

    a2 = _sq(a1)
    a4 = _sq(a2)
    a8 = _sq(a4)

    p = jnp.dot(a4, p0.astype(jnp.bfloat16),
                preferred_element_type=jnp.float32)

    def body(_, p):
        return jnp.dot(a8, p.astype(jnp.bfloat16),
                       preferred_element_type=jnp.float32)

    p = jax.lax.fori_loop(0, 12, body, p)

    iota_f = cls.astype(jnp.float32)
    isn = jnp.isnan(p)
    has_nan = jnp.max(isn.astype(jnp.float32), axis=1, keepdims=True) > 0.0
    first_nan = jnp.min(jnp.where(isn, iota_f, 1e9), axis=1, keepdims=True)
    p_clean = jnp.where(isn, -jnp.inf, p)
    vmax = jnp.max(p_clean, axis=1, keepdims=True)
    first_max = jnp.min(jnp.where(p_clean == vmax, iota_f, 1e9),
                        axis=1, keepdims=True)
    prop = jnp.where(has_nan, first_nan, first_max)

    present = cnt > 0.0
    denom = jnp.where(present, cnt, 1.0)
    vec = jax.lax.dot_general(
        x, s_mat, (((1,), (1,)), ((), ())),
        preferred_element_type=jnp.float32)
    vec = vec / _TEMP / denom

    mask = present.astype(jnp.float32)
    exps = jnp.exp(vec)
    masked_exps = exps * mask
    oh_pos = iota_f == prop
    neg_exps = jnp.where(oh_pos, 0.0, masked_exps)
    negsum = jnp.sum(neg_exps, axis=1, keepdims=True)
    v = neg_exps / negsum

    chunk = 32
    rank_chunks = []
    for r0 in range(0, _B, chunk):
        vc = v[r0:r0 + chunk]
        ge = (vc[:, None, :] >= vc[:, :, None]).astype(jnp.float32)
        rank_chunks.append(jnp.sum(vc[:, None, :] * ge, axis=2))
    rank_sum = jnp.concatenate(rank_chunks, axis=0)
    dd = jnp.abs(rank_sum - _TOP)
    dmin = jnp.min(dd, axis=1, keepdims=True)
    vstar = jnp.max(jnp.where(dd == dmin, v, -1.0), axis=1, keepdims=True)
    min_vals = vstar * negsum

    ori2 = jnp.where(neg_exps < min_vals, 0.0, neg_exps)
    new_exps = jnp.where(oh_pos, masked_exps, ori2)
    sums = jnp.sum(new_exps, axis=1, keepdims=True) + 1e-6
    logp = jnp.log(new_exps / sums + 1e-6)

    picked = jnp.sum(jnp.where(oh_pos_t, logp, 0.0), axis=1, keepdims=True)
    loss_ref[...] = -jnp.sum(picked, axis=0, keepdims=True) / _B


@functools.partial(jax.jit, static_argnames=())
def kernel(results, indexes, features, labels_mem):
    g = pl.pallas_call(
        _g_kernel,
        grid=(_M // _BLK,),
        in_specs=[pl.BlockSpec((_BLK, _F), lambda i: (i, 0))],
        out_specs=pl.BlockSpec((_F, _F), lambda i: (0, 0)),
        out_shape=jax.ShapeDtypeStruct((_F, _F), jnp.float32),
    )(features)

    sparts, cparts, targets = _sc_segsum(
        features, labels_mem.astype(jnp.int32), indexes.astype(jnp.int32))

    loss = pl.pallas_call(
        _epilogue_kernel,
        in_specs=[
            pl.BlockSpec((_B, _F), lambda: (0, 0)),
            pl.BlockSpec((_B, 1), lambda: (0, 0)),
            pl.BlockSpec((_F, _F), lambda: (0, 0)),
            pl.BlockSpec((_NSC, _CPAD, _F), lambda: (0, 0, 0)),
            pl.BlockSpec((_NSC, _CPAD, 16), lambda: (0, 0, 0)),
        ],
        out_specs=pl.BlockSpec((1, 1), lambda: (0, 0)),
        out_shape=jax.ShapeDtypeStruct((1, 1), jnp.float32),
    )(results, targets.reshape(_B, 1), g, sparts, cparts)

    return loss[0, 0]

# --- scband reference (transcript-rebuilt; emitter-appended) ---
"""Pipeline reference for scband-hybrid-memory-multi-focal-percent-50706383896900 (READ-ONLY COPY).

The authoritative reference and input builder live on the scoring server;
editing this copy changes nothing except your own understanding.
"""

import jax, jax.numpy as jnp
import numpy as np

NUM_FEATURES = 128
NUM_MEMORY = 65536
NUM_CLASSES = 80
BATCH = 256
TEMP = 0.05
TOP_PERCENT = 0.1
ALPHA = 0.1
MAX_ITER = 100


def masked_softmax_multi_focal(vec, mask, targets, epsilon=1e-6):
    exps = jnp.exp(vec)
    C = exps.shape[1]
    oh_pos = jax.nn.one_hot(targets, C, dtype=exps.dtype)
    oh_neg = 1.0 - oh_pos
    masked_exps = exps * mask
    neg_exps = jnp.where(oh_neg > 0, masked_exps, 0.0)
    ori_neg = neg_exps
    neg_norm = neg_exps / neg_exps.sum(axis=1, keepdims=True)
    new_exps = jnp.where(oh_pos > 0, masked_exps, 0.0)
    srt = -jnp.sort(-neg_norm, axis=1)  # descending sort
    csum = jnp.cumsum(srt, axis=1)
    diff = jnp.abs(csum - TOP_PERCENT)
    min_idx = jnp.argmin(diff, axis=1)
    min_vals = srt[jnp.arange(srt.shape[0]), min_idx][:, None] * ori_neg.sum(axis=1, keepdims=True)
    ori_neg2 = jnp.where(ori_neg < min_vals, 0.0, ori_neg)
    new_exps = jnp.where(oh_neg > 0, ori_neg2, new_exps)
    sums = new_exps.sum(axis=1, keepdims=True) + epsilon
    return new_exps / sums


def label_propagation(feats_lp, labels, mask):
    # build_similarity_graph: feats @ feats.T, row-normalized by feature norms
    sim = feats_lp @ feats_lp.T
    sim = sim / jnp.linalg.norm(feats_lp, axis=1)[:, None]
    onehot = jax.nn.one_hot(labels, NUM_CLASSES, dtype=jnp.float32)
    p0 = onehot * mask[:, None]

    def body(p, _):
        p = (1.0 - ALPHA) * p + ALPHA * (sim @ p)
        p = p * mask[:, None] + onehot * (1.0 - mask)[:, None]
        return p, None

    p, _ = jax.lax.scan(body, p0, None, length=MAX_ITER)
    return jnp.argmax(p, axis=1)


def forward(results, indexes, features, labels_mem):
    targets = labels_mem[indexes]                     # gather memory labels
    x = results / (jnp.linalg.norm(results, axis=1, keepdims=True) + 1e-12)
    inputs = x @ features.T                            # HM.forward: similarity vs memory bank [B, M]
    inputs = inputs / TEMP
    B = inputs.shape[0]
    mask_b = (targets != -1).astype(jnp.float32)
    prop = label_propagation(inputs, targets, mask_b)  # [B] refined labels
    # class-wise aggregation over memory slots (scatter-add)
    sim = jax.ops.segment_sum(inputs.T, labels_mem, num_segments=NUM_CLASSES)   # [C, B]
    nums = jax.ops.segment_sum(jnp.ones((NUM_MEMORY,), jnp.float32), labels_mem, num_segments=NUM_CLASSES)[:, None]  # [C, 1]
    m = (nums > 0).astype(jnp.float32)
    sim = sim / (m * nums + (1.0 - m))
    mask_c = jnp.broadcast_to(m, sim.shape)
    masked_sim = masked_softmax_multi_focal(sim.T, mask_c.T, prop)  # [B, C]
    logp = jnp.log(masked_sim + 1e-6)
    loss = -jnp.mean(logp[jnp.arange(B), targets])     # F.nll_loss
    return loss


def setup_inputs(seed: int = 0):
    key = jax.random.key(seed)
    k1, k2, k3, k4 = jax.random.split(key, 4)
    results = jax.random.normal(k1, (BATCH, NUM_FEATURES), dtype=jnp.float32)
    indexes = jax.random.randint(k2, (BATCH,), 0, NUM_MEMORY, dtype=jnp.int32)
    features = jax.random.normal(k3, (NUM_MEMORY, NUM_FEATURES), dtype=jnp.float32)
    features = features / (jnp.linalg.norm(features, axis=1, keepdims=True) + 1e-12)
    labels_mem = jax.random.randint(k4, (NUM_MEMORY,), 0, NUM_CLASSES, dtype=jnp.int32)
    return {"results": results, "indexes": indexes, "features": features, "labels_mem": labels_mem}


def reference(results, indexes, features, labels_mem):
    return forward(results, indexes, features, labels_mem)

if __name__ == "__main__":
    import jax
    _d = setup_inputs()
    print(jax.jit(kernel)(*tuple(_d.values())))

</pallas_src>

<mosaic_0001>
#map = affine_map<(d0, d1) -> (0, 0)>
#map1 = affine_map<(d0, d1) -> (0)>
#map2 = affine_map<(d0, d1) -> (0, 0, 0)>
module attributes {stable_mosaic.version = 14 : i64} {
  func.func @_sc_body(%arg0: i32, %arg1: i32, %arg2: memref<65536x128xf32, #tpu.memory_space<hbm>>, %arg3: memref<65536xi32, #tpu.memory_space<hbm>>, %arg4: memref<256xi32, #tpu.memory_space<hbm>>, %arg5: memref<2x128x128xf32, #tpu.memory_space<hbm>>, %arg6: memref<2x128x16xf32, #tpu.memory_space<hbm>>, %arg7: memref<256xi32, #tpu.memory_space<hbm>>, %arg8: memref<2x128x128xf32, #tpu.memory_space<vmem>>, %arg9: memref<16x128xi32, #tpu.memory_space<vmem>>, %arg10: memref<128x16xf32, #tpu.memory_space<vmem>>, %arg11: memref<256xi32, #tpu.memory_space<vmem>>, %arg12: memref<256xi32, #tpu.memory_space<vmem>>, %arg13: memref<128x128xf32, #tpu.memory_space<vmem_shared>>, %arg14: memref<128x16xf32, #tpu.memory_space<vmem_shared>>, %arg15: memref<2x!tpu.dma_semaphore, #tpu.memory_space<semaphore_mem>>, %arg16: memref<2x!tpu.dma_semaphore, #tpu.memory_space<semaphore_mem>>, %arg17: memref<!tpu.dma_semaphore, #tpu.memory_space<semaphore_mem>>) attributes {dimension_semantics = [#tpu.dimension_semantics<core_parallel>, #tpu.dimension_semantics<subcore_parallel>], iteration_bounds = array<i64: 2, 16>, scalar_prefetch = 0 : i64, scratch_operands = 10 : i64, tpu.core_type = #tpu.core_type<sc_vector_subcore>, window_params = [{transform_indices = #map}, {transform_indices = #map1}, {transform_indices = #map1}, {transform_indices = #map2}, {transform_indices = #map2}, {transform_indices = #map1}]} {
    %mul3A = arith.constant 2 : i32
    %mul3A_0 = arith.muli %arg1, %mul3A : i32
    %add3A = arith.addi %mul3A_0, %arg0 : i32
    %mul3A_1 = arith.constant 2048 : i32
    %mul3A_2 = arith.muli %add3A, %mul3A_1 : i32
    %scan3A = arith.constant 0 : i32
    %scan3A_3 = arith.constant 0 : i32
    %scan3A_4 = arith.constant 128 : i32
    %scan3A_5 = arith.addi %scan3A_3, %scan3A_4 : i32
    %scan3A_6 = arith.constant 1 : i32
    scf.for %scan3A_1001 = %scan3A_3 to %scan3A_5 step %scan3A_6  : i32 {
      %broadcast_in_dim3A_1002 = arith.constant 0.000000e+00 : f32
      %broadcast_in_dim3A_1003 = vector.broadcast %broadcast_in_dim3A_1002 : f32 to vector<16xf32>
      %swap3A = arith.index_cast %scan3A_1001 : i32 to index
      %swap3A_1004 = arith.constant 0 : index
      %swap3A_1005 = tpu.vector_load %arg10[%swap3A, %swap3A_1004] {strides = array<i32>} : memref<128x16xf32, #tpu.memory_space<vmem>>, vector<1x16xf32>,
      %swap3A_1006 = vector.shape_cast %swap3A_1005 : vector<1x16xf32> to vector<16xf32>
      %swap3A_1007 = vector.shape_cast %broadcast_in_dim3A_1003 : vector<16xf32> to vector<1x16xf32>
      tpu.vector_store %arg10[%swap3A, %swap3A_1004], %swap3A_1007 {strides = array<i32>} : memref<128x16xf32, #tpu.memory_space<vmem>>, vector<1x16xf32>,
      %broadcast_in_dim3A_1008 = arith.constant 0.000000e+00 : f32
      %broadcast_in_dim3A_1009 = vector.broadcast %broadcast_in_dim3A_1008 : f32 to vector<16xf32>
      %swap3A_1010 = arith.constant 0 : i32
      %swap3A_1011 = arith.index_cast %swap3A_1010 : i32 to index
      %swap3A_1012 = arith.index_cast %scan3A_1001 : i32 to index
      %swap3A_1013 = arith.constant 0 : index
      %swap3A_1014 = tpu.vector_load %arg8[%swap3A_1011, %swap3A_1012, %swap3A_1013] {strides = array<i32>} : memref<2x128x128xf32, #tpu.memory_space<vmem>>, vector<1x1x16xf32>,
      %swap3A_1015 = vector.shape_cast %swap3A_1014 : vector<1x1x16xf32> to vector<16xf32>
      %swap3A_1016 = vector.shape_cast %broadcast_in_dim3A_1009 : vector<16xf32> to vector<1x1x16xf32>
      tpu.vector_store %arg8[%swap3A_1011, %swap3A_1012, %swap3A_1013], %swap3A_1016 {strides = array<i32>} : memref<2x128x128xf32, #tpu.memory_space<vmem>>, vector<1x1x16xf32>,
      %broadcast_in_dim3A_1017 = arith.constant 0.000000e+00 : f32
      %broadcast_in_dim3A_1018 = vector.broadcast %broadcast_in_dim3A_1017 : f32 to vector<16xf32>
      %swap3A_1019 = arith.constant 0 : i32
      %swap3A_1020 = arith.index_cast %swap3A_1019 : i32 to index
      %swap3A_1021 = arith.index_cast %scan3A_1001 : i32 to index
      %swap3A_1022 = arith.constant 16 : index
      %swap3A_1023 = tpu.vector_load %arg8[%swap3A_1020, %swap3A_1021, %swap3A_1022] {strides = array<i32>} : memref<2x128x128xf32, #tpu.memory_space<vmem>>, vector<1x1x16xf32>,
      %swap3A_1024 = vector.shape_cast %swap3A_1023 : vector<1x1x16xf32> to vector<16xf32>
      %swap3A_1025 = vector.shape_cast %broadcast_in_dim3A_1018 : vector<16xf32> to vector<1x1x16xf32>
      tpu.vector_store %arg8[%swap3A_1020, %swap3A_1021, %swap3A_1022], %swap3A_1025 {strides = array<i32>} : memref<2x128x128xf32, #tpu.memory_space<vmem>>, vector<1x1x16xf32>,
      %broadcast_in_dim3A_1026 = arith.constant 0.000000e+00 : f32
      %broadcast_in_dim3A_1027 = vector.broadcast %broadcast_in_dim3A_1026 : f32 to vector<16xf32>
      %swap3A_1028 = arith.constant 0 : i32
      %swap3A_1029 = arith.index_cast %swap3A_1028 : i32 to index
      %swap3A_1030 = arith.index_cast %scan3A_1001 : i32 to index
      %swap3A_1031 = arith.constant 32 : index
      %swap3A_1032 = tpu.vector_load %arg8[%swap3A_1029, %swap3A_1030, %swap3A_1031] {strides = array<i32>} : memref<2x128x128xf32, #tpu.memory_space<vmem>>, vector<1x1x16xf32>,
      %swap3A_1033 = vector.shape_cast %swap3A_1032 : vector<1x1x16xf32> to vector<16xf32>
      %swap3A_1034 = vector.shape_cast %broadcast_in_dim3A_1027 : vector<16xf32> to vector<1x1x16xf32>
      tpu.vector_store %arg8[%swap3A_1029, %swap3A_1030, %swap3A_1031], %swap3A_1034 {strides = array<i32>} : memref<2x128x128xf32, #tpu.memory_space<vmem>>, vector<1x1x16xf32>,
      %broadcast_in_dim3A_1035 = arith.constant 0.000000e+00 : f32
      %broadcast_in_dim3A_1036 = vector.broadcast %broadcast_in_dim3A_1035 : f32 to vector<16xf32>
      %swap3A_1037 = arith.constant 0 : i32
      %swap3A_1038 = arith.index_cast %swap3A_1037 : i32 to index
      %swap3A_1039 = arith.index_cast %scan3A_1001 : i32 to index
      %swap3A_1040 = arith.constant 48 : index
      %swap3A_1041 = tpu.vector_load %arg8[%swap3A_1038, %swap3A_1039, %swap3A_1040] {strides = array<i32>} : memref<2x128x128xf32, #tpu.memory_space<vmem>>, vector<1x1x16xf32>,
      %swap3A_1042 = vector.shape_cast %swap3A_1041 : vector<1x1x16xf32> to vector<16xf32>
      %swap3A_1043 = vector.shape_cast %broadcast_in_dim3A_1036 : vector<16xf32> to vector<1x1x16xf32>
      tpu.vector_store %arg8[%swap3A_1038, %swap3A_1039, %swap3A_1040], %swap3A_1043 {strides = array<i32>} : memref<2x128x128xf32, #tpu.memory_space<vmem>>, vector<1x1x16xf32>,
      %broadcast_in_dim3A_1044 = arith.constant 0.000000e+00 : f32
      %broadcast_in_dim3A_1045 = vector.broadcast %broadcast_in_dim3A_1044 : f32 to vector<16xf32>
      %swap3A_1046 = arith.constant 0 : i32
      %swap3A_1047 = arith.index_cast %swap3A_1046 : i32 to index
      %swap3A_1048 = arith.index_cast %scan3A_1001 : i32 to index
      %swap3A_1049 = arith.constant 64 : index
      %swap3A_1050 = tpu.vector_load %arg8[%swap3A_1047, %swap3A_1048, %swap3A_1049] {strides = array<i32>} : memref<2x128x128xf32, #tpu.memory_space<vmem>>, vector<1x1x16xf32>,
      %swap3A_1051 = vector.shape_cast %swap3A_1050 : vector<1x1x16xf32> to vector<16xf32>
      %swap3A_1052 = vector.shape_cast %broadcast_in_dim3A_1045 : vector<16xf32> to vector<1x1x16xf32>
      tpu.vector_store %arg8[%swap3A_1047, %swap3A_1048, %swap3A_1049], %swap3A_1052 {strides = array<i32>} : memref<2x128x128xf32, #tpu.memory_space<vmem>>, vector<1x1x16xf32>,
      %broadcast_in_dim3A_1053 = arith.constant 0.000000e+00 : f32
      %broadcast_in_dim3A_1054 = vector.broadcast %broadcast_in_dim3A_1053 : f32 to vector<16xf32>
      %swap3A_1055 = arith.constant 0 : i32
      %swap3A_1056 = arith.index_cast %swap3A_1055 : i32 to index
      %swap3A_1057 = arith.index_cast %scan3A_1001 : i32 to index
      %swap3A_1058 = arith.constant 80 : index
      %swap3A_1059 = tpu.vector_load %arg8[%swap3A_1056, %swap3A_1057, %swap3A_1058] {strides = array<i32>} : memref<2x128x128xf32, #tpu.memory_space<vmem>>, vector<1x1x16xf32>,
      %swap3A_1060 = vector.shape_cast %swap3A_1059 : vector<1x1x16xf32> to vector<16xf32>
      %swap3A_1061 = vector.shape_cast %broadcast_in_dim3A_1054 : vector<16xf32> to vector<1x1x16xf32>
      tpu.vector_store %arg8[%swap3A_1056, %swap3A_1057, %swap3A_1058], %swap3A_1061 {strides = array<i32>} : memref<2x128x128xf32, #tpu.memory_space<vmem>>, vector<1x1x16xf32>,
      %broadcast_in_dim3A_1062 = arith.constant 0.000000e+00 : f32
      %broadcast_in_dim3A_1063 = vector.broadcast %broadcast_in_dim3A_1062 : f32 to vector<16xf32>
      %swap3A_1064 = arith.constant 0 : i32
      %swap3A_1065 = arith.index_cast %swap3A_1064 : i32 to index
      %swap3A_1066 = arith.index_cast %scan3A_1001 : i32 to index
      %swap3A_1067 = arith.constant 96 : index
      %swap3A_1068 = tpu.vector_load %arg8[%swap3A_1065, %swap3A_1066, %swap3A_1067] {strides = array<i32>} : memref<2x128x128xf32, #tpu.memory_space<vmem>>, vector<1x1x16xf32>,
      %swap3A_1069 = vector.shape_cast %swap3A_1068 : vector<1x1x16xf32> to vector<16xf32>
      %swap3A_1070 = vector.shape_cast %broadcast_in_dim3A_1063 : vector<16xf32> to vector<1x1x16xf32>
      tpu.vector_store %arg8[%swap3A_1065, %swap3A_1066, %swap3A_1067], %swap3A_1070 {strides = array<i32>} : memref<2x128x128xf32, #tpu.memory_space<vmem>>, vector<1x1x16xf32>,
      %broadcast_in_dim3A_1071 = arith.constant 0.000000e+00 : f32
      %broadcast_in_dim3A_1072 = vector.broadcast %broadcast_in_dim3A_1071 : f32 to vector<16xf32>
      %swap3A_1073 = arith.constant 0 : i32
      %swap3A_1074 = arith.index_cast %swap3A_1073 : i32 to index
      %swap3A_1075 = arith.index_cast %scan3A_1001 : i32 to index
      %swap3A_1076 = arith.constant 112 : index
      %swap3A_1077 = tpu.vector_load %arg8[%swap3A_1074, %swap3A_1075, %swap3A_1076] {strides = array<i32>} : memref<2x128x128xf32, #tpu.memory_space<vmem>>, vector<1x1x16xf32>,
      %swap3A_1078 = vector.shape_cast %swap3A_1077 : vector<1x1x16xf32> to vector<16xf32>
      %swap3A_1079 = vector.shape_cast %broadcast_in_dim3A_1072 : vector<16xf32> to vector<1x1x16xf32>
      tpu.vector_store %arg8[%swap3A_1074, %swap3A_1075, %swap3A_1076], %swap3A_1079 {strides = array<i32>} : memref<2x128x128xf32, #tpu.memory_space<vmem>>, vector<1x1x16xf32>,
    }
    %scan3A_7 = arith.constant 128 : i32
    %eq3A = arith.constant 0 : i32
    %eq3A_8 = arith.cmpi eq, %arg1, %eq3A : i32
    %convert_element_type3A = arith.extui %eq3A_8 : i1 to i32
    %cond3A = arith.constant 0 : i32
    %cond3A_9 = arith.cmpi ne, %convert_element_type3A, %cond3A : i32
    scf.if %cond3A_9 {
      %run_scoped3A_1001 = arith.constant 0 : i32
      "tpu.region"() ({
        %run_scoped3A_1002 = tpu.sem_alloc : memref<!tpu.dma_semaphore, #tpu.memory_space<semaphore_mem>>
        %dma_start3A_1003 = arith.constant 0 : i32
        %dma_start3A_1004 = arith.constant 0 : i32
        %dma_start3A_1005 = tpu.memref_slice %arg8[%run_scoped3A_1001, %dma_start3A_1003, %dma_start3A_1004] : memref<2x128x128xf32, #tpu.memory_space<vmem>> -> memref<1x128x128xf32, #tpu.memory_space<vmem>>
        %dma_start3A_1006 = tpu.memref_squeeze %dma_start3A_1005 : memref<1x128x128xf32, #tpu.memory_space<vmem>> -> memref<128x128xf32, #tpu.memory_space<vmem>>
        %dma_start3A_1007 = arith.constant 0 : i32
        %dma_start3A_1008 = arith.constant 0 : i32
        %dma_start3A_1009 = tpu.memref_slice %arg8[%run_scoped3A_1001, %dma_start3A_1007, %dma_start3A_1008] : memref<2x128x128xf32, #tpu.memory_space<vmem>> -> memref<1x128x128xf32, #tpu.memory_space<vmem>>
        %dma_start3A_1010 = tpu.memref_squeeze %dma_start3A_1009 : memref<1x128x128xf32, #tpu.memory_space<vmem>> -> memref<128x128xf32, #tpu.memory_space<vmem>>
        tpu.enqueue_dma source(%dma_start3A_1010 : memref<128x128xf32, #tpu.memory_space<vmem>>) target(%arg13 : memref<128x128xf32, #tpu.memory_space<vmem_shared>>) target_semaphore(%run_scoped3A_1002 : memref<!tpu.dma_semaphore, #tpu.memory_space<semaphore_mem>>)
        %dma_wait3A_1011 = arith.constant 0 : i32
        %dma_wait3A_1012 = arith.constant 0 : i32
        %dma_wait3A_1013 = tpu.memref_slice %arg8[%run_scoped3A_1001, %dma_wait3A_1011, %dma_wait3A_1012] : memref<2x128x128xf32, #tpu.memory_space<vmem>> -> memref<1x128x128xf32, #tpu.memory_space<vmem>>
        %dma_wait3A_1014 = tpu.memref_squeeze %dma_wait3A_1013 : memref<1x128x128xf32, #tpu.memory_space<vmem>> -> memref<128x128xf32, #tpu.memory_space<vmem>>
        %dma_wait3A_1015 = arith.constant 0 : i32
        %dma_wait3A_1016 = arith.constant 0 : i32
        %dma_wait3A_1017 = tpu.memref_slice %arg8[%run_scoped3A_1001, %dma_wait3A_1015, %dma_wait3A_1016] : memref<2x128x128xf32, #tpu.memory_space<vmem>> -> memref<1x128x128xf32, #tpu.memory_space<vmem>>
        %dma_wait3A_1018 = tpu.memref_squeeze %dma_wait3A_1017 : memref<1x128x128xf32, #tpu.memory_space<vmem>> -> memref<128x128xf32, #tpu.memory_space<vmem>>
        tpu.wait_dma2 semaphore(%run_scoped3A_1002 : memref<!tpu.dma_semaphore, #tpu.memory_space<semaphore_mem>>) src(%dma_wait3A_1018 : memref<128x128xf32, #tpu.memory_space<vmem>>) dst(%arg13 : memref<128x128xf32, #tpu.memory_space<vmem_shared>>)
        tpu.yield
      }) : () -> ()
      "tpu.region"() ({
        %run_scoped3A_1002 = tpu.sem_alloc : memref<!tpu.dma_semaphore, #tpu.memory_space<semaphore_mem>>
        tpu.enqueue_dma source(%arg10 : memref<128x16xf32, #tpu.memory_space<vmem>>) target(%arg14 : memref<128x16xf32, #tpu.memory_space<vmem_shared>>) target_semaphore(%run_scoped3A_1002 : memref<!tpu.dma_semaphore, #tpu.memory_space<semaphore_mem>>)
        tpu.wait_dma2 semaphore(%run_scoped3A_1002 : memref<!tpu.dma_semaphore, #tpu.memory_space<semaphore_mem>>) src(%arg10 : memref<128x16xf32, #tpu.memory_space<vmem>>) dst(%arg14 : memref<128x16xf32, #tpu.memory_space<vmem_shared>>)
        tpu.yield
      }) : () -> ()
    } else {
    }
    %barrier3A = arith.constant 0 : index
    tpu.barrier barrier_id(%barrier3A)
    %broadcast_in_dim3A = arith.constant 6.250000e-02 : f32
    %broadcast_in_dim3A_10 = vector.broadcast %broadcast_in_dim3A : f32 to vector<16xf32>
    %scan3A_11 = arith.constant 0 : i32
    %scan3A_12 = arith.constant 0 : i32
    %scan3A_13 = arith.constant 128 : i32
    %scan3A_14 = arith.addi %scan3A_12, %scan3A_13 : i32
    %scan3A_15 = arith.constant 1 : i32
    scf.for %scan3A_1001 = %scan3A_12 to %scan3A_14 step %scan3A_15  : i32 {
      %swap3A = arith.index_cast %scan3A_1001 : i32 to index
      %swap3A_1002 = arith.constant 0 : index
      %swap3A_1003 = tpu.vector_load %arg10[%swap3A, %swap3A_1002] {strides = array<i32>} : memref<128x16xf32, #tpu.memory_space<vmem>>, vector<1x16xf32>,
      %swap3A_1004 = vector.shape_cast %swap3A_1003 : vector<1x16xf32> to vector<16xf32>
      %swap3A_1005 = vector.shape_cast %broadcast_in_dim3A_10 : vector<16xf32> to vector<1x16xf32>
      tpu.vector_store %arg10[%swap3A, %swap3A_1002], %swap3A_1005 {strides = array<i32>} : memref<128x16xf32, #tpu.memory_space<vmem>>, vector<1x16xf32>,
    }
    %scan3A_16 = arith.constant 128 : i32
    %add3A_17 = arith.constant 0 : i32
    %add3A_18 = arith.addi %mul3A_2, %add3A_17 : i32
    %dma_start3A = arith.constant 0 : i32
    %dma_start3A_19 = arith.constant 0 : i32
    %dma_start3A_20 = arith.constant 0 : i32
    %dma_start3A_21 = arith.constant 0 : i32
    %dma_start3A_22 = tpu.memref_slice %arg8[%dma_start3A, %dma_start3A_20, %dma_start3A_21] : memref<2x128x128xf32, #tpu.memory_space<vmem>> -> memref<1x128x128xf32, #tpu.memory_space<vmem>>
    %dma_start3A_23 = tpu.memref_squeeze %dma_start3A_22 : memref<1x128x128xf32, #tpu.memory_space<vmem>> -> memref<128x128xf32, #tpu.memory_space<vmem>>
    %dma_start3A_24 = arith.constant 0 : i32
    %dma_start3A_25 = tpu.memref_slice %arg2[%add3A_18, %dma_start3A_24] : memref<65536x128xf32, #tpu.memory_space<hbm>> -> memref<128x128xf32, #tpu.memory_space<hbm>>
    %dma_start3A_26 = tpu.memref_slice %arg15[%dma_start3A_19] : memref<2x!tpu.dma_semaphore, #tpu.memory_space<semaphore_mem>> -> memref<1x!tpu.dma_semaphore, #tpu.memory_space<semaphore_mem>>
    %dma_start3A_27 = tpu.memref_squeeze %dma_start3A_26 : memref<1x!tpu.dma_semaphore, #tpu.memory_space<semaphore_mem>> -> memref<!tpu.dma_semaphore, #tpu.memory_space<semaphore_mem>>
    %dma_start3A_28 = arith.constant 0 : i32
    %dma_start3A_29 = arith.constant 0 : i32
    %dma_start3A_30 = tpu.memref_slice %arg8[%dma_start3A, %dma_start3A_28, %dma_start3A_29] : memref<2x128x128xf32, #tpu.memory_space<vmem>> -> memref<1x128x128xf32, #tpu.memory_space<vmem>>
    %dma_start3A_31 = tpu.memref_squeeze %dma_start3A_30 : memref<1x128x128xf32, #tpu.memory_space<vmem>> -> memref<128x128xf32, #tpu.memory_space<vmem>>
    %dma_start3A_32 = arith.constant 0 : i32
    %dma_start3A_33 = tpu.memref_slice %arg2[%add3A_18, %dma_start3A_32] : memref<65536x128xf32, #tpu.memory_space<hbm>> -> memref<128x128xf32, #tpu.memory_space<hbm>>
    tpu.enqueue_dma source(%dma_start3A_33 : memref<128x128xf32, #tpu.memory_space<hbm>>) target(%dma_start3A_31 : memref<128x128xf32, #tpu.memory_space<vmem>>) target_semaphore(%dma_start3A_27 : memref<!tpu.dma_semaphore, #tpu.memory_space<semaphore_mem>>)
    %dma_start3A_34 = arith.constant 0 : i32
    %dma_start3A_35 = arith.constant 0 : i32
    %dma_start3A_36 = arith.constant 0 : i32
    %dma_start3A_37 = tpu.memref_slice %arg9[%dma_start3A_34, %dma_start3A_36] : memref<16x128xi32, #tpu.memory_space<vmem>> -> memref<1x128xi32, #tpu.memory_space<vmem>>
    %dma_start3A_38 = tpu.memref_squeeze %dma_start3A_37 : memref<1x128xi32, #tpu.memory_space<vmem>> -> memref<128xi32, #tpu.memory_space<vmem>>
    %dma_start3A_39 = tpu.memref_slice %arg3[%add3A_18] : memref<65536xi32, #tpu.memory_space<hbm>> -> memref<128xi32, #tpu.memory_space<hbm>>
    %dma_start3A_40 = tpu.memref_slice %arg16[%dma_start3A_35] : memref<2x!tpu.dma_semaphore, #tpu.memory_space<semaphore_mem>> -> memref<1x!tpu.dma_semaphore, #tpu.memory_space<semaphore_mem>>
    %dma_start3A_41 = tpu.memref_squeeze %dma_start3A_40 : memref<1x!tpu.dma_semaphore, #tpu.memory_space<semaphore_mem>> -> memref<!tpu.dma_semaphore, #tpu.memory_space<semaphore_mem>>
    %dma_start3A_42 = arith.constant 0 : i32
    %dma_start3A_43 = tpu.memref_slice %arg9[%dma_start3A_34, %dma_start3A_42] : memref<16x128xi32, #tpu.memory_space<vmem>> -> memref<1x128xi32, #tpu.memory_space<vmem>>
    %dma_start3A_44 = tpu.memref_squeeze %dma_start3A_43 : memref<1x128xi32, #tpu.memory_space<vmem>> -> memref<128xi32, #tpu.memory_space<vmem>>
    %dma_start3A_45 = tpu.memref_slice %arg3[%add3A_18] : memref<65536xi32, #tpu.memory_space<hbm>> -> memref<128xi32, #tpu.memory_space<hbm>>
    tpu.enqueue_dma source(%dma_start3A_45 : memref<128xi32, #tpu.memory_space<hbm>>) target(%dma_start3A_44 : memref<128xi32, #tpu.memory_space<vmem>>) target_semaphore(%dma_start3A_41 : memref<!tpu.dma_semaphore, #tpu.memory_space<semaphore_mem>>)
    %add3A_46 = arith.constant 128 : i32
    %add3A_47 = arith.addi %mul3A_2, %add3A_46 : i32
    %dma_start3A_48 = arith.constant 1 : i32
    %dma_start3A_49 = arith.constant 1 : i32
    %dma_start3A_50 = arith.constant 0 : i32
    %dma_start3A_51 = arith.constant 0 : i32
    %dma_start3A_52 = tpu.memref_slice %arg8[%dma_start3A_48, %dma_start3A_50, %dma_start3A_51] : memref<2x128x128xf32, #tpu.memory_space<vmem>> -> memref<1x128x128xf32, #tpu.memory_space<vmem>>
    %dma_start3A_53 = tpu.memref_squeeze %dma_start3A_52 : memref<1x128x128xf32, #tpu.memory_space<vmem>> -> memref<128x128xf32, #tpu.memory_space<vmem>>
    %dma_start3A_54 = arith.constant 0 : i32
    %dma_start3A_55 = tpu.memref_slice %arg2[%add3A_47, %dma_start3A_54] : memref<65536x128xf32, #tpu.memory_space<hbm>> -> memref<128x128xf32, #tpu.memory_space<hbm>>
    %dma_start3A_56 = tpu.memref_slice %arg15[%dma_start3A_49] : memref<2x!tpu.dma_semaphore, #tpu.memory_space<semaphore_mem>> -> memref<1x!tpu.dma_semaphore, #tpu.memory_space<semaphore_mem>>
    %dma_start3A_57 = tpu.memref_squeeze %dma_start3A_56 : memref<1x!tpu.dma_semaphore, #tpu.memory_space<semaphore_mem>> -> memref<!tpu.dma_semaphore, #tpu.memory_space<semaphore_mem>>
    %dma_start3A_58 = arith.constant 0 : i32
    %dma_start3A_59 = arith.constant 0 : i32
    %dma_start3A_60 = tpu.memref_slice %arg8[%dma_start3A_48, %dma_start3A_58, %dma_start3A_59] : memref<2x128x128xf32, #tpu.memory_space<vmem>> -> memref<1x128x128xf32, #tpu.memory_space<vmem>>
    %dma_start3A_61 = tpu.memref_squeeze %dma_start3A_60 : memref<1x128x128xf32, #tpu.memory_space<vmem>> -> memref<128x128xf32, #tpu.memory_space<vmem>>
    %dma_start3A_62 = arith.constant 0 : i32
    %dma_start3A_63 = tpu.memref_slice %arg2[%add3A_47, %dma_start3A_62] : memref<65536x128xf32, #tpu.memory_space<hbm>> -> memref<128x128xf32, #tpu.memory_space<hbm>>
    tpu.enqueue_dma source(%dma_start3A_63 : memref<128x128xf32, #tpu.memory_space<hbm>>) target(%dma_start3A_61 : memref<128x128xf32, #tpu.memory_space<vmem>>) target_semaphore(%dma_start3A_57 : memref<!tpu.dma_semaphore, #tpu.memory_space<semaphore_mem>>)
    %dma_start3A_64 = arith.constant 1 : i32
    %dma_start3A_65 = arith.constant 1 : i32
    %dma_start3A_66 = arith.constant 0 : i32
    %dma_start3A_67 = tpu.memref_slice %arg9[%dma_start3A_64, %dma_start3A_66] : memref<16x128xi32, #tpu.memory_space<vmem>> -> memref<1x128xi32, #tpu.memory_space<vmem>>
    %dma_start3A_68 = tpu.memref_squeeze %dma_start3A_67 : memref<1x128xi32, #tpu.memory_space<vmem>> -> memref<128xi32, #tpu.memory_space<vmem>>
    %dma_start3A_69 = tpu.memref_slice %arg3[%add3A_47] : memref<65536xi32, #tpu.memory_space<hbm>> -> memref<128xi32, #tpu.memory_space<hbm>>
    %dma_start3A_70 = tpu.memref_slice %arg16[%dma_start3A_65] : memref<2x!tpu.dma_semaphore, #tpu.memory_space<semaphore_mem>> -> memref<1x!tpu.dma_semaphore, #tpu.memory_space<semaphore_mem>>
    %dma_start3A_71 = tpu.memref_squeeze %dma_start3A_70 : memref<1x!tpu.dma_semaphore, #tpu.memory_space<semaphore_mem>> -> memref<!tpu.dma_semaphore, #tpu.memory_space<semaphore_mem>>
    %dma_start3A_72 = arith.constant 0 : i32
    %dma_start3A_73 = tpu.memref_slice %arg9[%dma_start3A_64, %dma_start3A_72] : memref<16x128xi32, #tpu.memory_space<vmem>> -> memref<1x128xi32, #tpu.memory_space<vmem>>
    %dma_start3A_74 = tpu.memref_squeeze %dma_start3A_73 : memref<1x128xi32, #tpu.memory_space<vmem>> -> memref<128xi32, #tpu.memory_space<vmem>>
    %dma_start3A_75 = tpu.memref_slice %arg3[%add3A_47] : memref<65536xi32, #tpu.memory_space<hbm>> -> memref<128xi32, #tpu.memory_space<hbm>>
    tpu.enqueue_dma source(%dma_start3A_75 : memref<128xi32, #tpu.memory_space<hbm>>) target(%dma_start3A_74 : memref<128xi32, #tpu.memory_space<vmem>>) target_semaphore(%dma_start3A_71 : memref<!tpu.dma_semaphore, #tpu.memory_space<semaphore_mem>>)
    %dma_wait3A = arith.constant 0 : i32
    %dma_wait3A_76 = arith.constant 0 : i32
    %dma_wait3A_77 = arith.constant 0 : i32
    %dma_wait3A_78 = arith.constant 0 : i32
    %dma_wait3A_79 = tpu.memref_slice %arg8[%dma_wait3A, %dma_wait3A_77, %dma_wait3A_78] : memref<2x128x128xf32, #tpu.memory_space<vmem>> -> memref<1x128x128xf32, #tpu.memory_space<vmem>>
    %dma_wait3A_80 = tpu.memref_squeeze %dma_wait3A_79 : memref<1x128x128xf32, #tpu.memory_space<vmem>> -> memref<128x128xf32, #tpu.memory_space<vmem>>
    %dma_wait3A_81 = arith.constant 0 : i32
    %dma_wait3A_82 = tpu.memref_slice %arg2[%add3A_18, %dma_wait3A_81] : memref<65536x128xf32, #tpu.memory_space<hbm>> -> memref<128x128xf32, #tpu.memory_space<hbm>>
    %dma_wait3A_83 = tpu.memref_slice %arg15[%dma_wait3A_76] : memref<2x!tpu.dma_semaphore, #tpu.memory_space<semaphore_mem>> -> memref<1x!tpu.dma_semaphore, #tpu.memory_space<semaphore_mem>>
    %dma_wait3A_84 = tpu.memref_squeeze %dma_wait3A_83 : memref<1x!tpu.dma_semaphore, #tpu.memory_space<semaphore_mem>> -> memref<!tpu.dma_semaphore, #tpu.memory_space<semaphore_mem>>
    %dma_wait3A_85 = arith.constant 0 : i32
    %dma_wait3A_86 = arith.constant 0 : i32
    %dma_wait3A_87 = tpu.memref_slice %arg8[%dma_wait3A, %dma_wait3A_85, %dma_wait3A_86] : memref<2x128x128xf32, #tpu.memory_space<vmem>> -> memref<1x128x128xf32, #tpu.memory_space<vmem>>
    %dma_wait3A_88 = tpu.memref_squeeze %dma_wait3A_87 : memref<1x128x128xf32, #tpu.memory_space<vmem>> -> memref<128x128xf32, #tpu.memory_space<vmem>>
    %dma_wait3A_89 = arith.constant 0 : i32
    %dma_wait3A_90 = tpu.memref_slice %arg2[%add3A_18, %dma_wait3A_89] : memref<65536x128xf32, #tpu.memory_space<hbm>> -> memref<128x128xf32, #tpu.memory_space<hbm>>
    tpu.wait_dma2 semaphore(%dma_wait3A_84 : memref<!tpu.dma_semaphore, #tpu.memory_space<semaphore_mem>>) src(%dma_wait3A_90 : memref<128x128xf32, #tpu.memory_space<hbm>>) dst(%dma_wait3A_88 : memref<128x128xf32, #tpu.memory_space<vmem>>)
    %dma_wait3A_91 = arith.constant 0 : i32
    %dma_wait3A_92 = arith.constant 0 : i32
    %dma_wait3A_93 = arith.constant 0 : i32
    %dma_wait3A_94 = tpu.memref_slice %arg9[%dma_wait3A_91, %dma_wait3A_93] : memref<16x128xi32, #tpu.memory_space<vmem>> -> memref<1x128xi32, #tpu.memory_space<vmem>>
    %dma_wait3A_95 = tpu.memref_squeeze %dma_wait3A_94 : memref<1x128xi32, #tpu.memory_space<vmem>> -> memref<128xi32, #tpu.memory_space<vmem>>
    %dma_wait3A_96 = tpu.memref_slice %arg3[%add3A_18] : memref<65536xi32, #tpu.memory_space<hbm>> -> memref<128xi32, #tpu.memory_space<hbm>>
    %dma_wait3A_97 = tpu.memref_slice %arg16[%dma_wait3A_92] : memref<2x!tpu.dma_semaphore, #tpu.memory_space<semaphore_mem>> -> memref<1x!tpu.dma_semaphore, #tpu.memory_space<semaphore_mem>>
    %dma_wait3A_98 = tpu.memref_squeeze %dma_wait3A_97 : memref<1x!tpu.dma_semaphore, #tpu.memory_space<semaphore_mem>> -> memref<!tpu.dma_semaphore, #tpu.memory_space<semaphore_mem>>
    %dma_wait3A_99 = arith.constant 0 : i32
    %dma_wait3A_100 = tpu.memref_slice %arg9[%dma_wait3A_91, %dma_wait3A_99] : memref<16x128xi32, #tpu.memory_space<vmem>> -> memref<1x128xi32, #tpu.memory_space<vmem>>
    %dma_wait3A_101 = tpu.memref_squeeze %dma_wait3A_100 : memref<1x128xi32, #tpu.memory_space<vmem>> -> memref<128xi32, #tpu.memory_space<vmem>>
    %dma_wait3A_102 = tpu.memref_slice %arg3[%add3A_18] : memref<65536xi32, #tpu.memory_space<hbm>> -> memref<128xi32, #tpu.memory_space<hbm>>
    tpu.wait_dma2 semaphore(%dma_wait3A_98 : memref<!tpu.dma_semaphore, #tpu.memory_space<semaphore_mem>>) src(%dma_wait3A_102 : memref<128xi32, #tpu.memory_space<hbm>>) dst(%dma_wait3A_101 : memref<128xi32, #tpu.memory_space<vmem>>)
    %run_scoped3A = arith.constant 0 : i32
    %run_scoped3A_103 = arith.constant 0 : i32
    "tpu.region"() ({
      %run_scoped3A_1001 = tpu.sem_alloc : memref<!tpu.dma_semaphore, #tpu.memory_space<semaphore_mem>>
      %dma_start3A_1002 = arith.constant 0 : i32
      %dma_start3A_1003 = arith.constant 0 : i32
      %dma_start3A_1004 = tpu.memref_slice %arg8[%run_scoped3A, %dma_start3A_1002, %dma_start3A_1003] : memref<2x128x128xf32, #tpu.memory_space<vmem>> -> memref<1x128x128xf32, #tpu.memory_space<vmem>>
      %dma_start3A_1005 = tpu.memref_squeeze %dma_start3A_1004 : memref<1x128x128xf32, #tpu.memory_space<vmem>> -> memref<128x128xf32, #tpu.memory_space<vmem>>
      %dma_start3A_1006 = arith.constant 0 : i32
      %dma_start3A_1007 = tpu.memref_slice %arg9[%run_scoped3A_103, %dma_start3A_1006] : memref<16x128xi32, #tpu.memory_space<vmem>> -> memref<1x128xi32, #tpu.memory_space<vmem>>
      %dma_start3A_1008 = tpu.memref_squeeze %dma_start3A_1007 : memref<1x128xi32, #tpu.memory_space<vmem>> -> memref<128xi32, #tpu.memory_space<vmem>>
      %dma_start3A_1009 = arith.constant 0 : i32
      %dma_start3A_1010 = arith.constant 0 : i32
      %dma_start3A_1011 = tpu.memref_slice %arg13[%dma_start3A_1009, %dma_start3A_1010] : memref<128x128xf32, #tpu.memory_space<vmem_shared>> -> memref<128x128xf32, #tpu.memory_space<vmem_shared>>
      tpu.enqueue_indirect_dma source(%dma_start3A_1005 : memref<128x128xf32, #tpu.memory_space<vmem>>) target(%dma_start3A_1011 : memref<128x128xf32, #tpu.memory_space<vmem_shared>>) offsets(%dma_start3A_1008 : memref<128xi32, #tpu.memory_space<vmem>>) semaphore(%run_scoped3A_1001 : memref<!tpu.dma_semaphore, #tpu.memory_space<semaphore_mem>>) {add = true}
      %dma_wait3A_1012 = arith.constant 0 : i32
      %dma_wait3A_1013 = arith.constant 0 : i32
      %dma_wait3A_1014 = tpu.memref_slice %arg8[%run_scoped3A, %dma_wait3A_1012, %dma_wait3A_1013] : memref<2x128x128xf32, #tpu.memory_space<vmem>> -> memref<1x128x128xf32, #tpu.memory_space<vmem>>
      %dma_wait3A_1015 = tpu.memref_squeeze %dma_wait3A_1014 : memref<1x128x128xf32, #tpu.memory_space<vmem>> -> memref<128x128xf32, #tpu.memory_space<vmem>>
      %dma_wait3A_1016 = arith.constant 0 : i32
      %dma_wait3A_1017 = tpu.memref_slice %arg9[%run_scoped3A_103, %dma_wait3A_1016] : memref<16x128xi32, #tpu.memory_space<vmem>> -> memref<1x128xi32, #tpu.memory_space<vmem>>
      %dma_wait3A_1018 = tpu.memref_squeeze %dma_wait3A_1017 : memref<1x128xi32, #tpu.memory_space<vmem>> -> memref<128xi32, #tpu.memory_space<vmem>>
      %dma_wait3A_1019 = arith.constant 0 : i32
      %dma_wait3A_1020 = arith.constant 0 : i32
      %dma_wait3A_1021 = tpu.memref_slice %arg13[%dma_wait3A_1019, %dma_wait3A_1020] : memref<128x128xf32, #tpu.memory_space<vmem_shared>> -> memref<128x128xf32, #tpu.memory_space<vmem_shared>>
      tpu.wait_indirect_dma semaphore(%run_scoped3A_1001 : memref<!tpu.dma_semaphore, #tpu.memory_space<semaphore_mem>>) src(%dma_wait3A_1015 : memref<128x128xf32, #tpu.memory_space<vmem>>) dst(%dma_wait3A_1021 : memref<128x128xf32, #tpu.memory_space<vmem_shared>>)
      tpu.yield
    }) : () -> ()
    %run_scoped3A_104 = arith.constant 0 : i32
    "tpu.region"() ({
      %run_scoped3A_1001 = tpu.sem_alloc : memref<!tpu.dma_semaphore, #tpu.memory_space<semaphore_mem>>
      %dma_start3A_1002 = arith.constant 0 : i32
      %dma_start3A_1003 = tpu.memref_slice %arg9[%run_scoped3A_104, %dma_start3A_1002] : memref<16x128xi32, #tpu.memory_space<vmem>> -> memref<1x128xi32, #tpu.memory_space<vmem>>
      %dma_start3A_1004 = tpu.memref_squeeze %dma_start3A_1003 : memref<1x128xi32, #tpu.memory_space<vmem>> -> memref<128xi32, #tpu.memory_space<vmem>>
      %dma_start3A_1005 = arith.constant 0 : i32
      %dma_start3A_1006 = arith.constant 0 : i32
      %dma_start3A_1007 = tpu.memref_slice %arg14[%dma_start3A_1005, %dma_start3A_1006] : memref<128x16xf32, #tpu.memory_space<vmem_shared>> -> memref<128x16xf32, #tpu.memory_space<vmem_shared>>
      tpu.enqueue_indirect_dma source(%arg10 : memref<128x16xf32, #tpu.memory_space<vmem>>) target(%dma_start3A_1007 : memref<128x16xf32, #tpu.memory_space<vmem_shared>>) offsets(%dma_start3A_1004 : memref<128xi32, #tpu.memory_space<vmem>>) semaphore(%run_scoped3A_1001 : memref<!tpu.dma_semaphore, #tpu.memory_space<semaphore_mem>>) {add = true}
      %dma_wait3A_1008 = arith.constant 0 : i32
      %dma_wait3A_1009 = tpu.memref_slice %arg9[%run_scoped3A_104, %dma_wait3A_1008] : memref<16x128xi32, #tpu.memory_space<vmem>> -> memref<1x128xi32, #tpu.memory_space<vmem>>
      %dma_wait3A_1010 = tpu.memref_squeeze %dma_wait3A_1009 : memref<1x128xi32, #tpu.memory_space<vmem>> -> memref<128xi32, #tpu.memory_space<vmem>>
      %dma_wait3A_1011 = arith.constant 0 : i32
      %dma_wait3A_1012 = arith.constant 0 : i32
      %dma_wait3A_1013 = tpu.memref_slice %arg14[%dma_wait3A_1011, %dma_wait3A_1012] : memref<128x16xf32, #tpu.memory_space<vmem_shared>> -> memref<128x16xf32, #tpu.memory_space<vmem_shared>>
      tpu.wait_indirect_dma semaphore(%run_scoped3A_1001 : memref<!tpu.dma_semaphore, #tpu.memory_space<semaphore_mem>>) src(%arg10 : memref<128x16xf32, #tpu.memory_space<vmem>>) dst(%dma_wait3A_1013 : memref<128x16xf32, #tpu.memory_space<vmem_shared>>)
      tpu.yield
    }) : () -> ()
    %add3A_105 = arith.constant 256 : i32
    %add3A_106 = arith.addi %mul3A_2, %add3A_105 : i32
    %dma_start3A_107 = arith.constant 0 : i32
    %dma_start3A_108 = arith.constant 0 : i32
    %dma_start3A_109 = arith.constant 0 : i32
    %dma_start3A_110 = arith.constant 0 : i32
    %dma_start3A_111 = tpu.memref_slice %arg8[%dma_start3A_107, %dma_start3A_109, %dma_start3A_110] : memref<2x128x128xf32, #tpu.memory_space<vmem>> -> memref<1x128x128xf32, #tpu.memory_space<vmem>>
    %dma_start3A_112 = tpu.memref_squeeze %dma_start3A_111 : memref<1x128x128xf32, #tpu.memory_space<vmem>> -> memref<128x128xf32, #tpu.memory_space<vmem>>
    %dma_start3A_113 = arith.constant 0 : i32
    %dma_start3A_114 = tpu.memref_slice %arg2[%add3A_106, %dma_start3A_113] : memref<65536x128xf32, #tpu.memory_space<hbm>> -> memref<128x128xf32, #tpu.memory_space<hbm>>
    %dma_start3A_115 = tpu.memref_slice %arg15[%dma_start3A_108] : memref<2x!tpu.dma_semaphore, #tpu.memory_space<semaphore_mem>> -> memref<1x!tpu.dma_semaphore, #tpu.memory_space<semaphore_mem>>
    %dma_start3A_116 = tpu.memref_squeeze %dma_start3A_115 : memref<1x!tpu.dma_semaphore, #tpu.memory_space<semaphore_mem>> -> memref<!tpu.dma_semaphore, #tpu.memory_space<semaphore_mem>>
    %dma_start3A_117 = arith.constant 0 : i32
    %dma_start3A_118 = arith.constant 0 : i32
    %dma_start3A_119 = tpu.memref_slice %arg8[%dma_start3A_107, %dma_start3A_117, %dma_start3A_118] : memref<2x128x128xf32, #tpu.memory_space<vmem>> -> memref<1x128x128xf32, #tpu.memory_space<vmem>>
    %dma_start3A_120 = tpu.memref_squeeze %dma_start3A_119 : memref<1x128x128xf32, #tpu.memory_space<vmem>> -> memref<128x128xf32, #tpu.memory_space<vmem>>
    %dma_start3A_121 = arith.constant 0 : i32
    %dma_start3A_122 = tpu.memref_slice %arg2[%add3A_106, %dma_start3A_121] : memref<65536x128xf32, #tpu.memory_space<hbm>> -> memref<128x128xf32, #tpu.memory_space<hbm>>
    tpu.enqueue_dma source(%dma_start3A_122 : memref<128x128xf32, #tpu.memory_space<hbm>>) target(%dma_start3A_120 : memref<128x128xf32, #tpu.memory_space<vmem>>) target_semaphore(%dma_start3A_116 : memref<!tpu.dma_semaphore, #tpu.memory_space<semaphore_mem>>)
    %dma_start3A_123 = arith.constant 2 : i32
    %dma_start3A_124 = arith.constant 0 : i32
    %dma_start3A_125 = arith.constant 0 : i32
    %dma_start3A_126 = tpu.memref_slice %arg9[%dma_start3A_123, %dma_start3A_125] : memref<16x128xi32, #tpu.memory_space<vmem>> -> memref<1x128xi32, #tpu.memory_space<vmem>>
    %dma_start3A_127 = tpu.memref_squeeze %dma_start3A_126 : memref<1x128xi32, #tpu.memory_space<vmem>> -> memref<128xi32, #tpu.memory_space<vmem>>
    %dma_start3A_128 = tpu.memref_slice %arg3[%add3A_106] : memref<65536xi32, #tpu.memory_space<hbm>> -> memref<128xi32, #tpu.memory_space<hbm>>
    %dma_start3A_129 = tpu.memref_slice %arg16[%dma_start3A_124] : memref<2x!tpu.dma_semaphore, #tpu.memory_space<semaphore_mem>> -> memref<1x!tpu.dma_semaphore, #tpu.memory_space<semaphore_mem>>
    %dma_start3A_130 = tpu.memref_squeeze %dma_start3A_129 : memref<1x!tpu.dma_semaphore, #tpu.memory_space<semaphore_mem>> -> memref<!tpu.dma_semaphore, #tpu.memory_space<semaphore_mem>>
    %dma_start3A_131 = arith.constant 0 : i32
    %dma_start3A_132 = tpu.memref_slice %arg9[%dma_start3A_123, %dma_start3A_131] : memref<16x128xi32, #tpu.memory_space<vmem>> -> memref<1x128xi32, #tpu.memory_space<vmem>>
    %dma_start3A_133 = tpu.memref_squeeze %dma_start3A_132 : memref<1x128xi32, #tpu.memory_space<vmem>> -> memref<128xi32, #tpu.memory_space<vmem>>
    %dma_start3A_134 = tpu.memref_slice %arg3[%add3A_106] : memref<65536xi32, #tpu.memory_space<hbm>> -> memref<128xi32, #tpu.memory_space<hbm>>
    tpu.enqueue_dma source(%dma_start3A_134 : memref<128xi32, #tpu.memory_space<hbm>>) target(%dma_start3A_133 : memref<128xi32, #tpu.memory_space<vmem>>) target_semaphore(%dma_start3A_130 : memref<!tpu.dma_semaphore, #tpu.memory_space<semaphore_mem>>)
    %dma_wait3A_135 = arith.constant 1 : i32
    %dma_wait3A_136 = arith.constant 1 : i32
    %dma_wait3A_137 = arith.constant 0 : i32
    %dma_wait3A_138 = arith.constant 0 : i32
    %dma_wait3A_139 = tpu.memref_slice %arg8[%dma_wait3A_135, %dma_wait3A_137, %dma_wait3A_138] : memref<2x128x128xf32, #tpu.memory_space<vmem>> -> memref<1x128x128xf32, #tpu.memory_space<vmem>>
    %dma_wait3A_140 = tpu.memref_squeeze %dma_wait3A_139 : memref<1x128x128xf32, #tpu.memory_space<vmem>> -> memref<128x128xf32, #tpu.memory_space<vmem>>
    %dma_wait3A_141 = arith.constant 0 : i32
    %dma_wait3A_142 = tpu.memref_slice %arg2[%add3A_47, %dma_wait3A_141] : memref<65536x128xf32, #tpu.memory_space<hbm>> -> memref<128x128xf32, #tpu.memory_space<hbm>>
    %dma_wait3A_143 = tpu.memref_slice %arg15[%dma_wait3A_136] : memref<2x!tpu.dma_semaphore, #tpu.memory_space<semaphore_mem>> -> memref<1x!tpu.dma_semaphore, #tpu.memory_space<semaphore_mem>>
    %dma_wait3A_144 = tpu.memref_squeeze %dma_wait3A_143 : memref<1x!tpu.dma_semaphore, #tpu.memory_space<semaphore_mem>> -> memref<!tpu.dma_semaphore, #tpu.memory_space<semaphore_mem>>
    %dma_wait3A_145 = arith.constant 0 : i32
    %dma_wait3A_146 = arith.constant 0 : i32
    %dma_wait3A_147 = tpu.memref_slice %arg8[%dma_wait3A_135, %dma_wait3A_145, %dma_wait3A_146] : memref<2x128x128xf32, #tpu.memory_space<vmem>> -> memref<1x128x128xf32, #tpu.memory_space<vmem>>
    %dma_wait3A_148 = tpu.memref_squeeze %dma_wait3A_147 : memref<1x128x128xf32, #tpu.memory_space<vmem>> -> memref<128x128xf32, #tpu.memory_space<vmem>>
    %dma_wait3A_149 = arith.constant 0 : i32
    %dma_wait3A_150 = tpu.memref_slice %arg2[%add3A_47, %dma_wait3A_149] : memref<65536x128xf32, #tpu.memory_space<hbm>> -> memref<128x128xf32, #tpu.memory_space<hbm>>
    tpu.wait_dma2 semaphore(%dma_wait3A_144 : memref<!tpu.dma_semaphore, #tpu.memory_space<semaphore_mem>>) src(%dma_wait3A_150 : memref<128x128xf32, #tpu.memory_space<hbm>>) dst(%dma_wait3A_148 : memref<128x128xf32, #tpu.memory_space<vmem>>)
    %dma_wait3A_151 = arith.constant 1 : i32
    %dma_wait3A_152 = arith.constant 1 : i32
    %dma_wait3A_153 = arith.constant 0 : i32
    %dma_wait3A_154 = tpu.memref_slice %arg9[%dma_wait3A_151, %dma_wait3A_153] : memref<16x128xi32, #tpu.memory_space<vmem>> -> memref<1x128xi32, #tpu.memory_space<vmem>>
    %dma_wait3A_155 = tpu.memref_squeeze %dma_wait3A_154 : memref<1x128xi32, #tpu.memory_space<vmem>> -> memref<128xi32, #tpu.memory_space<vmem>>
    %dma_wait3A_156 = tpu.memref_slice %arg3[%add3A_47] : memref<65536xi32, #tpu.memory_space<hbm>> -> memref<128xi32, #tpu.memory_space<hbm>>
    %dma_wait3A_157 = tpu.memref_slice %arg16[%dma_wait3A_152] : memref<2x!tpu.dma_semaphore, #tpu.memory_space<semaphore_mem>> -> memref<1x!tpu.dma_semaphore, #tpu.memory_space<semaphore_mem>>
    %dma_wait3A_158 = tpu.memref_squeeze %dma_wait3A_157 : memref<1x!tpu.dma_semaphore, #tpu.memory_space<semaphore_mem>> -> memref<!tpu.dma_semaphore, #tpu.memory_space<semaphore_mem>>
    %dma_wait3A_159 = arith.constant 0 : i32
    %dma_wait3A_160 = tpu.memref_slice %arg9[%dma_wait3A_151, %dma_wait3A_159] : memref<16x128xi32, #tpu.memory_space<vmem>> -> memref<1x128xi32, #tpu.memory_space<vmem>>
    %dma_wait3A_161 = tpu.memref_squeeze %dma_wait3A_160 : memref<1x128xi32, #tpu.memory_space<vmem>> -> memref<128xi32, #tpu.memory_space<vmem>>
    %dma_wait3A_162 = tpu.memref_slice %arg3[%add3A_47] : memref<65536xi32, #tpu.memory_space<hbm>> -> memref<128xi32, #tpu.memory_space<hbm>>
    tpu.wait_dma2 semaphore(%dma_wait3A_158 : memref<!tpu.dma_semaphore, #tpu.memory_space<semaphore_mem>>) src(%dma_wait3A_162 : memref<128xi32, #tpu.memory_space<hbm>>) dst(%dma_wait3A_161 : memref<128xi32, #tpu.memory_space<vmem>>)
    %run_scoped3A_163 = arith.constant 1 : i32
    %run_scoped3A_164 = arith.constant 1 : i32
    "tpu.region"() ({
      %run_scoped3A_1001 = tpu.sem_alloc : memref<!tpu.dma_semaphore, #tpu.memory_space<semaphore_mem>>
      %dma_start3A_1002 = arith.constant 0 : i32
      %dma_start3A_1003 = arith.constant 0 : i32
      %dma_start3A_1004 = tpu.memref_slice %arg8[%run_scoped3A_163, %dma_start3A_1002, %dma_start3A_1003] : memref<2x128x128xf32, #tpu.memory_space<vmem>> -> memref<1x128x128xf32, #tpu.memory_space<vmem>>
      %dma_start3A_1005 = tpu.memref_squeeze %dma_start3A_1004 : memref<1x128x128xf32, #tpu.memory_space<vmem>> -> memref<128x128xf32, #tpu.memory_space<vmem>>
      %dma_start3A_1006 = arith.constant 0 : i32
      %dma_start3A_1007 = tpu.memref_slice %arg9[%run_scoped3A_164, %dma_start3A_1006] : memref<16x128xi32, #tpu.memory_space<vmem>> -> memref<1x128xi32, #tpu.memory_space<vmem>>
      %dma_start3A_1008 = tpu.memref_squeeze %dma_start3A_1007 : memref<1x128xi32, #tpu.memory_space<vmem>> -> memref<128xi32, #tpu.memory_space<vmem>>
      %dma_start3A_1009 = arith.constant 0 : i32
      %dma_start3A_1010 = arith.constant 0 : i32
      %dma_start3A_1011 = tpu.memref_slice %arg13[%dma_start3A_1009, %dma_start3A_1010] : memref<128x128xf32, #tpu.memory_space<vmem_shared>> -> memref<128x128xf32, #tpu.memory_space<vmem_shared>>
      tpu.enqueue_indirect_dma source(%dma_start3A_1005 : memref<128x128xf32, #tpu.memory_space<vmem>>) target(%dma_start3A_1011 : memref<128x128xf32, #tpu.memory_space<vmem_shared>>) offsets(%dma_start3A_1008 : memref<128xi32, #tpu.memory_space<vmem>>) semaphore(%run_scoped3A_1001 : memref<!tpu.dma_semaphore, #tpu.memory_space<semaphore_mem>>) {add = true}
      %dma_wait3A_1012 = arith.constant 0 : i32
      %dma_wait3A_1013 = arith.constant 0 : i32
      %dma_wait3A_1014 = tpu.memref_slice %arg8[%run_scoped3A_163, %dma_wait3A_1012, %dma_wait3A_1013] : memref<2x128x128xf32, #tpu.memory_space<vmem>> -> memref<1x128x128xf32, #tpu.memory_space<vmem>>
      %dma_wait3A_1015 = tpu.memref_squeeze %dma_wait3A_1014 : memref<1x128x128xf32, #tpu.memory_space<vmem>> -> memref<128x128xf32, #tpu.memory_space<vmem>>
      %dma_wait3A_1016 = arith.constant 0 : i32
      %dma_wait3A_1017 = tpu.memref_slice %arg9[%run_scoped3A_164, %dma_wait3A_1016] : memref<16x128xi32, #tpu.memory_space<vmem>> -> memref<1x128xi32, #tpu.memory_space<vmem>>
      %dma_wait3A_1018 = tpu.memref_squeeze %dma_wait3A_1017 : memref<1x128xi32, #tpu.memory_space<vmem>> -> memref<128xi32, #tpu.memory_space<vmem>>
      %dma_wait3A_1019 = arith.constant 0 : i32
      %dma_wait3A_1020 = arith.constant 0 : i32
      %dma_wait3A_1021 = tpu.memref_slice %arg13[%dma_wait3A_1019, %dma_wait3A_1020] : memref<128x128xf32, #tpu.memory_space<vmem_shared>> -> memref<128x128xf32, #tpu.memory_space<vmem_shared>>
      tpu.wait_indirect_dma semaphore(%run_scoped3A_1001 : memref<!tpu.dma_semaphore, #tpu.memory_space<semaphore_mem>>) src(%dma_wait3A_1015 : memref<128x128xf32, #tpu.memory_space<vmem>>) dst(%dma_wait3A_1021 : memref<128x128xf32, #tpu.memory_space<vmem_shared>>)
      tpu.yield
    }) : () -> ()
    %run_scoped3A_165 = arith.constant 1 : i32
    "tpu.region"() ({
      %run_scoped3A_1001 = tpu.sem_alloc : memref<!tpu.dma_semaphore, #tpu.memory_space<semaphore_mem>>
      %dma_start3A_1002 = arith.constant 0 : i32
      %dma_start3A_1003 = tpu.memref_slice %arg9[%run_scoped3A_165, %dma_start3A_1002] : memref<16x128xi32, #tpu.memory_space<vmem>> -> memref<1x128xi32, #tpu.memory_space<vmem>>
      %dma_start3A_1004 = tpu.memref_squeeze %dma_start3A_1003 : memref<1x128xi32, #tpu.memory_space<vmem>> -> memref<128xi32, #tpu.memory_space<vmem>>
      %dma_start3A_1005 = arith.constant 0 : i32
      %dma_start3A_1006 = arith.constant 0 : i32
      %dma_start3A_1007 = tpu.memref_slice %arg14[%dma_start3A_1005, %dma_start3A_1006] : memref<128x16xf32, #tpu.memory_space<vmem_shared>> -> memref<128x16xf32, #tpu.memory_space<vmem_shared>>
      tpu.enqueue_indirect_dma source(%arg10 : memref<128x16xf32, #tpu.memory_space<vmem>>) target(%dma_start3A_1007 : memref<128x16xf32, #tpu.memory_space<vmem_shared>>) offsets(%dma_start3A_1004 : memref<128xi32, #tpu.memory_space<vmem>>) semaphore(%run_scoped3A_1001 : memref<!tpu.dma_semaphore, #tpu.memory_space<semaphore_mem>>) {add = true}
      %dma_wait3A_1008 = arith.constant 0 : i32
      %dma_wait3A_1009 = tpu.memref_slice %arg9[%run_scoped3A_165, %dma_wait3A_1008] : memref<16x128xi32, #tpu.memory_space<vmem>> -> memref<1x128xi32, #tpu.memory_space<vmem>>
      %dma_wait3A_1010 = tpu.memref_squeeze %dma_wait3A_1009 : memref<1x128xi32, #tpu.memory_space<vmem>> -> memref<128xi32, #tpu.memory_space<vmem>>
      %dma_wait3A_1011 = arith.constant 0 : i32
      %dma_wait3A_1012 = arith.constant 0 : i32
      %dma_wait3A_1013 = tpu.memref_slice %arg14[%dma_wait3A_1011, %dma_wait3A_1012] : memref<128x16xf32, #tpu.memory_space<vmem_shared>> -> memref<128x16xf32, #tpu.memory_space<vmem_shared>>
      tpu.wait_indirect_dma semaphore(%run_scoped3A_1001 : memref<!tpu.dma_semaphore, #tpu.memory_space<semaphore_mem>>) src(%arg10 : memref<128x16xf32, #tpu.memory_space<vmem>>) dst(%dma_wait3A_1013 : memref<128x16xf32, #tpu.memory_space<vmem_shared>>)
      tpu.yield
    }) : () -> ()
    %add3A_166 = arith.constant 384 : i32
    %add3A_167 = arith.addi %mul3A_2, %add3A_166 : i32
    %dma_start3A_168 = arith.constant 1 : i32
    %dma_start3A_169 = arith.constant 1 : i32
    %dma_start3A_170 = arith.constant 0 : i32
    %dma_start3A_171 = arith.constant 0 : i32
    %dma_start3A_172 = tpu.memref_slice %arg8[%dma_start3A_168, %dma_start3A_170, %dma_start3A_171] : memref<2x128x128xf32, #tpu.memory_space<vmem>> -> memref<1x128x128xf32, #tpu.memory_space<vmem>>
    %dma_start3A_173 = tpu.memref_squeeze %dma_start3A_172 : memref<1x128x128xf32, #tpu.memory_space<vmem>> -> memref<128x128xf32, #tpu.memory_space<vmem>>
    %dma_start3A_174 = arith.constant 0 : i32
    %dma_start3A_175 = tpu.memref_slice %arg2[%add3A_167, %dma_start3A_174] : memref<65536x128xf32, #tpu.memory_space<hbm>> -> memref<128x128xf32, #tpu.memory_space<hbm>>
    %dma_start3A_176 = tpu.memref_slice %arg15[%dma_start3A_169] : memref<2x!tpu.dma_semaphore, #tpu.memory_space<semaphore_mem>> -> memref<1x!tpu.dma_semaphore, #tpu.memory_space<semaphore_mem>>
    %dma_start3A_177 = tpu.memref_squeeze %dma_start3A_176 : memref<1x!tpu.dma_semaphore, #tpu.memory_space<semaphore_mem>> -> memref<!tpu.dma_semaphore, #tpu.memory_space<semaphore_mem>>
    %dma_start3A_178 = arith.constant 0 : i32
    %dma_start3A_179 = arith.constant 0 : i32
    %dma_start3A_180 = tpu.memref_slice %arg8[%dma_start3A_168, %dma_start3A_178, %dma_start3A_179] : memref<2x128x128xf32, #tpu.memory_space<vmem>> -> memref<1x128x128xf32, #tpu.memory_space<vmem>>
    %dma_start3A_181 = tpu.memref_squeeze %dma_start3A_180 : memref<1x128x128xf32, #tpu.memory_space<vmem>> -> memref<128x128xf32, #tpu.memory_space<vmem>>
    %dma_start3A_182 = arith.constant 0 : i32
    %dma_start3A_183 = tpu.memref_slice %arg2[%add3A_167, %dma_start3A_182] : memref<65536x128xf32, #tpu.memory_space<hbm>> -> memref<128x128xf32, #tpu.memory_space<hbm>>
    tpu.enqueue_dma source(%dma_start3A_183 : memref<128x128xf32, #tpu.memory_space<hbm>>) target(%dma_start3A_181 : memref<128x128xf32, #tpu.memory_space<vmem>>) target_semaphore(%dma_start3A_177 : memref<!tpu.dma_semaphore, #tpu.memory_space<semaphore_mem>>)
    %dma_start3A_184 = arith.constant 3 : i32
    %dma_start3A_185 = arith.constant 1 : i32
    %dma_start3A_186 = arith.constant 0 : i32
    %dma_start3A_187 = tpu.memref_slice %arg9[%dma_start3A_184, %dma_start3A_186] : memref<16x128xi32, #tpu.memory_space<vmem>> -> memref<1x128xi32, #tpu.memory_space<vmem>>
    %dma_start3A_188 = tpu.memref_squeeze %dma_start3A_187 : memref<1x128xi32, #tpu.memory_space<vmem>> -> memref<128xi32, #tpu.memory_space<vmem>>
    %dma_start3A_189 = tpu.memref_slice %arg3[%add3A_167] : memref<65536xi32, #tpu.memory_space<hbm>> -> memref<128xi32, #tpu.memory_space<hbm>>
    %dma_start3A_190 = tpu.memref_slice %arg16[%dma_start3A_185] : memref<2x!tpu.dma_semaphore, #tpu.memory_space<semaphore_mem>> -> memref<1x!tpu.dma_semaphore, #tpu.memory_space<semaphore_mem>>
    %dma_start3A_191 = tpu.memref_squeeze %dma_start3A_190 : memref<1x!tpu.dma_semaphore, #tpu.memory_space<semaphore_mem>> -> memref<!tpu.dma_semaphore, #tpu.memory_space<semaphore_mem>>
    %dma_start3A_192 = arith.constant 0 : i32
    %dma_start3A_193 = tpu.memref_slice %arg9[%dma_start3A_184, %dma_start3A_192] : memref<16x128xi32, #tpu.memory_space<vmem>> -> memref<1x128xi32, #tpu.memory_space<vmem>>
    %dma_start3A_194 = tpu.memref_squeeze %dma_start3A_193 : memref<1x128xi32, #tpu.memory_space<vmem>> -> memref<128xi32, #tpu.memory_space<vmem>>
    %dma_start3A_195 = tpu.memref_slice %arg3[%add3A_167] : memref<65536xi32, #tpu.memory_space<hbm>> -> memref<128xi32, #tpu.memory_space<hbm>>
    tpu.enqueue_dma source(%dma_start3A_195 : memref<128xi32, #tpu.memory_space<hbm>>) target(%dma_start3A_194 : memref<128xi32, #tpu.memory_space<vmem>>) target_semaphore(%dma_start3A_191 : memref<!tpu.dma_semaphore, #tpu.memory_space<semaphore_mem>>)
    %dma_wait3A_196 = arith.constant 0 : i32
    %dma_wait3A_197 = arith.constant 0 : i32
    %dma_wait3A_198 = arith.constant 0 : i32
    %dma_wait3A_199 = arith.constant 0 : i32
    %dma_wait3A_200 = tpu.memref_slice %arg8[%dma_wait3A_196, %dma_wait3A_198, %dma_wait3A_199] : memref<2x128x128xf32, #tpu.memory_space<vmem>> -> memref<1x128x128xf32, #tpu.memory_space<vmem>>
    %dma_wait3A_201 = tpu.memref_squeeze %dma_wait3A_200 : memref<1x128x128xf32, #tpu.memory_space<vmem>> -> memref<128x128xf32, #tpu.memory_space<vmem>>
    %dma_wait3A_202 = arith.constant 0 : i32
    %dma_wait3A_203 = tpu.memref_slice %arg2[%add3A_106, %dma_wait3A_202] : memref<65536x128xf32, #tpu.memory_space<hbm>> -> memref<128x128xf32, #tpu.memory_space<hbm>>
    %dma_wait3A_204 = tpu.memref_slice %arg15[%dma_wait3A_197] : memref<2x!tpu.dma_semaphore, #tpu.memory_space<semaphore_mem>> -> memref<1x!tpu.dma_semaphore, #tpu.memory_space<semaphore_mem>>
    %dma_wait3A_205 = tpu.memref_squeeze %dma_wait3A_204 : memref<1x!tpu.dma_semaphore, #tpu.memory_space<semaphore_mem>> -> memref<!tpu.dma_semaphore, #tpu.memory_space<semaphore_mem>>
    %dma_wait3A_206 = arith.constant 0 : i32
    %dma_wait3A_207 = arith.constant 0 : i32
    %dma_wait3A_208 = tpu.memref_slice %arg8[%dma_wait3A_196, %dma_wait3A_206, %dma_wait3A_207] : memref<2x128x128xf32, #tpu.memory_space<vmem>> -> memref<1x128x128xf32, #tpu.memory_space<vmem>>
    %dma_wait3A_209 = tpu.memref_squeeze %dma_wait3A_208 : memref<1x128x128xf32, #tpu.memory_space<vmem>> -> memref<128x128xf32, #tpu.memory_space<vmem>>
    %dma_wait3A_210 = arith.constant 0 : i32
    %dma_wait3A_211 = tpu.memref_slice %arg2[%add3A_106, %dma_wait3A_210] : memref<65536x128xf32, #tpu.memory_space<hbm>> -> memref<128x128xf32, #tpu.memory_space<hbm>>
    tpu.wait_dma2 semaphore(%dma_wait3A_205 : memref<!tpu.dma_semaphore, #tpu.memory_space<semaphore_mem>>) src(%dma_wait3A_211 : memref<128x128xf32, #tpu.memory_space<hbm>>) dst(%dma_wait3A_209 : memref<128x128xf32, #tpu.memory_space<vmem>>)
    %dma_wait3A_212 = arith.constant 2 : i32
    %dma_wait3A_213 = arith.constant 0 : i32
    %dma_wait3A_214 = arith.constant 0 : i32
    %dma_wait3A_215 = tpu.memref_slice %arg9[%dma_wait3A_212, %dma_wait3A_214] : memref<16x128xi32, #tpu.memory_space<vmem>> -> memref<1x128xi32, #tpu.memory_space<vmem>>
    %dma_wait3A_216 = tpu.memref_squeeze %dma_wait3A_215 : memref<1x128xi32, #tpu.memory_space<vmem>> -> memref<128xi32, #tpu.memory_space<vmem>>
    %dma_wait3A_217 = tpu.memref_slice %arg3[%add3A_106] : memref<65536xi32, #tpu.memory_space<hbm>> -> memref<128xi32, #tpu.memory_space<hbm>>
    %dma_wait3A_218 = tpu.memref_slice %arg16[%dma_wait3A_213] : memref<2x!tpu.dma_semaphore, #tpu.memory_space<semaphore_mem>> -> memref<1x!tpu.dma_semaphore, #tpu.memory_space<semaphore_mem>>
    %dma_wait3A_219 = tpu.memref_squeeze %dma_wait3A_218 : memref<1x!tpu.dma_semaphore, #tpu.memory_space<semaphore_mem>> -> memref<!tpu.dma_semaphore, #tpu.memory_space<semaphore_mem>>
    %dma_wait3A_220 = arith.constant 0 : i32
    %dma_wait3A_221 = tpu.memref_slice %arg9[%dma_wait3A_212, %dma_wait3A_220] : memref<16x128xi32, #tpu.memory_space<vmem>> -> memref<1x128xi32, #tpu.memory_space<vmem>>
    %dma_wait3A_222 = tpu.memref_squeeze %dma_wait3A_221 : memref<1x128xi32, #tpu.memory_space<vmem>> -> memref<128xi32, #tpu.memory_space<vmem>>
    %dma_wait3A_223 = tpu.memref_slice %arg3[%add3A_106] : memref<65536xi32, #tpu.memory_space<hbm>> -> memref<128xi32, #tpu.memory_space<hbm>>
    tpu.wait_dma2 semaphore(%dma_wait3A_219 : memref<!tpu.dma_semaphore, #tpu.memory_space<semaphore_mem>>) src(%dma_wait3A_223 : memref<128xi32, #tpu.memory_space<hbm>>) dst(%dma_wait3A_222 : memref<128xi32, #tpu.memory_space<vmem>>)
    %run_scoped3A_224 = arith.constant 0 : i32
    %run_scoped3A_225 = arith.constant 2 : i32
    "tpu.region"() ({
      %run_scoped3A_1001 = tpu.sem_alloc : memref<!tpu.dma_semaphore, #tpu.memory_space<semaphore_mem>>
      %dma_start3A_1002 = arith.constant 0 : i32
      %dma_start3A_1003 = arith.constant 0 : i32
      %dma_start3A_1004 = tpu.memref_slice %arg8[%run_scoped3A_224, %dma_start3A_1002, %dma_start3A_1003] : memref<2x128x128xf32, #tpu.memory_space<vmem>> -> memref<1x128x128xf32, #tpu.memory_space<vmem>>
      %dma_start3A_1005 = tpu.memref_squeeze %dma_start3A_1004 : memref<1x128x128xf32, #tpu.memory_space<vmem>> -> memref<128x128xf32, #tpu.memory_space<vmem>>
      %dma_start3A_1006 = arith.constant 0 : i32
      %dma_start3A_1007 = tpu.memref_slice %arg9[%run_scoped3A_225, %dma_start3A_1006] : memref<16x128xi32, #tpu.memory_space<vmem>> -> memref<1x128xi32, #tpu.memory_space<vmem>>
      %dma_start3A_1008 = tpu.memref_squeeze %dma_start3A_1007 : memref<1x128xi32, #tpu.memory_space<vmem>> -> memref<128xi32, #tpu.memory_space<vmem>>
      %dma_start3A_1009 = arith.constant 0 : i32
      %dma_start3A_1010 = arith.constant 0 : i32
      %dma_start3A_1011 = tpu.memref_slice %arg13[%dma_start3A_1009, %dma_start3A_1010] : memref<128x128xf32, #tpu.memory_space<vmem_shared>> -> memref<128x128xf32, #tpu.memory_space<vmem_shared>>
      tpu.enqueue_indirect_dma source(%dma_start3A_1005 : memref<128x128xf32, #tpu.memory_space<vmem>>) target(%dma_start3A_1011 : memref<128x128xf32, #tpu.memory_space<vmem_shared>>) offsets(%dma_start3A_1008 : memref<128xi32, #tpu.memory_space<vmem>>) semaphore(%run_scoped3A_1001 : memref<!tpu.dma_semaphore, #tpu.memory_space<semaphore_mem>>) {add = true}
      %dma_wait3A_1012 = arith.constant 0 : i32
      %dma_wait3A_1013 = arith.constant 0 : i32
      %dma_wait3A_1014 = tpu.memref_slice %arg8[%run_scoped3A_224, %dma_wait3A_1012, %dma_wait3A_1013] : memref<2x128x128xf32, #tpu.memory_space<vmem>> -> memref<1x128x128xf32, #tpu.memory_space<vmem>>
      %dma_wait3A_1015 = tpu.memref_squeeze %dma_wait3A_1014 : memref<1x128x128xf32, #tpu.memory_space<vmem>> -> memref<128x128xf32, #tpu.memory_space<vmem>>
      %dma_wait3A_1016 = arith.constant 0 : i32
      %dma_wait3A_1017 = tpu.memref_slice %arg9[%run_scoped3A_225, %dma_wait3A_1016] : memref<16x128xi32, #tpu.memory_space<vmem>> -> memref<1x128xi32, #tpu.memory_space<vmem>>
      %dma_wait3A_1018 = tpu.memref_squeeze %dma_wait3A_1017 : memref<1x128xi32, #tpu.memory_space<vmem>> -> memref<128xi32, #tpu.memory_space<vmem>>
      %dma_wait3A_1019 = arith.constant 0 : i32
      %dma_wait3A_1020 = arith.constant 0 : i32
      %dma_wait3A_1021 = tpu.memref_slice %arg13[%dma_wait3A_1019, %dma_wait3A_1020] : memref<128x128xf32, #tpu.memory_space<vmem_shared>> -> memref<128x128xf32, #tpu.memory_space<vmem_shared>>
      tpu.wait_indirect_dma semaphore(%run_scoped3A_1001 : memref<!tpu.dma_semaphore, #tpu.memory_space<semaphore_mem>>) src(%dma_wait3A_1015 : memref<128x128xf32, #tpu.memory_space<vmem>>) dst(%dma_wait3A_1021 : memref<128x128xf32, #tpu.memory_space<vmem_shared>>)
      tpu.yield
    }) : () -> ()
    %run_scoped3A_226 = arith.constant 2 : i32
    "tpu.region"() ({
      %run_scoped3A_1001 = tpu.sem_alloc : memref<!tpu.dma_semaphore, #tpu.memory_space<semaphore_mem>>
      %dma_start3A_1002 = arith.constant 0 : i32
      %dma_start3A_1003 = tpu.memref_slice %arg9[%run_scoped3A_226, %dma_start3A_1002] : memref<16x128xi32, #tpu.memory_space<vmem>> -> memref<1x128xi32, #tpu.memory_space<vmem>>
      %dma_start3A_1004 = tpu.memref_squeeze %dma_start3A_1003 : memref<1x128xi32, #tpu.memory_space<vmem>> -> memref<128xi32, #tpu.memory_space<vmem>>
      %dma_start3A_1005 = arith.constant 0 : i32
      %dma_start3A_1006 = arith.constant 0 : i32
      %dma_start3A_1007 = tpu.memref_slice %arg14[%dma_start3A_1005, %dma_start3A_1006] : memref<128x16xf32, #tpu.memory_space<vmem_shared>> -> memref<128x16xf32, #tpu.memory_space<vmem_shared>>
      tpu.enqueue_indirect_dma source(%arg10 : memref<128x16xf32, #tpu.memory_space<vmem>>) target(%dma_start3A_1007 : memref<128x16xf32, #tpu.memory_space<vmem_shared>>) offsets(%dma_start3A_1004 : memref<128xi32, #tpu.memory_space<vmem>>) semaphore(%run_scoped3A_1001 : memref<!tpu.dma_semaphore, #tpu.memory_space<semaphore_mem>>) {add = true}
      %dma_wait3A_1008 = arith.constant 0 : i32
      %dma_wait3A_1009 = tpu.memref_slice %arg9[%run_scoped3A_226, %dma_wait3A_1008] : memref<16x128xi32, #tpu.memory_space<vmem>> -> memref<1x128xi32, #tpu.memory_space<vmem>>
      %dma_wait3A_1010 = tpu.memref_squeeze %dma_wait3A_1009 : memref<1x128xi32, #tpu.memory_space<vmem>> -> memref<128xi32, #tpu.memory_space<vmem>>
      %dma_wait3A_1011 = arith.constant 0 : i32
      %dma_wait3A_1012 = arith.constant 0 : i32
      %dma_wait3A_1013 = tpu.memref_slice %arg14[%dma_wait3A_1011, %dma_wait3A_1012] : memref<128x16xf32, #tpu.memory_space<vmem_shared>> -> memref<128x16xf32, #tpu.memory_space<vmem_shared>>
      tpu.wait_indirect_dma semaphore(%run_scoped3A_1001 : memref<!tpu.dma_semaphore, #tpu.memory_space<semaphore_mem>>) src(%arg10 : memref<128x16xf32, #tpu.memory_space<vmem>>) dst(%dma_wait3A_1013 : memref<128x16xf32, #tpu.memory_space<vmem_shared>>)
      tpu.yield
    }) : () -> ()
    %add3A_227 = arith.constant 512 : i32
    %add3A_228 = arith.addi %mul3A_2, %add3A_227 : i32
    %dma_start3A_229 = arith.constant 0 : i32
    %dma_start3A_230 = arith.constant 0 : i32
    %dma_start3A_231 = arith.constant 0 : i32
    %dma_start3A_232 = arith.constant 0 : i32
    %dma_start3A_233 = tpu.memref_slice %arg8[%dma_start3A_229, %dma_start3A_231, %dma_start3A_232] : memref<2x128x128xf32, #tpu.memory_space<vmem>> -> memref<1x128x128xf32, #tpu.memory_space<vmem>>
    %dma_start3A_234 = tpu.memref_squeeze %dma_start3A_233 : memref<1x128x128xf32, #tpu.memory_space<vmem>> -> memref<128x128xf32, #tpu.memory_space<vmem>>
    %dma_start3A_235 = arith.constant 0 : i32
    %dma_start3A_236 = tpu.memref_slice %arg2[%add3A_228, %dma_start3A_235] : memref<65536x128xf32, #tpu.memory_space<hbm>> -> memref<128x128xf32, #tpu.memory_space<hbm>>
    %dma_start3A_237 = tpu.memref_slice %arg15[%dma_start3A_230] : memref<2x!tpu.dma_semaphore, #tpu.memory_space<semaphore_mem>> -> memref<1x!tpu.dma_semaphore, #tpu.memory_space<semaphore_mem>>
    %dma_start3A_238 = tpu.memref_squeeze %dma_start3A_237 : memref<1x!tpu.dma_semaphore, #tpu.memory_space<semaphore_mem>> -> memref<!tpu.dma_semaphore, #tpu.memory_space<semaphore_mem>>
    %dma_start3A_239 = arith.constant 0 : i32
    %dma_start3A_240 = arith.constant 0 : i32
    %dma_start3A_241 = tpu.memref_slice %arg8[%dma_start3A_229, %dma_start3A_239, %dma_start3A_240] : memref<2x128x128xf32, #tpu.memory_space<vmem>> -> memref<1x128x128xf32, #tpu.memory_space<vmem>>
    %dma_start3A_242 = tpu.memref_squeeze %dma_start3A_241 : memref<1x128x128xf32, #tpu.memory_space<vmem>> -> memref<128x128xf32, #tpu.memory_space<vmem>>
    %dma_start3A_243 = arith.constant 0 : i32
    %dma_start3A_244 = tpu.memref_slice %arg2[%add3A_228, %dma_start3A_243] : memref<65536x128xf32, #tpu.memory_space<hbm>> -> memref<128x128xf32, #tpu.memory_space<hbm>>
    tpu.enqueue_dma source(%dma_start3A_244 : memref<128x128xf32, #tpu.memory_space<hbm>>) target(%dma_start3A_242 : memref<128x128xf32, #tpu.memory_space<vmem>>) target_semaphore(%dma_start3A_238 : memref<!tpu.dma_semaphore, #tpu.memory_space<semaphore_mem>>)
    %dma_start3A_245 = arith.constant 4 : i32
    %dma_start3A_246 = arith.constant 0 : i32
    %dma_start3A_247 = arith.constant 0 : i32
    %dma_start3A_248 = tpu.memref_slice %arg9[%dma_start3A_245, %dma_start3A_247] : memref<16x128xi32, #tpu.memory_space<vmem>> -> memref<1x128xi32, #tpu.memory_space<vmem>>
    %dma_start3A_249 = tpu.memref_squeeze %dma_start3A_248 : memref<1x128xi32, #tpu.memory_space<vmem>> -> memref<128xi32, #tpu.memory_space<vmem>>
    %dma_start3A_250 = tpu.memref_slice %arg3[%add3A_228] : memref<65536xi32, #tpu.memory_space<hbm>> -> memref<128xi32, #tpu.memory_space<hbm>>
    %dma_start3A_251 = tpu.memref_slice %arg16[%dma_start3A_246] : memref<2x!tpu.dma_semaphore, #tpu.memory_space<semaphore_mem>> -> memref<1x!tpu.dma_semaphore, #tpu.memory_space<semaphore_mem>>
    %dma_start3A_252 = tpu.memref_squeeze %dma_start3A_251 : memref<1x!tpu.dma_semaphore, #tpu.memory_space<semaphore_mem>> -> memref<!tpu.dma_semaphore, #tpu.memory_space<semaphore_mem>>
    %dma_start3A_253 = arith.constant 0 : i32
    %dma_start3A_254 = tpu.memref_slice %arg9[%dma_start3A_245, %dma_start3A_253] : memref<16x128xi32, #tpu.memory_space<vmem>> -> memref<1x128xi32, #tpu.memory_space<vmem>>
    %dma_start3A_255 = tpu.memref_squeeze %dma_start3A_254 : memref<1x128xi32, #tpu.memory_space<vmem>> -> memref<128xi32, #tpu.memory_space<vmem>>
    %dma_start3A_256 = tpu.memref_slice %arg3[%add3A_228] : memref<65536xi32, #tpu.memory_space<hbm>> -> memref<128xi32, #tpu.memory_space<hbm>>
    tpu.enqueue_dma source(%dma_start3A_256 : memref<128xi32, #tpu.memory_space<hbm>>) target(%dma_start3A_255 : memref<128xi32, #tpu.memory_space<vmem>>) target_semaphore(%dma_start3A_252 : memref<!tpu.dma_semaphore, #tpu.memory_space<semaphore_mem>>)
    %dma_wait3A_257 = arith.constant 1 : i32
    %dma_wait3A_258 = arith.constant 1 : i32
    %dma_wait3A_259 = arith.constant 0 : i32
    %dma_wait3A_260 = arith.constant 0 : i32
    %dma_wait3A_261 = tpu.memref_slice %arg8[%dma_wait3A_257, %dma_wait3A_259, %dma_wait3A_260] : memref<2x128x128xf32, #tpu.memory_space<vmem>> -> memref<1x128x128xf32, #tpu.memory_space<vmem>>
    %dma_wait3A_262 = tpu.memref_squeeze %dma_wait3A_261 : memref<1x128x128xf32, #tpu.memory_space<vmem>> -> memref<128x128xf32, #tpu.memory_space<vmem>>
    %dma_wait3A_263 = arith.constant 0 : i32
    %dma_wait3A_264 = tpu.memref_slice %arg2[%add3A_167, %dma_wait3A_263] : memref<65536x128xf32, #tpu.memory_space<hbm>> -> memref<128x128xf32, #tpu.memory_space<hbm>>
    %dma_wait3A_265 = tpu.memref_slice %arg15[%dma_wait3A_258] : memref<2x!tpu.dma_semaphore, #tpu.memory_space<semaphore_mem>> -> memref<1x!tpu.dma_semaphore, #tpu.memory_space<semaphore_mem>>
    %dma_wait3A_266 = tpu.memref_squeeze %dma_wait3A_265 : memref<1x!tpu.dma_semaphore, #tpu.memory_space<semaphore_mem>> -> memref<!tpu.dma_semaphore, #tpu.memory_space<semaphore_mem>>
    %dma_wait3A_267 = arith.constant 0 : i32
    %dma_wait3A_268 = arith.constant 0 : i32
    %dma_wait3A_269 = tpu.memref_slice %arg8[%dma_wait3A_257, %dma_wait3A_267, %dma_wait3A_268] : memref<2x128x128xf32, #tpu.memory_space<vmem>> -> memref<1x128x128xf32, #tpu.memory_space<vmem>>
    %dma_wait3A_270 = tpu.memref_squeeze %dma_wait3A_269 : memref<1x128x128xf32, #tpu.memory_space<vmem>> -> memref<128x128xf32, #tpu.memory_space<vmem>>
    %dma_wait3A_271 = arith.constant 0 : i32
    %dma_wait3A_272 = tpu.memref_slice %arg2[%add3A_167, %dma_wait3A_271] : memref<65536x128xf32, #tpu.memory_space<hbm>> -> memref<128x128xf32, #tpu.memory_space<hbm>>
    tpu.wait_dma2 semaphore(%dma_wait3A_266 : memref<!tpu.dma_semaphore, #tpu.memory_space<semaphore_mem>>) src(%dma_wait3A_272 : memref<128x128xf32, #tpu.memory_space<hbm>>) dst(%dma_wait3A_270 : memref<128x128xf32, #tpu.memory_space<vmem>>)
    %dma_wait3A_273 = arith.constant 3 : i32
    %dma_wait3A_274 = arith.constant 1 : i32
    %dma_wait3A_275 = arith.constant 0 : i32
    %dma_wait3A_276 = tpu.memref_slice %arg9[%dma_wait3A_273, %dma_wait3A_275] : memref<16x128xi32, #tpu.memory_space<vmem>> -> memref<1x128xi32, #tpu.memory_space<vmem>>
    %dma_wait3A_277 = tpu.memref_squeeze %dma_wait3A_276 : memref<1x128xi32, #tpu.memory_space<vmem>> -> memref<128xi32, #tpu.memory_space<vmem>>
    %dma_wait3A_278 = tpu.memref_slice %arg3[%add3A_167] : memref<65536xi32, #tpu.memory_space<hbm>> -> memref<128xi32, #tpu.memory_space<hbm>>
    %dma_wait3A_279 = tpu.memref_slice %arg16[%dma_wait3A_274] : memref<2x!tpu.dma_semaphore, #tpu.memory_space<semaphore_mem>> -> memref<1x!tpu.dma_semaphore, #tpu.memory_space<semaphore_mem>>
    %dma_wait3A_280 = tpu.memref_squeeze %dma_wait3A_279 : memref<1x!tpu.dma_semaphore, #tpu.memory_space<semaphore_mem>> -> memref<!tpu.dma_semaphore, #tpu.memory_space<semaphore_mem>>
    %dma_wait3A_281 = arith.constant 0 : i32
    %dma_wait3A_282 = tpu.memref_slice %arg9[%dma_wait3A_273, %dma_wait3A_281] : memref<16x128xi32, #tpu.memory_space<vmem>> -> memref<1x128xi32, #tpu.memory_space<vmem>>
    %dma_wait3A_283 = tpu.memref_squeeze %dma_wait3A_282 : memref<1x128xi32, #tpu.memory_space<vmem>> -> memref<128xi32, #tpu.memory_space<vmem>>
    %dma_wait3A_284 = tpu.memref_slice %arg3[%add3A_167] : memref<65536xi32, #tpu.memory_space<hbm>> -> memref<128xi32, #tpu.memory_space<hbm>>
    tpu.wait_dma2 semaphore(%dma_wait3A_280 : memref<!tpu.dma_semaphore, #tpu.memory_space<semaphore_mem>>) src(%dma_wait3A_284 : memref<128xi32, #tpu.memory_space<hbm>>) dst(%dma_wait3A_283 : memref<128xi32, #tpu.memory_space<vmem>>)
    %run_scoped3A_285 = arith.constant 1 : i32
    %run_scoped3A_286 = arith.constant 3 : i32
    "tpu.region"() ({
      %run_scoped3A_1001 = tpu.sem_alloc : memref<!tpu.dma_semaphore, #tpu.memory_space<semaphore_mem>>
      %dma_start3A_1002 = arith.constant 0 : i32
      %dma_start3A_1003 = arith.constant 0 : i32
      %dma_start3A_1004 = tpu.memref_slice %arg8[%run_scoped3A_285, %dma_start3A_1002, %dma_start3A_1003] : memref<2x128x128xf32, #tpu.memory_space<vmem>> -> memref<1x128x128xf32, #tpu.memory_space<vmem>>
      %dma_start3A_1005 = tpu.memref_squeeze %dma_start3A_1004 : memref<1x128x128xf32, #tpu.memory_space<vmem>> -> memref<128x128xf32, #tpu.memory_space<vmem>>
      %dma_start3A_1006 = arith.constant 0 : i32
      %dma_start3A_1007 = tpu.memref_slice %arg9[%run_scoped3A_286, %dma_start3A_1006] : memref<16x128xi32, #tpu.memory_space<vmem>> -> memref<1x128xi32, #tpu.memory_space<vmem>>
      %dma_start3A_1008 = tpu.memref_squeeze %dma_start3A_1007 : memref<1x128xi32, #tpu.memory_space<vmem>> -> memref<128xi32, #tpu.memory_space<vmem>>
      %dma_start3A_1009 = arith.constant 0 : i32
      %dma_start3A_1010 = arith.constant 0 : i32
      %dma_start3A_1011 = tpu.memref_slice %arg13[%dma_start3A_1009, %dma_start3A_1010] : memref<128x128xf32, #tpu.memory_space<vmem_shared>> -> memref<128x128xf32, #tpu.memory_space<vmem_shared>>
      tpu.enqueue_indirect_dma source(%dma_start3A_1005 : memref<128x128xf32, #tpu.memory_space<vmem>>) target(%dma_start3A_1011 : memref<128x128xf32, #tpu.memory_space<vmem_shared>>) offsets(%dma_start3A_1008 : memref<128xi32, #tpu.memory_space<vmem>>) semaphore(%run_scoped3A_1001 : memref<!tpu.dma_semaphore, #tpu.memory_space<semaphore_mem>>) {add = true}
      %dma_wait3A_1012 = arith.constant 0 : i32
      %dma_wait3A_1013 = arith.constant 0 : i32
      %dma_wait3A_1014 = tpu.memref_slice %arg8[%run_scoped3A_285, %dma_wait3A_1012, %dma_wait3A_1013] : memref<2x128x128xf32, #tpu.memory_space<vmem>> -> memref<1x128x128xf32, #tpu.memory_space<vmem>>
      %dma_wait3A_1015 = tpu.memref_squeeze %dma_wait3A_1014 : memref<1x128x128xf32, #tpu.memory_space<vmem>> -> memref<128x128xf32, #tpu.memory_space<vmem>>
      %dma_wait3A_1016 = arith.constant 0 : i32
      %dma_wait3A_1017 = tpu.memref_slice %arg9[%run_scoped3A_286, %dma_wait3A_1016] : memref<16x128xi32, #tpu.memory_space<vmem>> -> memref<1x128xi32, #tpu.memory_space<vmem>>
      %dma_wait3A_1018 = tpu.memref_squeeze %dma_wait3A_1017 : memref<1x128xi32, #tpu.memory_space<vmem>> -> memref<128xi32, #tpu.memory_space<vmem>>
      %dma_wait3A_1019 = arith.constant 0 : i32
      %dma_wait3A_1020 = arith.constant 0 : i32
      %dma_wait3A_1021 = tpu.memref_slice %arg13[%dma_wait3A_1019, %dma_wait3A_1020] : memref<128x128xf32, #tpu.memory_space<vmem_shared>> -> memref<128x128xf32, #tpu.memory_space<vmem_shared>>
      tpu.wait_indirect_dma semaphore(%run_scoped3A_1001 : memref<!tpu.dma_semaphore, #tpu.memory_space<semaphore_mem>>) src(%dma_wait3A_1015 : memref<128x128xf32, #tpu.memory_space<vmem>>) dst(%dma_wait3A_1021 : memref<128x128xf32, #tpu.memory_space<vmem_shared>>)
      tpu.yield
    }) : () -> ()
    %run_scoped3A_287 = arith.constant 3 : i32
    "tpu.region"() ({
      %run_scoped3A_1001 = tpu.sem_alloc : memref<!tpu.dma_semaphore, #tpu.memory_space<semaphore_mem>>
      %dma_start3A_1002 = arith.constant 0 : i32
      %dma_start3A_1003 = tpu.memref_slice %arg9[%run_scoped3A_287, %dma_start3A_1002] : memref<16x128xi32, #tpu.memory_space<vmem>> -> memref<1x128xi32, #tpu.memory_space<vmem>>
      %dma_start3A_1004 = tpu.memref_squeeze %dma_start3A_1003 : memref<1x128xi32, #tpu.memory_space<vmem>> -> memref<128xi32, #tpu.memory_space<vmem>>
      %dma_start3A_1005 = arith.constant 0 : i32
      %dma_start3A_1006 = arith.constant 0 : i32
      %dma_start3A_1007 = tpu.memref_slice %arg14[%dma_start3A_1005, %dma_start3A_1006] : memref<128x16xf32, #tpu.memory_space<vmem_shared>> -> memref<128x16xf32, #tpu.memory_space<vmem_shared>>
      tpu.enqueue_indirect_dma source(%arg10 : memref<128x16xf32, #tpu.memory_space<vmem>>) target(%dma_start3A_1007 : memref<128x16xf32, #tpu.memory_space<vmem_shared>>) offsets(%dma_start3A_1004 : memref<128xi32, #tpu.memory_space<vmem>>) semaphore(%run_scoped3A_1001 : memref<!tpu.dma_semaphore, #tpu.memory_space<semaphore_mem>>) {add = true}
      %dma_wait3A_1008 = arith.constant 0 : i32
      %dma_wait3A_1009 = tpu.memref_slice %arg9[%run_scoped3A_287, %dma_wait3A_1008] : memref<16x128xi32, #tpu.memory_space<vmem>> -> memref<1x128xi32, #tpu.memory_space<vmem>>
      %dma_wait3A_1010 = tpu.memref_squeeze %dma_wait3A_1009 : memref<1x128xi32, #tpu.memory_space<vmem>> -> memref<128xi32, #tpu.memory_space<vmem>>
      %dma_wait3A_1011 = arith.constant 0 : i32
      %dma_wait3A_1012 = arith.constant 0 : i32
      %dma_wait3A_1013 = tpu.memref_slice %arg14[%dma_wait3A_1011, %dma_wait3A_1012] : memref<128x16xf32, #tpu.memory_space<vmem_shared>> -> memref<128x16xf32, #tpu.memory_space<vmem_shared>>
      tpu.wait_indirect_dma semaphore(%run_scoped3A_1001 : memref<!tpu.dma_semaphore, #tpu.memory_space<semaphore_mem>>) src(%arg10 : memref<128x16xf32, #tpu.memory_space<vmem>>) dst(%dma_wait3A_1013 : memref<128x16xf32, #tpu.memory_space<vmem_shared>>)
      tpu.yield
    }) : () -> ()
    %add3A_288 = arith.constant 640 : i32
    %add3A_289 = arith.addi %mul3A_2, %add3A_288 : i32
    %dma_start3A_290 = arith.constant 1 : i32
    %dma_start3A_291 = arith.constant 1 : i32
    %dma_start3A_292 = arith.constant 0 : i32
    %dma_start3A_293 = arith.constant 0 : i32
    %dma_start3A_294 = tpu.memref_slice %arg8[%dma_start3A_290, %dma_start3A_292, %dma_start3A_293] : memref<2x128x128xf32, #tpu.memory_space<vmem>> -> memref<1x128x128xf32, #tpu.memory_space<vmem>>
    %dma_start3A_295 = tpu.memref_squeeze %dma_start3A_294 : memref<1x128x128xf32, #tpu.memory_space<vmem>> -> memref<128x128xf32, #tpu.memory_space<vmem>>
    %dma_start3A_296 = arith.constant 0 : i32
    %dma_start3A_297 = tpu.memref_slice %arg2[%add3A_289, %dma_start3A_296] : memref<65536x128xf32, #tpu.memory_space<hbm>> -> memref<128x128xf32, #tpu.memory_space<hbm>>
    %dma_start3A_298 = tpu.memref_slice %arg15[%dma_start3A_291] : memref<2x!tpu.dma_semaphore, #tpu.memory_space<semaphore_mem>> -> memref<1x!tpu.dma_semaphore, #tpu.memory_space<semaphore_mem>>
    %dma_start3A_299 = tpu.memref_squeeze %dma_start3A_298 : memref<1x!tpu.dma_semaphore, #tpu.memory_space<semaphore_mem>> -> memref<!tpu.dma_semaphore, #tpu.memory_space<semaphore_mem>>
    %dma_start3A_300 = arith.constant 0 : i32
    %dma_start3A_301 = arith.constant 0 : i32
    %dma_start3A_302 = tpu.memref_slice %arg8[%dma_start3A_290, %dma_start3A_300, %dma_start3A_301] : memref<2x128x128xf32, #tpu.memory_space<vmem>> -> memref<1x128x128xf32, #tpu.memory_space<vmem>>
    %dma_start3A_303 = tpu.memref_squeeze %dma_start3A_302 : memref<1x128x128xf32, #tpu.memory_space<vmem>> -> memref<128x128xf32, #tpu.memory_space<vmem>>
    %dma_start3A_304 = arith.constant 0 : i32
    %dma_start3A_305 = tpu.memref_slice %arg2[%add3A_289, %dma_start3A_304] : memref<65536x128xf32, #tpu.memory_space<hbm>> -> memref<128x128xf32, #tpu.memory_space<hbm>>
    tpu.enqueue_dma source(%dma_start3A_305 : memref<128x128xf32, #tpu.memory_space<hbm>>) target(%dma_start3A_303 : memref<128x128xf32, #tpu.memory_space<vmem>>) target_semaphore(%dma_start3A_299 : memref<!tpu.dma_semaphore, #tpu.memory_space<semaphore_mem>>)
    %dma_start3A_306 = arith.constant 5 : i32
    %dma_start3A_307 = arith.constant 1 : i32
    %dma_start3A_308 = arith.constant 0 : i32
    %dma_start3A_309 = tpu.memref_slice %arg9[%dma_start3A_306, %dma_start3A_308] : memref<16x128xi32, #tpu.memory_space<vmem>> -> memref<1x128xi32, #tpu.memory_space<vmem>>
    %dma_start3A_310 = tpu.memref_squeeze %dma_start3A_309 : memref<1x128xi32, #tpu.memory_space<vmem>> -> memref<128xi32, #tpu.memory_space<vmem>>
    %dma_start3A_311 = tpu.memref_slice %arg3[%add3A_289] : memref<65536xi32, #tpu.memory_space<hbm>> -> memref<128xi32, #tpu.memory_space<hbm>>
    %dma_start3A_312 = tpu.memref_slice %arg16[%dma_start3A_307] : memref<2x!tpu.dma_semaphore, #tpu.memory_space<semaphore_mem>> -> memref<1x!tpu.dma_semaphore, #tpu.memory_space<semaphore_mem>>
    %dma_start3A_313 = tpu.memref_squeeze %dma_start3A_312 : memref<1x!tpu.dma_semaphore, #tpu.memory_space<semaphore_mem>> -> memref<!tpu.dma_semaphore, #tpu.memory_space<semaphore_mem>>
    %dma_start3A_314 = arith.constant 0 : i32
    %dma_start3A_315 = tpu.memref_slice %arg9[%dma_start3A_306, %dma_start3A_314] : memref<16x128xi32, #tpu.memory_space<vmem>> -> memref<1x128xi32, #tpu.memory_space<vmem>>
    %dma_start3A_316 = tpu.memref_squeeze %dma_start3A_315 : memref<1x128xi32, #tpu.memory_space<vmem>> -> memref<128xi32, #tpu.memory_space<vmem>>
    %dma_start3A_317 = tpu.memref_slice %arg3[%add3A_289] : memref<65536xi32, #tpu.memory_space<hbm>> -> memref<128xi32, #tpu.memory_space<hbm>>
    tpu.enqueue_dma source(%dma_start3A_317 : memref<128xi32, #tpu.memory_space<hbm>>) target(%dma_start3A_316 : memref<128xi32, #tpu.memory_space<vmem>>) target_semaphore(%dma_start3A_313 : memref<!tpu.dma_semaphore, #tpu.memory_space<semaphore_mem>>)
    %dma_wait3A_318 = arith.constant 0 : i32
    %dma_wait3A_319 = arith.constant 0 : i32
    %dma_wait3A_320 = arith.constant 0 : i32
    %dma_wait3A_321 = arith.constant 0 : i32
    %dma_wait3A_322 = tpu.memref_slice %arg8[%dma_wait3A_318, %dma_wait3A_320, %dma_wait3A_321] : memref<2x128x128xf32, #tpu.memory_space<vmem>> -> memref<1x128x128xf32, #tpu.memory_space<vmem>>
    %dma_wait3A_323 = tpu.memref_squeeze %dma_wait3A_322 : memref<1x128x128xf32, #tpu.memory_space<vmem>> -> memref<128x128xf32, #tpu.memory_space<vmem>>
    %dma_wait3A_324 = arith.constant 0 : i32
    %dma_wait3A_325 = tpu.memref_slice %arg2[%add3A_228, %dma_wait3A_324] : memref<65536x128xf32, #tpu.memory_space<hbm>> -> memref<128x128xf32, #tpu.memory_space<hbm>>
    %dma_wait3A_326 = tpu.memref_slice %arg15[%dma_wait3A_319] : memref<2x!tpu.dma_semaphore, #tpu.memory_space<semaphore_mem>> -> memref<1x!tpu.dma_semaphore, #tpu.memory_space<semaphore_mem>>
    %dma_wait3A_327 = tpu.memref_squeeze %dma_wait3A_326 : memref<1x!tpu.dma_semaphore, #tpu.memory_space<semaphore_mem>> -> memref<!tpu.dma_semaphore, #tpu.memory_space<semaphore_mem>>
    %dma_wait3A_328 = arith.constant 0 : i32
    %dma_wait3A_329 = arith.constant 0 : i32
    %dma_wait3A_330 = tpu.memref_slice %arg8[%dma_wait3A_318, %dma_wait3A_328, %dma_wait3A_329] : memref<2x128x128xf32, #tpu.memory_space<vmem>> -> memref<1x128x128xf32, #tpu.memory_space<vmem>>
    %dma_wait3A_331 = tpu.memref_squeeze %dma_wait3A_330 : memref<1x128x128xf32, #tpu.memory_space<vmem>> -> memref<128x128xf32, #tpu.memory_space<vmem>>
    %dma_wait3A_332 = arith.constant 0 : i32
    %dma_wait3A_333 = tpu.memref_slice %arg2[%add3A_228, %dma_wait3A_332] : memref<65536x128xf32, #tpu.memory_space<hbm>> -> memref<128x128xf32, #tpu.memory_space<hbm>>
    tpu.wait_dma2 semaphore(%dma_wait3A_327 : memref<!tpu.dma_semaphore, #tpu.memory_space<semaphore_mem>>) src(%dma_wait3A_333 : memref<128x128xf32, #tpu.memory_space<hbm>>) dst(%dma_wait3A_331 : memref<128x128xf32, #tpu.memory_space<vmem>>)
    %dma_wait3A_334 = arith.constant 4 : i32
    %dma_wait3A_335 = arith.constant 0 : i32
    %dma_wait3A_336 = arith.constant 0 : i32
    %dma_wait3A_337 = tpu.memref_slice %arg9[%dma_wait3A_334, %dma_wait3A_336] : memref<16x128xi32, #tpu.memory_space<vmem>> -> memref<1x128xi32, #tpu.memory_space<vmem>>
    %dma_wait3A_338 = tpu.memref_squeeze %dma_wait3A_337 : memref<1x128xi32, #tpu.memory_space<vmem>> -> memref<128xi32, #tpu.memory_space<vmem>>
    %dma_wait3A_339 = tpu.memref_slice %arg3[%add3A_228] : memref<65536xi32, #tpu.memory_space<hbm>> -> memref<128xi32, #tpu.memory_space<hbm>>
    %dma_wait3A_340 = tpu.memref_slice %arg16[%dma_wait3A_335] : memref<2x!tpu.dma_semaphore, #tpu.memory_space<semaphore_mem>> -> memref<1x!tpu.dma_semaphore, #tpu.memory_space<semaphore_mem>>
    %dma_wait3A_341 = tpu.memref_squeeze %dma_wait3A_340 : memref<1x!tpu.dma_semaphore, #tpu.memory_space<semaphore_mem>> -> memref<!tpu.dma_semaphore, #tpu.memory_space<semaphore_mem>>
    %dma_wait3A_342 = arith.constant 0 : i32
    %dma_wait3A_343 = tpu.memref_slice %arg9[%dma_wait3A_334, %dma_wait3A_342] : memref<16x128xi32, #tpu.memory_space<vmem>> -> memref<1x128xi32, #tpu.memory_space<vmem>>
    %dma_wait3A_344 = tpu.memref_squeeze %dma_wait3A_343 : memref<1x128xi32, #tpu.memory_space<vmem>> -> memref<128xi32, #tpu.memory_space<vmem>>
    %dma_wait3A_345 = tpu.memref_slice %arg3[%add3A_228] : memref<65536xi32, #tpu.memory_space<hbm>> -> memref<128xi32, #tpu.memory_space<hbm>>
    tpu.wait_dma2 semaphore(%dma_wait3A_341 : memref<!tpu.dma_semaphore, #tpu.memory_space<semaphore_mem>>) src(%dma_wait3A_345 : memref<128xi32, #tpu.memory_space<hbm>>) dst(%dma_wait3A_344 : memref<128xi32, #tpu.memory_space<vmem>>)
    %run_scoped3A_346 = arith.constant 0 : i32
    %run_scoped3A_347 = arith.constant 4 : i32
    "tpu.region"() ({
      %run_scoped3A_1001 = tpu.sem_alloc : memref<!tpu.dma_semaphore, #tpu.memory_space<semaphore_mem>>
      %dma_start3A_1002 = arith.constant 0 : i32
      %dma_start3A_1003 = arith.constant 0 : i32
      %dma_start3A_1004 = tpu.memref_slice %arg8[%run_scoped3A_346, %dma_start3A_1002, %dma_start3A_1003] : memref<2x128x128xf32, #tpu.memory_space<vmem>> -> memref<1x128x128xf32, #tpu.memory_space<vmem>>
      %dma_start3A_1005 = tpu.memref_squeeze %dma_start3A_1004 : memref<1x128x128xf32, #tpu.memory_space<vmem>> -> memref<128x128xf32, #tpu.memory_space<vmem>>
      %dma_start3A_1006 = arith.constant 0 : i32
      %dma_start3A_1007 = tpu.memref_slice %arg9[%run_scoped3A_347, %dma_start3A_1006] : memref<16x128xi32, #tpu.memory_space<vmem>> -> memref<1x128xi32, #tpu.memory_space<vmem>>
      %dma_start3A_1008 = tpu.memref_squeeze %dma_start3A_1007 : memref<1x128xi32, #tpu.memory_space<vmem>> -> memref<128xi32, #tpu.memory_space<vmem>>
      %dma_start3A_1009 = arith.constant 0 : i32
      %dma_start3A_1010 = arith.constant 0 : i32
      %dma_start3A_1011 = tpu.memref_slice %arg13[%dma_start3A_1009, %dma_start3A_1010] : memref<128x128xf32, #tpu.memory_space<vmem_shared>> -> memref<128x128xf32, #tpu.memory_space<vmem_shared>>
      tpu.enqueue_indirect_dma source(%dma_start3A_1005 : memref<128x128xf32, #tpu.memory_space<vmem>>) target(%dma_start3A_1011 : memref<128x128xf32, #tpu.memory_space<vmem_shared>>) offsets(%dma_start3A_1008 : memref<128xi32, #tpu.memory_space<vmem>>) semaphore(%run_scoped3A_1001 : memref<!tpu.dma_semaphore, #tpu.memory_space<semaphore_mem>>) {add = true}
      %dma_wait3A_1012 = arith.constant 0 : i32
      %dma_wait3A_1013 = arith.constant 0 : i32
      %dma_wait3A_1014 = tpu.memref_slice %arg8[%run_scoped3A_346, %dma_wait3A_1012, %dma_wait3A_1013] : memref<2x128x128xf32, #tpu.memory_space<vmem>> -> memref<1x128x128xf32, #tpu.memory_space<vmem>>
      %dma_wait3A_1015 = tpu.memref_squeeze %dma_wait3A_1014 : memref<1x128x128xf32, #tpu.memory_space<vmem>> -> memref<128x128xf32, #tpu.memory_space<vmem>>
      %dma_wait3A_1016 = arith.constant 0 : i32
      %dma_wait3A_1017 = tpu.memref_slice %arg9[%run_scoped3A_347, %dma_wait3A_1016] : memref<16x128xi32, #tpu.memory_space<vmem>> -> memref<1x128xi32, #tpu.memory_space<vmem>>
      %dma_wait3A_1018 = tpu.memref_squeeze %dma_wait3A_1017 : memref<1x128xi32, #tpu.memory_space<vmem>> -> memref<128xi32, #tpu.memory_space<vmem>>
      %dma_wait3A_1019 = arith.constant 0 : i32
      %dma_wait3A_1020 = arith.constant 0 : i32
      %dma_wait3A_1021 = tpu.memref_slice %arg13[%dma_wait3A_1019, %dma_wait3A_1020] : memref<128x128xf32, #tpu.memory_space<vmem_shared>> -> memref<128x128xf32, #tpu.memory_space<vmem_shared>>
      tpu.wait_indirect_dma semaphore(%run_scoped3A_1001 : memref<!tpu.dma_semaphore, #tpu.memory_space<semaphore_mem>>) src(%dma_wait3A_1015 : memref<128x128xf32, #tpu.memory_space<vmem>>) dst(%dma_wait3A_1021 : memref<128x128xf32, #tpu.memory_space<vmem_shared>>)
      tpu.yield
    }) : () -> ()
    %run_scoped3A_348 = arith.constant 4 : i32
    "tpu.region"() ({
      %run_scoped3A_1001 = tpu.sem_alloc : memref<!tpu.dma_semaphore, #tpu.memory_space<semaphore_mem>>
      %dma_start3A_1002 = arith.constant 0 : i32
      %dma_start3A_1003 = tpu.memref_slice %arg9[%run_scoped3A_348, %dma_start3A_1002] : memref<16x128xi32, #tpu.memory_space<vmem>> -> memref<1x128xi32, #tpu.memory_space<vmem>>
      %dma_start3A_1004 = tpu.memref_squeeze %dma_start3A_1003 : memref<1x128xi32, #tpu.memory_space<vmem>> -> memref<128xi32, #tpu.memory_space<vmem>>
      %dma_start3A_1005 = arith.constant 0 : i32
      %dma_start3A_1006 = arith.constant 0 : i32
      %dma_start3A_1007 = tpu.memref_slice %arg14[%dma_start3A_1005, %dma_start3A_1006] : memref<128x16xf32, #tpu.memory_space<vmem_shared>> -> memref<128x16xf32, #tpu.memory_space<vmem_shared>>
      tpu.enqueue_indirect_dma source(%arg10 : memref<128x16xf32, #tpu.memory_space<vmem>>) target(%dma_start3A_1007 : memref<128x16xf32, #tpu.memory_space<vmem_shared>>) offsets(%dma_start3A_1004 : memref<128xi32, #tpu.memory_space<vmem>>) semaphore(%run_scoped3A_1001 : memref<!tpu.dma_semaphore, #tpu.memory_space<semaphore_mem>>) {add = true}
      %dma_wait3A_1008 = arith.constant 0 : i32
      %dma_wait3A_1009 = tpu.memref_slice %arg9[%run_scoped3A_348, %dma_wait3A_1008] : memref<16x128xi32, #tpu.memory_space<vmem>> -> memref<1x128xi32, #tpu.memory_space<vmem>>
      %dma_wait3A_1010 = tpu.memref_squeeze %dma_wait3A_1009 : memref<1x128xi32, #tpu.memory_space<vmem>> -> memref<128xi32, #tpu.memory_space<vmem>>
      %dma_wait3A_1011 = arith.constant 0 : i32
      %dma_wait3A_1012 = arith.constant 0 : i32
      %dma_wait3A_1013 = tpu.memref_slice %arg14[%dma_wait3A_1011, %dma_wait3A_1012] : memref<128x16xf32, #tpu.memory_space<vmem_shared>> -> memref<128x16xf32, #tpu.memory_space<vmem_shared>>
      tpu.wait_indirect_dma semaphore(%run_scoped3A_1001 : memref<!tpu.dma_semaphore, #tpu.memory_space<semaphore_mem>>) src(%arg10 : memref<128x16xf32, #tpu.memory_space<vmem>>) dst(%dma_wait3A_1013 : memref<128x16xf32, #tpu.memory_space<vmem_shared>>)
      tpu.yield
    }) : () -> ()
    %add3A_349 = arith.constant 768 : i32
    %add3A_350 = arith.addi %mul3A_2, %add3A_349 : i32
    %dma_start3A_351 = arith.constant 0 : i32
    %dma_start3A_352 = arith.constant 0 : i32
    %dma_start3A_353 = arith.constant 0 : i32
    %dma_start3A_354 = arith.constant 0 : i32
    %dma_start3A_355 = tpu.memref_slice %arg8[%dma_start3A_351, %dma_start3A_353, %dma_start3A_354] : memref<2x128x128xf32, #tpu.memory_space<vmem>> -> memref<1x128x128xf32, #tpu.memory_space<vmem>>
    %dma_start3A_356 = tpu.memref_squeeze %dma_start3A_355 : memref<1x128x128xf32, #tpu.memory_space<vmem>> -> memref<128x128xf32, #tpu.memory_space<vmem>>
    %dma_start3A_357 = arith.constant 0 : i32
    %dma_start3A_358 = tpu.memref_slice %arg2[%add3A_350, %dma_start3A_357] : memref<65536x128xf32, #tpu.memory_space<hbm>> -> memref<128x128xf32, #tpu.memory_space<hbm>>
    %dma_start3A_359 = tpu.memref_slice %arg15[%dma_start3A_352] : memref<2x!tpu.dma_semaphore, #tpu.memory_space<semaphore_mem>> -> memref<1x!tpu.dma_semaphore, #tpu.memory_space<semaphore_mem>>
    %dma_start3A_360 = tpu.memref_squeeze %dma_start3A_359 : memref<1x!tpu.dma_semaphore, #tpu.memory_space<semaphore_mem>> -> memref<!tpu.dma_semaphore, #tpu.memory_space<semaphore_mem>>
    %dma_start3A_361 = arith.constant 0 : i32
    %dma_start3A_362 = arith.constant 0 : i32
    %dma_start3A_363 = tpu.memref_slice %arg8[%dma_start3A_351, %dma_start3A_361, %dma_start3A_362] : memref<2x128x128xf32, #tpu.memory_space<vmem>> -> memref<1x128x128xf32, #tpu.memory_space<vmem>>
    %dma_start3A_364 = tpu.memref_squeeze %dma_start3A_363 : memref<1x128x128xf32, #tpu.memory_space<vmem>> -> memref<128x128xf32, #tpu.memory_space<vmem>>
    %dma_start3A_365 = arith.constant 0 : i32
    %dma_start3A_366 = tpu.memref_slice %arg2[%add3A_350, %dma_start3A_365] : memref<65536x128xf32, #tpu.memory_space<hbm>> -> memref<128x128xf32, #tpu.memory_space<hbm>>
    tpu.enqueue_dma source(%dma_start3A_366 : memref<128x128xf32, #tpu.memory_space<hbm>>) target(%dma_start3A_364 : memref<128x128xf32, #tpu.memory_space<vmem>>) target_semaphore(%dma_start3A_360 : memref<!tpu.dma_semaphore, #tpu.memory_space<semaphore_mem>>)
    %dma_start3A_367 = arith.constant 6 : i32
    %dma_start3A_368 = arith.constant 0 : i32
    %dma_start3A_369 = arith.constant 0 : i32
    %dma_start3A_370 = tpu.memref_slice %arg9[%dma_start3A_367, %dma_start3A_369] : memref<16x128xi32, #tpu.memory_space<vmem>> -> memref<1x128xi32, #tpu.memory_space<vmem>>
    %dma_start3A_371 = tpu.memref_squeeze %dma_start3A_370 : memref<1x128xi32, #tpu.memory_space<vmem>> -> memref<128xi32, #tpu.memory_space<vmem>>
    %dma_start3A_372 = tpu.memref_slice %arg3[%add3A_350] : memref<65536xi32, #tpu.memory_space<hbm>> -> memref<128xi32, #tpu.memory_space<hbm>>
    %dma_start3A_373 = tpu.memref_slice %arg16[%dma_start3A_368] : memref<2x!tpu.dma_semaphore, #tpu.memory_space<semaphore_mem>> -> memref<1x!tpu.dma_semaphore, #tpu.memory_space<semaphore_mem>>
    %dma_start3A_374 = tpu.memref_squeeze %dma_start3A_373 : memref<1x!tpu.dma_semaphore, #tpu.memory_space<semaphore_mem>> -> memref<!tpu.dma_semaphore, #tpu.memory_space<semaphore_mem>>
    %dma_start3A_375 = arith.constant 0 : i32
    %dma_start3A_376 = tpu.memref_slice %arg9[%dma_start3A_367, %dma_start3A_375] : memref<16x128xi32, #tpu.memory_space<vmem>> -> memref<1x128xi32, #tpu.memory_space<vmem>>
    %dma_start3A_377 = tpu.memref_squeeze %dma_start3A_376 : memref<1x128xi32, #tpu.memory_space<vmem>> -> memref<128xi32, #tpu.memory_space<vmem>>
    %dma_start3A_378 = tpu.memref_slice %arg3[%add3A_350] : memref<65536xi32, #tpu.memory_space<hbm>> -> memref<128xi32, #tpu.memory_space<hbm>>
    tpu.enqueue_dma source(%dma_start3A_378 : memref<128xi32, #tpu.memory_space<hbm>>) target(%dma_start3A_377 : memref<128xi32, #tpu.memory_space<vmem>>) target_semaphore(%dma_start3A_374 : memref<!tpu.dma_semaphore, #tpu.memory_space<semaphore_mem>>)
    %dma_wait3A_379 = arith.constant 1 : i32
    %dma_wait3A_380 = arith.constant 1 : i32
    %dma_wait3A_381 = arith.constant 0 : i32
    %dma_wait3A_382 = arith.constant 0 : i32
    %dma_wait3A_383 = tpu.memref_slice %arg8[%dma_wait3A_379, %dma_wait3A_381, %dma_wait3A_382] : memref<2x128x128xf32, #tpu.memory_space<vmem>> -> memref<1x128x128xf32, #tpu.memory_space<vmem>>
    %dma_wait3A_384 = tpu.memref_squeeze %dma_wait3A_383 : memref<1x128x128xf32, #tpu.memory_space<vmem>> -> memref<128x128xf32, #tpu.memory_space<vmem>>
    %dma_wait3A_385 = arith.constant 0 : i32
    %dma_wait3A_386 = tpu.memref_slice %arg2[%add3A_289, %dma_wait3A_385] : memref<65536x128xf32, #tpu.memory_space<hbm>> -> memref<128x128xf32, #tpu.memory_space<hbm>>
    %dma_wait3A_387 = tpu.memref_slice %arg15[%dma_wait3A_380] : memref<2x!tpu.dma_semaphore, #tpu.memory_space<semaphore_mem>> -> memref<1x!tpu.dma_semaphore, #tpu.memory_space<semaphore_mem>>
    %dma_wait3A_388 = tpu.memref_squeeze %dma_wait3A_387 : memref<1x!tpu.dma_semaphore, #tpu.memory_space<semaphore_mem>> -> memref<!tpu.dma_semaphore, #tpu.memory_space<semaphore_mem>>
    %dma_wait3A_389 = arith.constant 0 : i32
    %dma_wait3A_390 = arith.constant 0 : i32
    %dma_wait3A_391 = tpu.memref_slice %arg8[%dma_wait3A_379, %dma_wait3A_389, %dma_wait3A_390] : memref<2x128x128xf32, #tpu.memory_space<vmem>> -> memref<1x128x128xf32, #tpu.memory_space<vmem>>
    %dma_wait3A_392 = tpu.memref_squeeze %dma_wait3A_391 : memref<1x128x128xf32, #tpu.memory_space<vmem>> -> memref<128x128xf32, #tpu.memory_space<vmem>>
    %dma_wait3A_393 = arith.constant 0 : i32
    %dma_wait3A_394 = tpu.memref_slice %arg2[%add3A_289, %dma_wait3A_393] : memref<65536x128xf32, #tpu.memory_space<hbm>> -> memref<128x128xf32, #tpu.memory_space<hbm>>
    tpu.wait_dma2 semaphore(%dma_wait3A_388 : memref<!tpu.dma_semaphore, #tpu.memory_space<semaphore_mem>>) src(%dma_wait3A_394 : memref<128x128xf32, #tpu.memory_space<hbm>>) dst(%dma_wait3A_392 : memref<128x128xf32, #tpu.memory_space<vmem>>)
    %dma_wait3A_395 = arith.constant 5 : i32
    %dma_wait3A_396 = arith.constant 1 : i32
    %dma_wait3A_397 = arith.constant 0 : i32
    %dma_wait3A_398 = tpu.memref_slice %arg9[%dma_wait3A_395, %dma_wait3A_397] : memref<16x128xi32, #tpu.memory_space<vmem>> -> memref<1x128xi32, #tpu.memory_space<vmem>>
    %dma_wait3A_399 = tpu.memref_squeeze %dma_wait3A_398 : memref<1x128xi32, #tpu.memory_space<vmem>> -> memref<128xi32, #tpu.memory_space<vmem>>
    %dma_wait3A_400 = tpu.memref_slice %arg3[%add3A_289] : memref<65536xi32, #tpu.memory_space<hbm>> -> memref<128xi32, #tpu.memory_space<hbm>>
    %dma_wait3A_401 = tpu.memref_slice %arg16[%dma_wait3A_396] : memref<2x!tpu.dma_semaphore, #tpu.memory_space<semaphore_mem>> -> memref<1x!tpu.dma_semaphore, #tpu.memory_space<semaphore_mem>>
    %dma_wait3A_402 = tpu.memref_squeeze %dma_wait3A_401 : memref<1x!tpu.dma_semaphore, #tpu.memory_space<semaphore_mem>> -> memref<!tpu.dma_semaphore, #tpu.memory_space<semaphore_mem>>
    %dma_wait3A_403 = arith.constant 0 : i32
    %dma_wait3A_404 = tpu.memref_slice %arg9[%dma_wait3A_395, %dma_wait3A_403] : memref<16x128xi32, #tpu.memory_space<vmem>> -> memref<1x128xi32, #tpu.memory_space<vmem>>
    %dma_wait3A_405 = tpu.memref_squeeze %dma_wait3A_404 : memref<1x128xi32, #tpu.memory_space<vmem>> -> memref<128xi32, #tpu.memory_space<vmem>>
    %dma_wait3A_406 = tpu.memref_slice %arg3[%add3A_289] : memref<65536xi32, #tpu.memory_space<hbm>> -> memref<128xi32, #tpu.memory_space<hbm>>
    tpu.wait_dma2 semaphore(%dma_wait3A_402 : memref<!tpu.dma_semaphore, #tpu.memory_space<semaphore_mem>>) src(%dma_wait3A_406 : memref<128xi32, #tpu.memory_space<hbm>>) dst(%dma_wait3A_405 : memref<128xi32, #tpu.memory_space<vmem>>)
    %run_scoped3A_407 = arith.constant 1 : i32
    %run_scoped3A_408 = arith.constant 5 : i32
    "tpu.region"() ({
      %run_scoped3A_1001 = tpu.sem_alloc : memref<!tpu.dma_semaphore, #tpu.memory_space<semaphore_mem>>
      %dma_start3A_1002 = arith.constant 0 : i32
      %dma_start3A_1003 = arith.constant 0 : i32
      %dma_start3A_1004 = tpu.memref_slice %arg8[%run_scoped3A_407, %dma_start3A_1002, %dma_start3A_1003] : memref<2x128x128xf32, #tpu.memory_space<vmem>> -> memref<1x128x128xf32, #tpu.memory_space<vmem>>
      %dma_start3A_1005 = tpu.memref_squeeze %dma_start3A_1004 : memref<1x128x128xf32, #tpu.memory_space<vmem>> -> memref<128x128xf32, #tpu.memory_space<vmem>>
      %dma_start3A_1006 = arith.constant 0 : i32
      %dma_start3A_1007 = tpu.memref_slice %arg9[%run_scoped3A_408, %dma_start3A_1006] : memref<16x128xi32, #tpu.memory_space<vmem>> -> memref<1x128xi32, #tpu.memory_space<vmem>>
      %dma_start3A_1008 = tpu.memref_squeeze %dma_start3A_1007 : memref<1x128xi32, #tpu.memory_space<vmem>> -> memref<128xi32, #tpu.memory_space<vmem>>
      %dma_start3A_1009 = arith.constant 0 : i32
      %dma_start3A_1010 = arith.constant 0 : i32
      %dma_start3A_1011 = tpu.memref_slice %arg13[%dma_start3A_1009, %dma_start3A_1010] : memref<128x128xf32, #tpu.memory_space<vmem_shared>> -> memref<128x128xf32, #tpu.memory_space<vmem_shared>>
      tpu.enqueue_indirect_dma source(%dma_start3A_1005 : memref<128x128xf32, #tpu.memory_space<vmem>>) target(%dma_start3A_1011 : memref<128x128xf32, #tpu.memory_space<vmem_shared>>) offsets(%dma_start3A_1008 : memref<128xi32, #tpu.memory_space<vmem>>) semaphore(%run_scoped3A_1001 : memref<!tpu.dma_semaphore, #tpu.memory_space<semaphore_mem>>) {add = true}
      %dma_wait3A_1012 = arith.constant 0 : i32
      %dma_wait3A_1013 = arith.constant 0 : i32
      %dma_wait3A_1014 = tpu.memref_slice %arg8[%run_scoped3A_407, %dma_wait3A_1012, %dma_wait3A_1013] : memref<2x128x128xf32, #tpu.memory_space<vmem>> -> memref<1x128x128xf32, #tpu.memory_space<vmem>>
      %dma_wait3A_1015 = tpu.memref_squeeze %dma_wait3A_1014 : memref<1x128x128xf32, #tpu.memory_space<vmem>> -> memref<128x128xf32, #tpu.memory_space<vmem>>
      %dma_wait3A_1016 = arith.constant 0 : i32
      %dma_wait3A_1017 = tpu.memref_slice %arg9[%run_scoped3A_408, %dma_wait3A_1016] : memref<16x128xi32, #tpu.memory_space<vmem>> -> memref<1x128xi32, #tpu.memory_space<vmem>>
      %dma_wait3A_1018 = tpu.memref_squeeze %dma_wait3A_1017 : memref<1x128xi32, #tpu.memory_space<vmem>> -> memref<128xi32, #tpu.memory_space<vmem>>
      %dma_wait3A_1019 = arith.constant 0 : i32
      %dma_wait3A_1020 = arith.constant 0 : i32
      %dma_wait3A_1021 = tpu.memref_slice %arg13[%dma_wait3A_1019, %dma_wait3A_1020] : memref<128x128xf32, #tpu.memory_space<vmem_shared>> -> memref<128x128xf32, #tpu.memory_space<vmem_shared>>
      tpu.wait_indirect_dma semaphore(%run_scoped3A_1001 : memref<!tpu.dma_semaphore, #tpu.memory_space<semaphore_mem>>) src(%dma_wait3A_1015 : memref<128x128xf32, #tpu.memory_space<vmem>>) dst(%dma_wait3A_1021 : memref<128x128xf32, #tpu.memory_space<vmem_shared>>)
      tpu.yield
    }) : () -> ()
    %run_scoped3A_409 = arith.constant 5 : i32
    "tpu.region"() ({
      %run_scoped3A_1001 = tpu.sem_alloc : memref<!tpu.dma_semaphore, #tpu.memory_space<semaphore_mem>>
      %dma_start3A_1002 = arith.constant 0 : i32
      %dma_start3A_1003 = tpu.memref_slice %arg9[%run_scoped3A_409, %dma_start3A_1002] : memref<16x128xi32, #tpu.memory_space<vmem>> -> memref<1x128xi32, #tpu.memory_space<vmem>>
      %dma_start3A_1004 = tpu.memref_squeeze %dma_start3A_1003 : memref<1x128xi32, #tpu.memory_space<vmem>> -> memref<128xi32, #tpu.memory_space<vmem>>
      %dma_start3A_1005 = arith.constant 0 : i32
      %dma_start3A_1006 = arith.constant 0 : i32
      %dma_start3A_1007 = tpu.memref_slice %arg14[%dma_start3A_1005, %dma_start3A_1006] : memref<128x16xf32, #tpu.memory_space<vmem_shared>> -> memref<128x16xf32, #tpu.memory_space<vmem_shared>>
      tpu.enqueue_indirect_dma source(%arg10 : memref<128x16xf32, #tpu.memory_space<vmem>>) target(%dma_start3A_1007 : memref<128x16xf32, #tpu.memory_space<vmem_shared>>) offsets(%dma_start3A_1004 : memref<128xi32, #tpu.memory_space<vmem>>) semaphore(%run_scoped3A_1001 : memref<!tpu.dma_semaphore, #tpu.memory_space<semaphore_mem>>) {add = true}
      %dma_wait3A_1008 = arith.constant 0 : i32
      %dma_wait3A_1009 = tpu.memref_slice %arg9[%run_scoped3A_409, %dma_wait3A_1008] : memref<16x128xi32, #tpu.memory_space<vmem>> -> memref<1x128xi32, #tpu.memory_space<vmem>>
      %dma_wait3A_1010 = tpu.memref_squeeze %dma_wait3A_1009 : memref<1x128xi32, #tpu.memory_space<vmem>> -> memref<128xi32, #tpu.memory_space<vmem>>
      %dma_wait3A_1011 = arith.constant 0 : i32
      %dma_wait3A_1012 = arith.constant 0 : i32
      %dma_wait3A_1013 = tpu.memref_slice %arg14[%dma_wait3A_1011, %dma_wait3A_1012] : memref<128x16xf32, #tpu.memory_space<vmem_shared>> -> memref<128x16xf32, #tpu.memory_space<vmem_shared>>
      tpu.wait_indirect_dma semaphore(%run_scoped3A_1001 : memref<!tpu.dma_semaphore, #tpu.memory_space<semaphore_mem>>) src(%arg10 : memref<128x16xf32, #tpu.memory_space<vmem>>) dst(%dma_wait3A_1013 : memref<128x16xf32, #tpu.memory_space<vmem_shared>>)
      tpu.yield
    }) : () -> ()
    %add3A_410 = arith.constant 896 : i32
    %add3A_411 = arith.addi %mul3A_2, %add3A_410 : i32
    %dma_start3A_412 = arith.constant 1 : i32
    %dma_start3A_413 = arith.constant 1 : i32
    %dma_start3A_414 = arith.constant 0 : i32
    %dma_start3A_415 = arith.constant 0 : i32
    %dma_start3A_416 = tpu.memref_slice %arg8[%dma_start3A_412, %dma_start3A_414, %dma_start3A_415] : memref<2x128x128xf32, #tpu.memory_space<vmem>> -> memref<1x128x128xf32, #tpu.memory_space<vmem>>
    %dma_start3A_417 = tpu.memref_squeeze %dma_start3A_416 : memref<1x128x128xf32, #tpu.memory_space<vmem>> -> memref<128x128xf32, #tpu.memory_space<vmem>>
    %dma_start3A_418 = arith.constant 0 : i32
    %dma_start3A_419 = tpu.memref_slice %arg2[%add3A_411, %dma_start3A_418] : memref<65536x128xf32, #tpu.memory_space<hbm>> -> memref<128x128xf32, #tpu.memory_space<hbm>>
    %dma_start3A_420 = tpu.memref_slice %arg15[%dma_start3A_413] : memref<2x!tpu.dma_semaphore, #tpu.memory_space<semaphore_mem>> -> memref<1x!tpu.dma_semaphore, #tpu.memory_space<semaphore_mem>>
    %dma_start3A_421 = tpu.memref_squeeze %dma_start3A_420 : memref<1x!tpu.dma_semaphore, #tpu.memory_space<semaphore_mem>> -> memref<!tpu.dma_semaphore, #tpu.memory_space<semaphore_mem>>
    %dma_start3A_422 = arith.constant 0 : i32
    %dma_start3A_423 = arith.constant 0 : i32
    %dma_start3A_424 = tpu.memref_slice %arg8[%dma_start3A_412, %dma_start3A_422, %dma_start3A_423] : memref<2x128x128xf32, #tpu.memory_space<vmem>> -> memref<1x128x128xf32, #tpu.memory_space<vmem>>
    %dma_start3A_425 = tpu.memref_squeeze %dma_start3A_424 : memref<1x128x128xf32, #tpu.memory_space<vmem>> -> memref<128x128xf32, #tpu.memory_space<vmem>>
    %dma_start3A_426 = arith.constant 0 : i32
    %dma_start3A_427 = tpu.memref_slice %arg2[%add3A_411, %dma_start3A_426] : memref<65536x128xf32, #tpu.memory_space<hbm>> -> memref<128x128xf32, #tpu.memory_space<hbm>>
    tpu.enqueue_dma source(%dma_start3A_427 : memref<128x128xf32, #tpu.memory_space<hbm>>) target(%dma_start3A_425 : memref<128x128xf32, #tpu.memory_space<vmem>>) target_semaphore(%dma_start3A_421 : memref<!tpu.dma_semaphore, #tpu.memory_space<semaphore_mem>>)
    %dma_start3A_428 = arith.constant 7 : i32
    %dma_start3A_429 = arith.constant 1 : i32
    %dma_start3A_430 = arith.constant 0 : i32
    %dma_start3A_431 = tpu.memref_slice %arg9[%dma_start3A_428, %dma_start3A_430] : memref<16x128xi32, #tpu.memory_space<vmem>> -> memref<1x128xi32, #tpu.memory_space<vmem>>
    %dma_start3A_432 = tpu.memref_squeeze %dma_start3A_431 : memref<1x128xi32, #tpu.memory_space<vmem>> -> memref<128xi32, #tpu.memory_space<vmem>>
    %dma_start3A_433 = tpu.memref_slice %arg3[%add3A_411] : memref<65536xi32, #tpu.memory_space<hbm>> -> memref<128xi32, #tpu.memory_space<hbm>>
    %dma_start3A_434 = tpu.memref_slice %arg16[%dma_start3A_429] : memref<2x!tpu.dma_semaphore, #tpu.memory_space<semaphore_mem>> -> memref<1x!tpu.dma_semaphore, #tpu.memory_space<semaphore_mem>>
    %dma_start3A_435 = tpu.memref_squeeze %dma_start3A_434 : memref<1x!tpu.dma_semaphore, #tpu.memory_space<semaphore_mem>> -> memref<!tpu.dma_semaphore, #tpu.memory_space<semaphore_mem>>
    %dma_start3A_436 = arith.constant 0 : i32
    %dma_start3A_437 = tpu.memref_slice %arg9[%dma_start3A_428, %dma_start3A_436] : memref<16x128xi32, #tpu.memory_space<vmem>> -> memref<1x128xi32, #tpu.memory_space<vmem>>
    %dma_start3A_438 = tpu.memref_squeeze %dma_start3A_437 : memref<1x128xi32, #tpu.memory_space<vmem>> -> memref<128xi32, #tpu.memory_space<vmem>>
    %dma_start3A_439 = tpu.memref_slice %arg3[%add3A_411] : memref<65536xi32, #tpu.memory_space<hbm>> -> memref<128xi32, #tpu.memory_space<hbm>>
    tpu.enqueue_dma source(%dma_start3A_439 : memref<128xi32, #tpu.memory_space<hbm>>) target(%dma_start3A_438 : memref<128xi32, #tpu.memory_space<vmem>>) target_semaphore(%dma_start3A_435 : memref<!tpu.dma_semaphore, #tpu.memory_space<semaphore_mem>>)
    %dma_wait3A_440 = arith.constant 0 : i32
    %dma_wait3A_441 = arith.constant 0 : i32
    %dma_wait3A_442 = arith.constant 0 : i32
    %dma_wait3A_443 = arith.constant 0 : i32
    %dma_wait3A_444 = tpu.memref_slice %arg8[%dma_wait3A_440, %dma_wait3A_442, %dma_wait3A_443] : memref<2x128x128xf32, #tpu.memory_space<vmem>> -> memref<1x128x128xf32, #tpu.memory_space<vmem>>
    %dma_wait3A_445 = tpu.memref_squeeze %dma_wait3A_444 : memref<1x128x128xf32, #tpu.memory_space<vmem>> -> memref<128x128xf32, #tpu.memory_space<vmem>>
    %dma_wait3A_446 = arith.constant 0 : i32
    %dma_wait3A_447 = tpu.memref_slice %arg2[%add3A_350, %dma_wait3A_446] : memref<65536x128xf32, #tpu.memory_space<hbm>> -> memref<128x128xf32, #tpu.memory_space<hbm>>
    %dma_wait3A_448 = tpu.memref_slice %arg15[%dma_wait3A_441] : memref<2x!tpu.dma_semaphore, #tpu.memory_space<semaphore_mem>> -> memref<1x!tpu.dma_semaphore, #tpu.memory_space<semaphore_mem>>
    %dma_wait3A_449 = tpu.memref_squeeze %dma_wait3A_448 : memref<1x!tpu.dma_semaphore, #tpu.memory_space<semaphore_mem>> -> memref<!tpu.dma_semaphore, #tpu.memory_space<semaphore_mem>>
    %dma_wait3A_450 = arith.constant 0 : i32
    %dma_wait3A_451 = arith.constant 0 : i32
    %dma_wait3A_452 = tpu.memref_slice %arg8[%dma_wait3A_440, %dma_wait3A_450, %dma_wait3A_451] : memref<2x128x128xf32, #tpu.memory_space<vmem>> -> memref<1x128x128xf32, #tpu.memory_space<vmem>>
    %dma_wait3A_453 = tpu.memref_squeeze %dma_wait3A_452 : memref<1x128x128xf32, #tpu.memory_space<vmem>> -> memref<128x128xf32, #tpu.memory_space<vmem>>
    %dma_wait3A_454 = arith.constant 0 : i32
    %dma_wait3A_455 = tpu.memref_slice %arg2[%add3A_350, %dma_wait3A_454] : memref<65536x128xf32, #tpu.memory_space<hbm>> -> memref<128x128xf32, #tpu.memory_space<hbm>>
    tpu.wait_dma2 semaphore(%dma_wait3A_449 : memref<!tpu.dma_semaphore, #tpu.memory_space<semaphore_mem>>) src(%dma_wait3A_455 : memref<128x128xf32, #tpu.memory_space<hbm>>) dst(%dma_wait3A_453 : memref<128x128xf32, #tpu.memory_space<vmem>>)
    %dma_wait3A_456 = arith.constant 6 : i32
    %dma_wait3A_457 = arith.constant 0 : i32
    %dma_wait3A_458 = arith.constant 0 : i32
    %dma_wait3A_459 = tpu.memref_slice %arg9[%dma_wait3A_456, %dma_wait3A_458] : memref<16x128xi32, #tpu.memory_space<vmem>> -> memref<1x128xi32, #tpu.memory_space<vmem>>
    %dma_wait3A_460 = tpu.memref_squeeze %dma_wait3A_459 : memref<1x128xi32, #tpu.memory_space<vmem>> -> memref<128xi32, #tpu.memory_space<vmem>>
    %dma_wait3A_461 = tpu.memref_slice %arg3[%add3A_350] : memref<65536xi32, #tpu.memory_space<hbm>> -> memref<128xi32, #tpu.memory_space<hbm>>
    %dma_wait3A_462 = tpu.memref_slice %arg16[%dma_wait3A_457] : memref<2x!tpu.dma_semaphore, #tpu.memory_space<semaphore_mem>> -> memref<1x!tpu.dma_semaphore, #tpu.memory_space<semaphore_mem>>
    %dma_wait3A_463 = tpu.memref_squeeze %dma_wait3A_462 : memref<1x!tpu.dma_semaphore, #tpu.memory_space<semaphore_mem>> -> memref<!tpu.dma_semaphore, #tpu.memory_space<semaphore_mem>>
    %dma_wait3A_464 = arith.constant 0 : i32
    %dma_wait3A_465 = tpu.memref_slice %arg9[%dma_wait3A_456, %dma_wait3A_464] : memref<16x128xi32, #tpu.memory_space<vmem>> -> memref<1x128xi32, #tpu.memory_space<vmem>>
    %dma_wait3A_466 = tpu.memref_squeeze %dma_wait3A_465 : memref<1x128xi32, #tpu.memory_space<vmem>> -> memref<128xi32, #tpu.memory_space<vmem>>
    %dma_wait3A_467 = tpu.memref_slice %arg3[%add3A_350] : memref<65536xi32, #tpu.memory_space<hbm>> -> memref<128xi32, #tpu.memory_space<hbm>>
    tpu.wait_dma2 semaphore(%dma_wait3A_463 : memref<!tpu.dma_semaphore, #tpu.memory_space<semaphore_mem>>) src(%dma_wait3A_467 : memref<128xi32, #tpu.memory_space<hbm>>) dst(%dma_wait3A_466 : memref<128xi32, #tpu.memory_space<vmem>>)
    %run_scoped3A_468 = arith.constant 0 : i32
    %run_scoped3A_469 = arith.constant 6 : i32
    "tpu.region"() ({
      %run_scoped3A_1001 = tpu.sem_alloc : memref<!tpu.dma_semaphore, #tpu.memory_space<semaphore_mem>>
      %dma_start3A_1002 = arith.constant 0 : i32
      %dma_start3A_1003 = arith.constant 0 : i32
      %dma_start3A_1004 = tpu.memref_slice %arg8[%run_scoped3A_468, %dma_start3A_1002, %dma_start3A_1003] : memref<2x128x128xf32, #tpu.memory_space<vmem>> -> memref<1x128x128xf32, #tpu.memory_space<vmem>>
      %dma_start3A_1005 = tpu.memref_squeeze %dma_start3A_1004 : memref<1x128x128xf32, #tpu.memory_space<vmem>> -> memref<128x128xf32, #tpu.memory_space<vmem>>
      %dma_start3A_1006 = arith.constant 0 : i32
      %dma_start3A_1007 = tpu.memref_slice %arg9[%run_scoped3A_469, %dma_start3A_1006] : memref<16x128xi32, #tpu.memory_space<vmem>> -> memref<1x128xi32, #tpu.memory_space<vmem>>
      %dma_start3A_1008 = tpu.memref_squeeze %dma_start3A_1007 : memref<1x128xi32, #tpu.memory_space<vmem>> -> memref<128xi32, #tpu.memory_space<vmem>>
      %dma_start3A_1009 = arith.constant 0 : i32
      %dma_start3A_1010 = arith.constant 0 : i32
      %dma_start3A_1011 = tpu.memref_slice %arg13[%dma_start3A_1009, %dma_start3A_1010] : memref<128x128xf32, #tpu.memory_space<vmem_shared>> -> memref<128x128xf32, #tpu.memory_space<vmem_shared>>
      tpu.enqueue_indirect_dma source(%dma_start3A_1005 : memref<128x128xf32, #tpu.memory_space<vmem>>) target(%dma_start3A_1011 : memref<128x128xf32, #tpu.memory_space<vmem_shared>>) offsets(%dma_start3A_1008 : memref<128xi32, #tpu.memory_space<vmem>>) semaphore(%run_scoped3A_1001 : memref<!tpu.dma_semaphore, #tpu.memory_space<semaphore_mem>>) {add = true}
      %dma_wait3A_1012 = arith.constant 0 : i32
      %dma_wait3A_1013 = arith.constant 0 : i32
      %dma_wait3A_1014 = tpu.memref_slice %arg8[%run_scoped3A_468, %dma_wait3A_1012, %dma_wait3A_1013] : memref<2x128x128xf32, #tpu.memory_space<vmem>> -> memref<1x128x128xf32, #tpu.memory_space<vmem>>
      %dma_wait3A_1015 = tpu.memref_squeeze %dma_wait3A_1014 : memref<1x128x128xf32, #tpu.memory_space<vmem>> -> memref<128x128xf32, #tpu.memory_space<vmem>>
      %dma_wait3A_1016 = arith.constant 0 : i32
      %dma_wait3A_1017 = tpu.memref_slice %arg9[%run_scoped3A_469, %dma_wait3A_1016] : memref<16x128xi32, #tpu.memory_space<vmem>> -> memref<1x128xi32, #tpu.memory_space<vmem>>
      %dma_wait3A_1018 = tpu.memref_squeeze %dma_wait3A_1017 : memref<1x128xi32, #tpu.memory_space<vmem>> -> memref<128xi32, #tpu.memory_space<vmem>>
      %dma_wait3A_1019 = arith.constant 0 : i32
      %dma_wait3A_1020 = arith.constant 0 : i32
      %dma_wait3A_1021 = tpu.memref_slice %arg13[%dma_wait3A_1019, %dma_wait3A_1020] : memref<128x128xf32, #tpu.memory_space<vmem_shared>> -> memref<128x128xf32, #tpu.memory_space<vmem_shared>>
      tpu.wait_indirect_dma semaphore(%run_scoped3A_1001 : memref<!tpu.dma_semaphore, #tpu.memory_space<semaphore_mem>>) src(%dma_wait3A_1015 : memref<128x128xf32, #tpu.memory_space<vmem>>) dst(%dma_wait3A_1021 : memref<128x128xf32, #tpu.memory_space<vmem_shared>>)
      tpu.yield
    }) : () -> ()
    %run_scoped3A_470 = arith.constant 6 : i32
    "tpu.region"() ({
      %run_scoped3A_1001 = tpu.sem_alloc : memref<!tpu.dma_semaphore, #tpu.memory_space<semaphore_mem>>
      %dma_start3A_1002 = arith.constant 0 : i32
      %dma_start3A_1003 = tpu.memref_slice %arg9[%run_scoped3A_470, %dma_start3A_1002] : memref<16x128xi32, #tpu.memory_space<vmem>> -> memref<1x128xi32, #tpu.memory_space<vmem>>
      %dma_start3A_1004 = tpu.memref_squeeze %dma_start3A_1003 : memref<1x128xi32, #tpu.memory_space<vmem>> -> memref<128xi32, #tpu.memory_space<vmem>>
      %dma_start3A_1005 = arith.constant 0 : i32
      %dma_start3A_1006 = arith.constant 0 : i32
      %dma_start3A_1007 = tpu.memref_slice %arg14[%dma_start3A_1005, %dma_start3A_1006] : memref<128x16xf32, #tpu.memory_space<vmem_shared>> -> memref<128x16xf32, #tpu.memory_space<vmem_shared>>
      tpu.enqueue_indirect_dma source(%arg10 : memref<128x16xf32, #tpu.memory_space<vmem>>) target(%dma_start3A_1007 : memref<128x16xf32, #tpu.memory_space<vmem_shared>>) offsets(%dma_start3A_1004 : memref<128xi32, #tpu.memory_space<vmem>>) semaphore(%run_scoped3A_1001 : memref<!tpu.dma_semaphore, #tpu.memory_space<semaphore_mem>>) {add = true}
      %dma_wait3A_1008 = arith.constant 0 : i32
      %dma_wait3A_1009 = tpu.memref_slice %arg9[%run_scoped3A_470, %dma_wait3A_1008] : memref<16x128xi32, #tpu.memory_space<vmem>> -> memref<1x128xi32, #tpu.memory_space<vmem>>
      %dma_wait3A_1010 = tpu.memref_squeeze %dma_wait3A_1009 : memref<1x128xi32, #tpu.memory_space<vmem>> -> memref<128xi32, #tpu.memory_space<vmem>>
      %dma_wait3A_1011 = arith.constant 0 : i32
      %dma_wait3A_1012 = arith.constant 0 : i32
      %dma_wait3A_1013 = tpu.memref_slice %arg14[%dma_wait3A_1011, %dma_wait3A_1012] : memref<128x16xf32, #tpu.memory_space<vmem_shared>> -> memref<128x16xf32, #tpu.memory_space<vmem_shared>>
      tpu.wait_indirect_dma semaphore(%run_scoped3A_1001 : memref<!tpu.dma_semaphore, #tpu.memory_space<semaphore_mem>>) src(%arg10 : memref<128x16xf32, #tpu.memory_space<vmem>>) dst(%dma_wait3A_1013 : memref<128x16xf32, #tpu.memory_space<vmem_shared>>)
      tpu.yield
    }) : () -> ()
    %add3A_471 = arith.constant 1024 : i32
    %add3A_472 = arith.addi %mul3A_2, %add3A_471 : i32
    %dma_start3A_473 = arith.constant 0 : i32
    %dma_start3A_474 = arith.constant 0 : i32
    %dma_start3A_475 = arith.constant 0 : i32
    %dma_start3A_476 = arith.constant 0 : i32
    %dma_start3A_477 = tpu.memref_slice %arg8[%dma_start3A_473, %dma_start3A_475, %dma_start3A_476] : memref<2x128x128xf32, #tpu.memory_space<vmem>> -> memref<1x128x128xf32, #tpu.memory_space<vmem>>
    %dma_start3A_478 = tpu.memref_squeeze %dma_start3A_477 : memref<1x128x128xf32, #tpu.memory_space<vmem>> -> memref<128x128xf32, #tpu.memory_space<vmem>>
    %dma_start3A_479 = arith.constant 0 : i32
    %dma_start3A_480 = tpu.memref_slice %arg2[%add3A_472, %dma_start3A_479] : memref<65536x128xf32, #tpu.memory_space<hbm>> -> memref<128x128xf32, #tpu.memory_space<hbm>>
    %dma_start3A_481 = tpu.memref_slice %arg15[%dma_start3A_474] : memref<2x!tpu.dma_semaphore, #tpu.memory_space<semaphore_mem>> -> memref<1x!tpu.dma_semaphore, #tpu.memory_space<semaphore_mem>>
    %dma_start3A_482 = tpu.memref_squeeze %dma_start3A_481 : memref<1x!tpu.dma_semaphore, #tpu.memory_space<semaphore_mem>> -> memref<!tpu.dma_semaphore, #tpu.memory_space<semaphore_mem>>
    %dma_start3A_483 = arith.constant 0 : i32
    %dma_start3A_484 = arith.constant 0 : i32
    %dma_start3A_485 = tpu.memref_slice %arg8[%dma_start3A_473, %dma_start3A_483, %dma_start3A_484] : memref<2x128x128xf32, #tpu.memory_space<vmem>> -> memref<1x128x128xf32, #tpu.memory_space<vmem>>
    %dma_start3A_486 = tpu.memref_squeeze %dma_start3A_485 : memref<1x128x128xf32, #tpu.memory_space<vmem>> -> memref<128x128xf32, #tpu.memory_space<vmem>>
    %dma_start3A_487 = arith.constant 0 : i32
    %dma_start3A_488 = tpu.memref_slice %arg2[%add3A_472, %dma_start3A_487] : memref<65536x128xf32, #tpu.memory_space<hbm>> -> memref<128x128xf32, #tpu.memory_space<hbm>>
    tpu.enqueue_dma source(%dma_start3A_488 : memref<128x128xf32, #tpu.memory_space<hbm>>) target(%dma_start3A_486 : memref<128x128xf32, #tpu.memory_space<vmem>>) target_semaphore(%dma_start3A_482 : memref<!tpu.dma_semaphore, #tpu.memory_space<semaphore_mem>>)
    %dma_start3A_489 = arith.constant 8 : i32
    %dma_start3A_490 = arith.constant 0 : i32
    %dma_start3A_491 = arith.constant 0 : i32
    %dma_start3A_492 = tpu.memref_slice %arg9[%dma_start3A_489, %dma_start3A_491] : memref<16x128xi32, #tpu.memory_space<vmem>> -> memref<1x128xi32, #tpu.memory_space<vmem>>
    %dma_start3A_493 = tpu.memref_squeeze %dma_start3A_492 : memref<1x128xi32, #tpu.memory_space<vmem>> -> memref<128xi32, #tpu.memory_space<vmem>>
    %dma_start3A_494 = tpu.memref_slice %arg3[%add3A_472] : memref<65536xi32, #tpu.memory_space<hbm>> -> memref<128xi32, #tpu.memory_space<hbm>>
    %dma_start3A_495 = tpu.memref_slice %arg16[%dma_start3A_490] : memref<2x!tpu.dma_semaphore, #tpu.memory_space<semaphore_mem>> -> memref<1x!tpu.dma_semaphore, #tpu.memory_space<semaphore_mem>>
    %dma_start3A_496 = tpu.memref_squeeze %dma_start3A_495 : memref<1x!tpu.dma_semaphore, #tpu.memory_space<semaphore_mem>> -> memref<!tpu.dma_semaphore, #tpu.memory_space<semaphore_mem>>
    %dma_start3A_497 = arith.constant 0 : i32
    %dma_start3A_498 = tpu.memref_slice %arg9[%dma_start3A_489, %dma_start3A_497] : memref<16x128xi32, #tpu.memory_space<vmem>> -> memref<1x128xi32, #tpu.memory_space<vmem>>
    %dma_start3A_499 = tpu.memref_squeeze %dma_start3A_498 : memref<1x128xi32, #tpu.memory_space<vmem>> -> memref<128xi32, #tpu.memory_space<vmem>>
    %dma_start3A_500 = tpu.memref_slice %arg3[%add3A_472] : memref<65536xi32, #tpu.memory_space<hbm>> -> memref<128xi32, #tpu.memory_space<hbm>>
    tpu.enqueue_dma source(%dma_start3A_500 : memref<128xi32, #tpu.memory_space<hbm>>) target(%dma_start3A_499 : memref<128xi32, #tpu.memory_space<vmem>>) target_semaphore(%dma_start3A_496 : memref<!tpu.dma_semaphore, #tpu.memory_space<semaphore_mem>>)
    %dma_wait3A_501 = arith.constant 1 : i32
    %dma_wait3A_502 = arith.constant 1 : i32
    %dma_wait3A_503 = arith.constant 0 : i32
    %dma_wait3A_504 = arith.constant 0 : i32
    %dma_wait3A_505 = tpu.memref_slice %arg8[%dma_wait3A_501, %dma_wait3A_503, %dma_wait3A_504] : memref<2x128x128xf32, #tpu.memory_space<vmem>> -> memref<1x128x128xf32, #tpu.memory_space<vmem>>
    %dma_wait3A_506 = tpu.memref_squeeze %dma_wait3A_505 : memref<1x128x128xf32, #tpu.memory_space<vmem>> -> memref<128x128xf32, #tpu.memory_space<vmem>>
    %dma_wait3A_507 = arith.constant 0 : i32
    %dma_wait3A_508 = tpu.memref_slice %arg2[%add3A_411, %dma_wait3A_507] : memref<65536x128xf32, #tpu.memory_space<hbm>> -> memref<128x128xf32, #tpu.memory_space<hbm>>
    %dma_wait3A_509 = tpu.memref_slice %arg15[%dma_wait3A_502] : memref<2x!tpu.dma_semaphore, #tpu.memory_space<semaphore_mem>> -> memref<1x!tpu.dma_semaphore, #tpu.memory_space<semaphore_mem>>
    %dma_wait3A_510 = tpu.memref_squeeze %dma_wait3A_509 : memref<1x!tpu.dma_semaphore, #tpu.memory_space<semaphore_mem>> -> memref<!tpu.dma_semaphore, #tpu.memory_space<semaphore_mem>>
    %dma_wait3A_511 = arith.constant 0 : i32
    %dma_wait3A_512 = arith.constant 0 : i32
    %dma_wait3A_513 = tpu.memref_slice %arg8[%dma_wait3A_501, %dma_wait3A_511, %dma_wait3A_512] : memref<2x128x128xf32, #tpu.memory_space<vmem>> -> memref<1x128x128xf32, #tpu.memory_space<vmem>>
    %dma_wait3A_514 = tpu.memref_squeeze %dma_wait3A_513 : memref<1x128x128xf32, #tpu.memory_space<vmem>> -> memref<128x128xf32, #tpu.memory_space<vmem>>
    %dma_wait3A_515 = arith.constant 0 : i32
    %dma_wait3A_516 = tpu.memref_slice %arg2[%add3A_411, %dma_wait3A_515] : memref<65536x128xf32, #tpu.memory_space<hbm>> -> memref<128x128xf32, #tpu.memory_space<hbm>>
    tpu.wait_dma2 semaphore(%dma_wait3A_510 : memref<!tpu.dma_semaphore, #tpu.memory_space<semaphore_mem>>) src(%dma_wait3A_516 : memref<128x128xf32, #tpu.memory_space<hbm>>) dst(%dma_wait3A_514 : memref<128x128xf32, #tpu.memory_space<vmem>>)
    %dma_wait3A_517 = arith.constant 7 : i32
    %dma_wait3A_518 = arith.constant 1 : i32
    %dma_wait3A_519 = arith.constant 0 : i32
    %dma_wait3A_520 = tpu.memref_slice %arg9[%dma_wait3A_517, %dma_wait3A_519] : memref<16x128xi32, #tpu.memory_space<vmem>> -> memref<1x128xi32, #tpu.memory_space<vmem>>
    %dma_wait3A_521 = tpu.memref_squeeze %dma_wait3A_520 : memref<1x128xi32, #tpu.memory_space<vmem>> -> memref<128xi32, #tpu.memory_space<vmem>>
    %dma_wait3A_522 = tpu.memref_slice %arg3[%add3A_411] : memref<65536xi32, #tpu.memory_space<hbm>> -> memref<128xi32, #tpu.memory_space<hbm>>
    %dma_wait3A_523 = tpu.memref_slice %arg16[%dma_wait3A_518] : memref<2x!tpu.dma_semaphore, #tpu.memory_space<semaphore_mem>> -> memref<1x!tpu.dma_semaphore, #tpu.memory_space<semaphore_mem>>
    %dma_wait3A_524 = tpu.memref_squeeze %dma_wait3A_523 : memref<1x!tpu.dma_semaphore, #tpu.memory_space<semaphore_mem>> -> memref<!tpu.dma_semaphore, #tpu.memory_space<semaphore_mem>>
    %dma_wait3A_525 = arith.constant 0 : i32
    %dma_wait3A_526 = tpu.memref_slice %arg9[%dma_wait3A_517, %dma_wait3A_525] : memref<16x128xi32, #tpu.memory_space<vmem>> -> memref<1x128xi32, #tpu.memory_space<vmem>>
    %dma_wait3A_527 = tpu.memref_squeeze %dma_wait3A_526 : memref<1x128xi32, #tpu.memory_space<vmem>> -> memref<128xi32, #tpu.memory_space<vmem>>
    %dma_wait3A_528 = tpu.memref_slice %arg3[%add3A_411] : memref<65536xi32, #tpu.memory_space<hbm>> -> memref<128xi32, #tpu.memory_space<hbm>>
    tpu.wait_dma2 semaphore(%dma_wait3A_524 : memref<!tpu.dma_semaphore, #tpu.memory_space<semaphore_mem>>) src(%dma_wait3A_528 : memref<128xi32, #tpu.memory_space<hbm>>) dst(%dma_wait3A_527 : memref<128xi32, #tpu.memory_space<vmem>>)
    %run_scoped3A_529 = arith.constant 1 : i32
    %run_scoped3A_530 = arith.constant 7 : i32
    "tpu.region"() ({
      %run_scoped3A_1001 = tpu.sem_alloc : memref<!tpu.dma_semaphore, #tpu.memory_space<semaphore_mem>>
      %dma_start3A_1002 = arith.constant 0 : i32
      %dma_start3A_1003 = arith.constant 0 : i32
      %dma_start3A_1004 = tpu.memref_slice %arg8[%run_scoped3A_529, %dma_start3A_1002, %dma_start3A_1003] : memref<2x128x128xf32, #tpu.memory_space<vmem>> -> memref<1x128x128xf32, #tpu.memory_space<vmem>>
      %dma_start3A_1005 = tpu.memref_squeeze %dma_start3A_1004 : memref<1x128x128xf32, #tpu.memory_space<vmem>> -> memref<128x128xf32, #tpu.memory_space<vmem>>
      %dma_start3A_1006 = arith.constant 0 : i32
      %dma_start3A_1007 = tpu.memref_slice %arg9[%run_scoped3A_530, %dma_start3A_1006] : memref<16x128xi32, #tpu.memory_space<vmem>> -> memref<1x128xi32, #tpu.memory_space<vmem>>
      %dma_start3A_1008 = tpu.memref_squeeze %dma_start3A_1007 : memref<1x128xi32, #tpu.memory_space<vmem>> -> memref<128xi32, #tpu.memory_space<vmem>>
      %dma_start3A_1009 = arith.constant 0 : i32
      %dma_start3A_1010 = arith.constant 0 : i32
      %dma_start3A_1011 = tpu.memref_slice %arg13[%dma_start3A_1009, %dma_start3A_1010] : memref<128x128xf32, #tpu.memory_space<vmem_shared>> -> memref<128x128xf32, #tpu.memory_space<vmem_shared>>
      tpu.enqueue_indirect_dma source(%dma_start3A_1005 : memref<128x128xf32, #tpu.memory_space<vmem>>) target(%dma_start3A_1011 : memref<128x128xf32, #tpu.memory_space<vmem_shared>>) offsets(%dma_start3A_1008 : memref<128xi32, #tpu.memory_space<vmem>>) semaphore(%run_scoped3A_1001 : memref<!tpu.dma_semaphore, #tpu.memory_space<semaphore_mem>>) {add = true}
      %dma_wait3A_1012 = arith.constant 0 : i32
      %dma_wait3A_1013 = arith.constant 0 : i32
      %dma_wait3A_1014 = tpu.memref_slice %arg8[%run_scoped3A_529, %dma_wait3A_1012, %dma_wait3A_1013] : memref<2x128x128xf32, #tpu.memory_space<vmem>> -> memref<1x128x128xf32, #tpu.memory_space<vmem>>
      %dma_wait3A_1015 = tpu.memref_squeeze %dma_wait3A_1014 : memref<1x128x128xf32, #tpu.memory_space<vmem>> -> memref<128x128xf32, #tpu.memory_space<vmem>>
      %dma_wait3A_1016 = arith.constant 0 : i32
      %dma_wait3A_1017 = tpu.memref_slice %arg9[%run_scoped3A_530, %dma_wait3A_1016] : memref<16x128xi32, #tpu.memory_space<vmem>> -> memref<1x128xi32, #tpu.memory_space<vmem>>
      %dma_wait3A_1018 = tpu.memref_squeeze %dma_wait3A_1017 : memref<1x128xi32, #tpu.memory_space<vmem>> -> memref<128xi32, #tpu.memory_space<vmem>>
      %dma_wait3A_1019 = arith.constant 0 : i32
      %dma_wait3A_1020 = arith.constant 0 : i32
      %dma_wait3A_1021 = tpu.memref_slice %arg13[%dma_wait3A_1019, %dma_wait3A_1020] : memref<128x128xf32, #tpu.memory_space<vmem_shared>> -> memref<128x128xf32, #tpu.memory_space<vmem_shared>>
      tpu.wait_indirect_dma semaphore(%run_scoped3A_1001 : memref<!tpu.dma_semaphore, #tpu.memory_space<semaphore_mem>>) src(%dma_wait3A_1015 : memref<128x128xf32, #tpu.memory_space<vmem>>) dst(%dma_wait3A_1021 : memref<128x128xf32, #tpu.memory_space<vmem_shared>>)
      tpu.yield
    }) : () -> ()
    %run_scoped3A_531 = arith.constant 7 : i32
    "tpu.region"() ({
      %run_scoped3A_1001 = tpu.sem_alloc : memref<!tpu.dma_semaphore, #tpu.memory_space<semaphore_mem>>
      %dma_start3A_1002 = arith.constant 0 : i32
      %dma_start3A_1003 = tpu.memref_slice %arg9[%run_scoped3A_531, %dma_start3A_1002] : memref<16x128xi32, #tpu.memory_space<vmem>> -> memref<1x128xi32, #tpu.memory_space<vmem>>
      %dma_start3A_1004 = tpu.memref_squeeze %dma_start3A_1003 : memref<1x128xi32, #tpu.memory_space<vmem>> -> memref<128xi32, #tpu.memory_space<vmem>>
      %dma_start3A_1005 = arith.constant 0 : i32
      %dma_start3A_1006 = arith.constant 0 : i32
      %dma_start3A_1007 = tpu.memref_slice %arg14[%dma_start3A_1005, %dma_start3A_1006] : memref<128x16xf32, #tpu.memory_space<vmem_shared>> -> memref<128x16xf32, #tpu.memory_space<vmem_shared>>
      tpu.enqueue_indirect_dma source(%arg10 : memref<128x16xf32, #tpu.memory_space<vmem>>) target(%dma_start3A_1007 : memref<128x16xf32, #tpu.memory_space<vmem_shared>>) offsets(%dma_start3A_1004 : memref<128xi32, #tpu.memory_space<vmem>>) semaphore(%run_scoped3A_1001 : memref<!tpu.dma_semaphore, #tpu.memory_space<semaphore_mem>>) {add = true}
      %dma_wait3A_1008 = arith.constant 0 : i32
      %dma_wait3A_1009 = tpu.memref_slice %arg9[%run_scoped3A_531, %dma_wait3A_1008] : memref<16x128xi32, #tpu.memory_space<vmem>> -> memref<1x128xi32, #tpu.memory_space<vmem>>
      %dma_wait3A_1010 = tpu.memref_squeeze %dma_wait3A_1009 : memref<1x128xi32, #tpu.memory_space<vmem>> -> memref<128xi32, #tpu.memory_space<vmem>>
      %dma_wait3A_1011 = arith.constant 0 : i32
      %dma_wait3A_1012 = arith.constant 0 : i32
      %dma_wait3A_1013 = tpu.memref_slice %arg14[%dma_wait3A_1011, %dma_wait3A_1012] : memref<128x16xf32, #tpu.memory_space<vmem_shared>> -> memref<128x16xf32, #tpu.memory_space<vmem_shared>>
      tpu.wait_indirect_dma semaphore(%run_scoped3A_1001 : memref<!tpu.dma_semaphore, #tpu.memory_space<semaphore_mem>>) src(%arg10 : memref<128x16xf32, #tpu.memory_space<vmem>>) dst(%dma_wait3A_1013 : memref<128x16xf32, #tpu.memory_space<vmem_shared>>)
      tpu.yield
    }) : () -> ()
    %add3A_532 = arith.constant 1152 : i32
    %add3A_533 = arith.addi %mul3A_2, %add3A_532 : i32
    %dma_start3A_534 = arith.constant 1 : i32
    %dma_start3A_535 = arith.constant 1 : i32
    %dma_start3A_536 = arith.constant 0 : i32
    %dma_start3A_537 = arith.constant 0 : i32
    %dma_start3A_538 = tpu.memref_slice %arg8[%dma_start3A_534, %dma_start3A_536, %dma_start3A_537] : memref<2x128x128xf32, #tpu.memory_space<vmem>> -> memref<1x128x128xf32, #tpu.memory_space<vmem>>
    %dma_start3A_539 = tpu.memref_squeeze %dma_start3A_538 : memref<1x128x128xf32, #tpu.memory_space<vmem>> -> memref<128x128xf32, #tpu.memory_space<vmem>>
    %dma_start3A_540 = arith.constant 0 : i32
    %dma_start3A_541 = tpu.memref_slice %arg2[%add3A_533, %dma_start3A_540] : memref<65536x128xf32, #tpu.memory_space<hbm>> -> memref<128x128xf32, #tpu.memory_space<hbm>>
    %dma_start3A_542 = tpu.memref_slice %arg15[%dma_start3A_535] : memref<2x!tpu.dma_semaphore, #tpu.memory_space<semaphore_mem>> -> memref<1x!tpu.dma_semaphore, #tpu.memory_space<semaphore_mem>>
    %dma_start3A_543 = tpu.memref_squeeze %dma_start3A_542 : memref<1x!tpu.dma_semaphore, #tpu.memory_space<semaphore_mem>> -> memref<!tpu.dma_semaphore, #tpu.memory_space<semaphore_mem>>
    %dma_start3A_544 = arith.constant 0 : i32
    %dma_start3A_545 = arith.constant 0 : i32
    %dma_start3A_546 = tpu.memref_slice %arg8[%dma_start3A_534, %dma_start3A_544, %dma_start3A_545] : memref<2x128x128xf32, #tpu.memory_space<vmem>> -> memref<1x128x128xf32, #tpu.memory_space<vmem>>
    %dma_start3A_547 = tpu.memref_squeeze %dma_start3A_546 : memref<1x128x128xf32, #tpu.memory_space<vmem>> -> memref<128x128xf32, #tpu.memory_space<vmem>>
    %dma_start3A_548 = arith.constant 0 : i32
    %dma_start3A_549 = tpu.memref_slice %arg2[%add3A_533, %dma_start3A_548] : memref<65536x128xf32, #tpu.memory_space<hbm>> -> memref<128x128xf32, #tpu.memory_space<hbm>>
    tpu.enqueue_dma source(%dma_start3A_549 : memref<128x128xf32, #tpu.memory_space<hbm>>) target(%dma_start3A_547 : memref<128x128xf32, #tpu.memory_space<vmem>>) target_semaphore(%dma_start3A_543 : memref<!tpu.dma_semaphore, #tpu.memory_space<semaphore_mem>>)
    %dma_start3A_550 = arith.constant 9 : i32
    %dma_start3A_551 = arith.constant 1 : i32
    %dma_start3A_552 = arith.constant 0 : i32
    %dma_start3A_553 = tpu.memref_slice %arg9[%dma_start3A_550, %dma_start3A_552] : memref<16x128xi32, #tpu.memory_space<vmem>> -> memref<1x128xi32, #tpu.memory_space<vmem>>
    %dma_start3A_554 = tpu.memref_squeeze %dma_start3A_553 : memref<1x128xi32, #tpu.memory_space<vmem>> -> memref<128xi32, #tpu.memory_space<vmem>>
    %dma_start3A_555 = tpu.memref_slice %arg3[%add3A_533] : memref<65536xi32, #tpu.memory_space<hbm>> -> memref<128xi32, #tpu.memory_space<hbm>>
    %dma_start3A_556 = tpu.memref_slice %arg16[%dma_start3A_551] : memref<2x!tpu.dma_semaphore, #tpu.memory_space<semaphore_mem>> -> memref<1x!tpu.dma_semaphore, #tpu.memory_space<semaphore_mem>>
    %dma_start3A_557 = tpu.memref_squeeze %dma_start3A_556 : memref<1x!tpu.dma_semaphore, #tpu.memory_space<semaphore_mem>> -> memref<!tpu.dma_semaphore, #tpu.memory_space<semaphore_mem>>
    %dma_start3A_558 = arith.constant 0 : i32
    %dma_start3A_559 = tpu.memref_slice %arg9[%dma_start3A_550, %dma_start3A_558] : memref<16x128xi32, #tpu.memory_space<vmem>> -> memref<1x128xi32, #tpu.memory_space<vmem>>
    %dma_start3A_560 = tpu.memref_squeeze %dma_start3A_559 : memref<1x128xi32, #tpu.memory_space<vmem>> -> memref<128xi32, #tpu.memory_space<vmem>>
    %dma_start3A_561 = tpu.memref_slice %arg3[%add3A_533] : memref<65536xi32, #tpu.memory_space<hbm>> -> memref<128xi32, #tpu.memory_space<hbm>>
    tpu.enqueue_dma source(%dma_start3A_561 : memref<128xi32, #tpu.memory_space<hbm>>) target(%dma_start3A_560 : memref<128xi32, #tpu.memory_space<vmem>>) target_semaphore(%dma_start3A_557 : memref<!tpu.dma_semaphore, #tpu.memory_space<semaphore_mem>>)
    %dma_wait3A_562 = arith.constant 0 : i32
    %dma_wait3A_563 = arith.constant 0 : i32
    %dma_wait3A_564 = arith.constant 0 : i32
    %dma_wait3A_565 = arith.constant 0 : i32
    %dma_wait3A_566 = tpu.memref_slice %arg8[%dma_wait3A_562, %dma_wait3A_564, %dma_wait3A_565] : memref<2x128x128xf32, #tpu.memory_space<vmem>> -> memref<1x128x128xf32, #tpu.memory_space<vmem>>
    %dma_wait3A_567 = tpu.memref_squeeze %dma_wait3A_566 : memref<1x128x128xf32, #tpu.memory_space<vmem>> -> memref<128x128xf32, #tpu.memory_space<vmem>>
    %dma_wait3A_568 = arith.constant 0 : i32
    %dma_wait3A_569 = tpu.memref_slice %arg2[%add3A_472, %dma_wait3A_568] : memref<65536x128xf32, #tpu.memory_space<hbm>> -> memref<128x128xf32, #tpu.memory_space<hbm>>
    %dma_wait3A_570 = tpu.memref_slice %arg15[%dma_wait3A_563] : memref<2x!tpu.dma_semaphore, #tpu.memory_space<semaphore_mem>> -> memref<1x!tpu.dma_semaphore, #tpu.memory_space<semaphore_mem>>
    %dma_wait3A_571 = tpu.memref_squeeze %dma_wait3A_570 : memref<1x!tpu.dma_semaphore, #tpu.memory_space<semaphore_mem>> -> memref<!tpu.dma_semaphore, #tpu.memory_space<semaphore_mem>>
    %dma_wait3A_572 = arith.constant 0 : i32
    %dma_wait3A_573 = arith.constant 0 : i32
    %dma_wait3A_574 = tpu.memref_slice %arg8[%dma_wait3A_562, %dma_wait3A_572, %dma_wait3A_573] : memref<2x128x128xf32, #tpu.memory_space<vmem>> -> memref<1x128x128xf32, #tpu.memory_space<vmem>>
    %dma_wait3A_575 = tpu.memref_squeeze %dma_wait3A_574 : memref<1x128x128xf32, #tpu.memory_space<vmem>> -> memref<128x128xf32, #tpu.memory_space<vmem>>
    %dma_wait3A_576 = arith.constant 0 : i32
    %dma_wait3A_577 = tpu.memref_slice %arg2[%add3A_472, %dma_wait3A_576] : memref<65536x128xf32, #tpu.memory_space<hbm>> -> memref<128x128xf32, #tpu.memory_space<hbm>>
    tpu.wait_dma2 semaphore(%dma_wait3A_571 : memref<!tpu.dma_semaphore, #tpu.memory_space<semaphore_mem>>) src(%dma_wait3A_577 : memref<128x128xf32, #tpu.memory_space<hbm>>) dst(%dma_wait3A_575 : memref<128x128xf32, #tpu.memory_space<vmem>>)
    %dma_wait3A_578 = arith.constant 8 : i32
    %dma_wait3A_579 = arith.constant 0 : i32
    %dma_wait3A_580 = arith.constant 0 : i32
    %dma_wait3A_581 = tpu.memref_slice %arg9[%dma_wait3A_578, %dma_wait3A_580] : memref<16x128xi32, #tpu.memory_space<vmem>> -> memref<1x128xi32, #tpu.memory_space<vmem>>
    %dma_wait3A_582 = tpu.memref_squeeze %dma_wait3A_581 : memref<1x128xi32, #tpu.memory_space<vmem>> -> memref<128xi32, #tpu.memory_space<vmem>>
    %dma_wait3A_583 = tpu.memref_slice %arg3[%add3A_472] : memref<65536xi32, #tpu.memory_space<hbm>> -> memref<128xi32, #tpu.memory_space<hbm>>
    %dma_wait3A_584 = tpu.memref_slice %arg16[%dma_wait3A_579] : memref<2x!tpu.dma_semaphore, #tpu.memory_space<semaphore_mem>> -> memref<1x!tpu.dma_semaphore, #tpu.memory_space<semaphore_mem>>
    %dma_wait3A_585 = tpu.memref_squeeze %dma_wait3A_584 : memref<1x!tpu.dma_semaphore, #tpu.memory_space<semaphore_mem>> -> memref<!tpu.dma_semaphore, #tpu.memory_space<semaphore_mem>>
    %dma_wait3A_586 = arith.constant 0 : i32
    %dma_wait3A_587 = tpu.memref_slice %arg9[%dma_wait3A_578, %dma_wait3A_586] : memref<16x128xi32, #tpu.memory_space<vmem>> -> memref<1x128xi32, #tpu.memory_space<vmem>>
    %dma_wait3A_588 = tpu.memref_squeeze %dma_wait3A_587 : memref<1x128xi32, #tpu.memory_space<vmem>> -> memref<128xi32, #tpu.memory_space<vmem>>
    %dma_wait3A_589 = tpu.memref_slice %arg3[%add3A_472] : memref<65536xi32, #tpu.memory_space<hbm>> -> memref<128xi32, #tpu.memory_space<hbm>>
    tpu.wait_dma2 semaphore(%dma_wait3A_585 : memref<!tpu.dma_semaphore, #tpu.memory_space<semaphore_mem>>) src(%dma_wait3A_589 : memref<128xi32, #tpu.memory_space<hbm>>) dst(%dma_wait3A_588 : memref<128xi32, #tpu.memory_space<vmem>>)
    %run_scoped3A_590 = arith.constant 0 : i32
    %run_scoped3A_591 = arith.constant 8 : i32
    "tpu.region"() ({
      %run_scoped3A_1001 = tpu.sem_alloc : memref<!tpu.dma_semaphore, #tpu.memory_space<semaphore_mem>>
      %dma_start3A_1002 = arith.constant 0 : i32
      %dma_start3A_1003 = arith.constant 0 : i32
      %dma_start3A_1004 = tpu.memref_slice %arg8[%run_scoped3A_590, %dma_start3A_1002, %dma_start3A_1003] : memref<2x128x128xf32, #tpu.memory_space<vmem>> -> memref<1x128x128xf32, #tpu.memory_space<vmem>>
      %dma_start3A_1005 = tpu.memref_squeeze %dma_start3A_1004 : memref<1x128x128xf32, #tpu.memory_space<vmem>> -> memref<128x128xf32, #tpu.memory_space<vmem>>
      %dma_start3A_1006 = arith.constant 0 : i32
      %dma_start3A_1007 = tpu.memref_slice %arg9[%run_scoped3A_591, %dma_start3A_1006] : memref<16x128xi32, #tpu.memory_space<vmem>> -> memref<1x128xi32, #tpu.memory_space<vmem>>
      %dma_start3A_1008 = tpu.memref_squeeze %dma_start3A_1007 : memref<1x128xi32, #tpu.memory_space<vmem>> -> memref<128xi32, #tpu.memory_space<vmem>>
      %dma_start3A_1009 = arith.constant 0 : i32
      %dma_start3A_1010 = arith.constant 0 : i32
      %dma_start3A_1011 = tpu.memref_slice %arg13[%dma_start3A_1009, %dma_start3A_1010] : memref<128x128xf32, #tpu.memory_space<vmem_shared>> -> memref<128x128xf32, #tpu.memory_space<vmem_shared>>
      tpu.enqueue_indirect_dma source(%dma_start3A_1005 : memref<128x128xf32, #tpu.memory_space<vmem>>) target(%dma_start3A_1011 : memref<128x128xf32, #tpu.memory_space<vmem_shared>>) offsets(%dma_start3A_1008 : memref<128xi32, #tpu.memory_space<vmem>>) semaphore(%run_scoped3A_1001 : memref<!tpu.dma_semaphore, #tpu.memory_space<semaphore_mem>>) {add = true}
      %dma_wait3A_1012 = arith.constant 0 : i32
      %dma_wait3A_1013 = arith.constant 0 : i32
      %dma_wait3A_1014 = tpu.memref_slice %arg8[%run_scoped3A_590, %dma_wait3A_1012, %dma_wait3A_1013] : memref<2x128x128xf32, #tpu.memory_space<vmem>> -> memref<1x128x128xf32, #tpu.memory_space<vmem>>
      %dma_wait3A_1015 = tpu.memref_squeeze %dma_wait3A_1014 : memref<1x128x128xf32, #tpu.memory_space<vmem>> -> memref<128x128xf32, #tpu.memory_space<vmem>>
      %dma_wait3A_1016 = arith.constant 0 : i32
      %dma_wait3A_1017 = tpu.memref_slice %arg9[%run_scoped3A_591, %dma_wait3A_1016] : memref<16x128xi32, #tpu.memory_space<vmem>> -> memref<1x128xi32, #tpu.memory_space<vmem>>
      %dma_wait3A_1018 = tpu.memref_squeeze %dma_wait3A_1017 : memref<1x128xi32, #tpu.memory_space<vmem>> -> memref<128xi32, #tpu.memory_space<vmem>>
      %dma_wait3A_1019 = arith.constant 0 : i32
      %dma_wait3A_1020 = arith.constant 0 : i32
      %dma_wait3A_1021 = tpu.memref_slice %arg13[%dma_wait3A_1019, %dma_wait3A_1020] : memref<128x128xf32, #tpu.memory_space<vmem_shared>> -> memref<128x128xf32, #tpu.memory_space<vmem_shared>>
      tpu.wait_indirect_dma semaphore(%run_scoped3A_1001 : memref<!tpu.dma_semaphore, #tpu.memory_space<semaphore_mem>>) src(%dma_wait3A_1015 : memref<128x128xf32, #tpu.memory_space<vmem>>) dst(%dma_wait3A_1021 : memref<128x128xf32, #tpu.memory_space<vmem_shared>>)
      tpu.yield
    }) : () -> ()
    %run_scoped3A_592 = arith.constant 8 : i32
    "tpu.region"() ({
      %run_scoped3A_1001 = tpu.sem_alloc : memref<!tpu.dma_semaphore, #tpu.memory_space<semaphore_mem>>
      %dma_start3A_1002 = arith.constant 0 : i32
      %dma_start3A_1003 = tpu.memref_slice %arg9[%run_scoped3A_592, %dma_start3A_1002] : memref<16x128xi32, #tpu.memory_space<vmem>> -> memref<1x128xi32, #tpu.memory_space<vmem>>
      %dma_start3A_1004 = tpu.memref_squeeze %dma_start3A_1003 : memref<1x128xi32, #tpu.memory_space<vmem>> -> memref<128xi32, #tpu.memory_space<vmem>>
      %dma_start3A_1005 = arith.constant 0 : i32
      %dma_start3A_1006 = arith.constant 0 : i32
      %dma_start3A_1007 = tpu.memref_slice %arg14[%dma_start3A_1005, %dma_start3A_1006] : memref<128x16xf32, #tpu.memory_space<vmem_shared>> -> memref<128x16xf32, #tpu.memory_space<vmem_shared>>
      tpu.enqueue_indirect_dma source(%arg10 : memref<128x16xf32, #tpu.memory_space<vmem>>) target(%dma_start3A_1007 : memref<128x16xf32, #tpu.memory_space<vmem_shared>>) offsets(%dma_start3A_1004 : memref<128xi32, #tpu.memory_space<vmem>>) semaphore(%run_scoped3A_1001 : memref<!tpu.dma_semaphore, #tpu.memory_space<semaphore_mem>>) {add = true}
      %dma_wait3A_1008 = arith.constant 0 : i32
      %dma_wait3A_1009 = tpu.memref_slice %arg9[%run_scoped3A_592, %dma_wait3A_1008] : memref<16x128xi32, #tpu.memory_space<vmem>> -> memref<1x128xi32, #tpu.memory_space<vmem>>
      %dma_wait3A_1010 = tpu.memref_squeeze %dma_wait3A_1009 : memref<1x128xi32, #tpu.memory_space<vmem>> -> memref<128xi32, #tpu.memory_space<vmem>>
      %dma_wait3A_1011 = arith.constant 0 : i32
      %dma_wait3A_1012 = arith.constant 0 : i32
      %dma_wait3A_1013 = tpu.memref_slice %arg14[%dma_wait3A_1011, %dma_wait3A_1012] : memref<128x16xf32, #tpu.memory_space<vmem_shared>> -> memref<128x16xf32, #tpu.memory_space<vmem_shared>>
      tpu.wait_indirect_dma semaphore(%run_scoped3A_1001 : memref<!tpu.dma_semaphore, #tpu.memory_space<semaphore_mem>>) src(%arg10 : memref<128x16xf32, #tpu.memory_space<vmem>>) dst(%dma_wait3A_1013 : memref<128x16xf32, #tpu.memory_space<vmem_shared>>)
      tpu.yield
    }) : () -> ()
    %add3A_593 = arith.constant 1280 : i32
    %add3A_594 = arith.addi %mul3A_2, %add3A_593 : i32
    %dma_start3A_595 = arith.constant 0 : i32
    %dma_start3A_596 = arith.constant 0 : i32
    %dma_start3A_597 = arith.constant 0 : i32
    %dma_start3A_598 = arith.constant 0 : i32
    %dma_start3A_599 = tpu.memref_slice %arg8[%dma_start3A_595, %dma_start3A_597, %dma_start3A_598] : memref<2x128x128xf32, #tpu.memory_space<vmem>> -> memref<1x128x128xf32, #tpu.memory_space<vmem>>
    %dma_start3A_600 = tpu.memref_squeeze %dma_start3A_599 : memref<1x128x128xf32, #tpu.memory_space<vmem>> -> memref<128x128xf32, #tpu.memory_space<vmem>>
    %dma_start3A_601 = arith.constant 0 : i32
    %dma_start3A_602 = tpu.memref_slice %arg2[%add3A_594, %dma_start3A_601] : memref<65536x128xf32, #tpu.memory_space<hbm>> -> memref<128x128xf32, #tpu.memory_space<hbm>>
    %dma_start3A_603 = tpu.memref_slice %arg15[%dma_start3A_596] : memref<2x!tpu.dma_semaphore, #tpu.memory_space<semaphore_mem>> -> memref<1x!tpu.dma_semaphore, #tpu.memory_space<semaphore_mem>>
    %dma_start3A_604 = tpu.memref_squeeze %dma_start3A_603 : memref<1x!tpu.dma_semaphore, #tpu.memory_space<semaphore_mem>> -> memref<!tpu.dma_semaphore, #tpu.memory_space<semaphore_mem>>
    %dma_start3A_605 = arith.constant 0 : i32
    %dma_start3A_606 = arith.constant 0 : i32
    %dma_start3A_607 = tpu.memref_slice %arg8[%dma_start3A_595, %dma_start3A_605, %dma_start3A_606] : memref<2x128x128xf32, #tpu.memory_space<vmem>> -> memref<1x128x128xf32, #tpu.memory_space<vmem>>
    %dma_start3A_608 = tpu.memref_squeeze %dma_start3A_607 : memref<1x128x128xf32, #tpu.memory_space<vmem>> -> memref<128x128xf32, #tpu.memory_space<vmem>>
    %dma_start3A_609 = arith.constant 0 : i32
    %dma_start3A_610 = tpu.memref_slice %arg2[%add3A_594, %dma_start3A_609] : memref<65536x128xf32, #tpu.memory_space<hbm>> -> memref<128x128xf32, #tpu.memory_space<hbm>>
    tpu.enqueue_dma source(%dma_start3A_610 : memref<128x128xf32, #tpu.memory_space<hbm>>) target(%dma_start3A_608 : memref<128x128xf32, #tpu.memory_space<vmem>>) target_semaphore(%dma_start3A_604 : memref<!tpu.dma_semaphore, #tpu.memory_space<semaphore_mem>>)
    %dma_start3A_611 = arith.constant 10 : i32
    %dma_start3A_612 = arith.constant 0 : i32
    %dma_start3A_613 = arith.constant 0 : i32
    %dma_start3A_614 = tpu.memref_slice %arg9[%dma_start3A_611, %dma_start3A_613] : memref<16x128xi32, #tpu.memory_space<vmem>> -> memref<1x128xi32, #tpu.memory_space<vmem>>
    %dma_start3A_615 = tpu.memref_squeeze %dma_start3A_614 : memref<1x128xi32, #tpu.memory_space<vmem>> -> memref<128xi32, #tpu.memory_space<vmem>>
    %dma_start3A_616 = tpu.memref_slice %arg3[%add3A_594] : memref<65536xi32, #tpu.memory_space<hbm>> -> memref<128xi32, #tpu.memory_space<hbm>>
    %dma_start3A_617 = tpu.memref_slice %arg16[%dma_start3A_612] : memref<2x!tpu.dma_semaphore, #tpu.memory_space<semaphore_mem>> -> memref<1x!tpu.dma_semaphore, #tpu.memory_space<semaphore_mem>>
    %dma_start3A_618 = tpu.memref_squeeze %dma_start3A_617 : memref<1x!tpu.dma_semaphore, #tpu.memory_space<semaphore_mem>> -> memref<!tpu.dma_semaphore, #tpu.memory_space<semaphore_mem>>
    %dma_start3A_619 = arith.constant 0 : i32
    %dma_start3A_620 = tpu.memref_slice %arg9[%dma_start3A_611, %dma_start3A_619] : memref<16x128xi32, #tpu.memory_space<vmem>> -> memref<1x128xi32, #tpu.memory_space<vmem>>
    %dma_start3A_621 = tpu.memref_squeeze %dma_start3A_620 : memref<1x128xi32, #tpu.memory_space<vmem>> -> memref<128xi32, #tpu.memory_space<vmem>>
    %dma_start3A_622 = tpu.memref_slice %arg3[%add3A_594] : memref<65536xi32, #tpu.memory_space<hbm>> -> memref<128xi32, #tpu.memory_space<hbm>>
    tpu.enqueue_dma source(%dma_start3A_622 : memref<128xi32, #tpu.memory_space<hbm>>) target(%dma_start3A_621 : memref<128xi32, #tpu.memory_space<vmem>>) target_semaphore(%dma_start3A_618 : memref<!tpu.dma_semaphore, #tpu.memory_space<semaphore_mem>>)
    %dma_wait3A_623 = arith.constant 1 : i32
    %dma_wait3A_624 = arith.constant 1 : i32
    %dma_wait3A_625 = arith.constant 0 : i32
    %dma_wait3A_626 = arith.constant 0 : i32
    %dma_wait3A_627 = tpu.memref_slice %arg8[%dma_wait3A_623, %dma_wait3A_625, %dma_wait3A_626] : memref<2x128x128xf32, #tpu.memory_space<vmem>> -> memref<1x128x128xf32, #tpu.memory_space<vmem>>
    %dma_wait3A_628 = tpu.memref_squeeze %dma_wait3A_627 : memref<1x128x128xf32, #tpu.memory_space<vmem>> -> memref<128x128xf32, #tpu.memory_space<vmem>>
    %dma_wait3A_629 = arith.constant 0 : i32
    %dma_wait3A_630 = tpu.memref_slice %arg2[%add3A_533, %dma_wait3A_629] : memref<65536x128xf32, #tpu.memory_space<hbm>> -> memref<128x128xf32, #tpu.memory_space<hbm>>
    %dma_wait3A_631 = tpu.memref_slice %arg15[%dma_wait3A_624] : memref<2x!tpu.dma_semaphore, #tpu.memory_space<semaphore_mem>> -> memref<1x!tpu.dma_semaphore, #tpu.memory_space<semaphore_mem>>
    %dma_wait3A_632 = tpu.memref_squeeze %dma_wait3A_631 : memref<1x!tpu.dma_semaphore, #tpu.memory_space<semaphore_mem>> -> memref<!tpu.dma_semaphore, #tpu.memory_space<semaphore_mem>>
    %dma_wait3A_633 = arith.constant 0 : i32
    %dma_wait3A_634 = arith.constant 0 : i32
    %dma_wait3A_635 = tpu.memref_slice %arg8[%dma_wait3A_623, %dma_wait3A_633, %dma_wait3A_634] : memref<2x128x128xf32, #tpu.memory_space<vmem>> -> memref<1x128x128xf32, #tpu.memory_space<vmem>>
    %dma_wait3A_636 = tpu.memref_squeeze %dma_wait3A_635 : memref<1x128x128xf32, #tpu.memory_space<vmem>> -> memref<128x128xf32, #tpu.memory_space<vmem>>
    %dma_wait3A_637 = arith.constant 0 : i32
    %dma_wait3A_638 = tpu.memref_slice %arg2[%add3A_533, %dma_wait3A_637] : memref<65536x128xf32, #tpu.memory_space<hbm>> -> memref<128x128xf32, #tpu.memory_space<hbm>>
    tpu.wait_dma2 semaphore(%dma_wait3A_632 : memref<!tpu.dma_semaphore, #tpu.memory_space<semaphore_mem>>) src(%dma_wait3A_638 : memref<128x128xf32, #tpu.memory_space<hbm>>) dst(%dma_wait3A_636 : memref<128x128xf32, #tpu.memory_space<vmem>>)
    %dma_wait3A_639 = arith.constant 9 : i32
    %dma_wait3A_640 = arith.constant 1 : i32
    %dma_wait3A_641 = arith.constant 0 : i32
    %dma_wait3A_642 = tpu.memref_slice %arg9[%dma_wait3A_639, %dma_wait3A_641] : memref<16x128xi32, #tpu.memory_space<vmem>> -> memref<1x128xi32, #tpu.memory_space<vmem>>
    %dma_wait3A_643 = tpu.memref_squeeze %dma_wait3A_642 : memref<1x128xi32, #tpu.memory_space<vmem>> -> memref<128xi32, #tpu.memory_space<vmem>>
    %dma_wait3A_644 = tpu.memref_slice %arg3[%add3A_533] : memref<65536xi32, #tpu.memory_space<hbm>> -> memref<128xi32, #tpu.memory_space<hbm>>
    %dma_wait3A_645 = tpu.memref_slice %arg16[%dma_wait3A_640] : memref<2x!tpu.dma_semaphore, #tpu.memory_space<semaphore_mem>> -> memref<1x!tpu.dma_semaphore, #tpu.memory_space<semaphore_mem>>
    %dma_wait3A_646 = tpu.memref_squeeze %dma_wait3A_645 : memref<1x!tpu.dma_semaphore, #tpu.memory_space<semaphore_mem>> -> memref<!tpu.dma_semaphore, #tpu.memory_space<semaphore_mem>>
    %dma_wait3A_647 = arith.constant 0 : i32
    %dma_wait3A_648 = tpu.memref_slice %arg9[%dma_wait3A_639, %dma_wait3A_647] : memref<16x128xi32, #tpu.memory_space<vmem>> -> memref<1x128xi32, #tpu.memory_space<vmem>>
    %dma_wait3A_649 = tpu.memref_squeeze %dma_wait3A_648 : memref<1x128xi32, #tpu.memory_space<vmem>> -> memref<128xi32, #tpu.memory_space<vmem>>
    %dma_wait3A_650 = tpu.memref_slice %arg3[%add3A_533] : memref<65536xi32, #tpu.memory_space<hbm>> -> memref<128xi32, #tpu.memory_space<hbm>>
    tpu.wait_dma2 semaphore(%dma_wait3A_646 : memref<!tpu.dma_semaphore, #tpu.memory_space<semaphore_mem>>) src(%dma_wait3A_650 : memref<128xi32, #tpu.memory_space<hbm>>) dst(%dma_wait3A_649 : memref<128xi32, #tpu.memory_space<vmem>>)
    %run_scoped3A_651 = arith.constant 1 : i32
    %run_scoped3A_652 = arith.constant 9 : i32
    "tpu.region"() ({
      %run_scoped3A_1001 = tpu.sem_alloc : memref<!tpu.dma_semaphore, #tpu.memory_space<semaphore_mem>>
      %dma_start3A_1002 = arith.constant 0 : i32
      %dma_start3A_1003 = arith.constant 0 : i32
      %dma_start3A_1004 = tpu.memref_slice %arg8[%run_scoped3A_651, %dma_start3A_1002, %dma_start3A_1003] : memref<2x128x128xf32, #tpu.memory_space<vmem>> -> memref<1x128x128xf32, #tpu.memory_space<vmem>>
      %dma_start3A_1005 = tpu.memref_squeeze %dma_start3A_1004 : memref<1x128x128xf32, #tpu.memory_space<vmem>> -> memref<128x128xf32, #tpu.memory_space<vmem>>
      %dma_start3A_1006 = arith.constant 0 : i32
      %dma_start3A_1007 = tpu.memref_slice %arg9[%run_scoped3A_652, %dma_start3A_1006] : memref<16x128xi32, #tpu.memory_space<vmem>> -> memref<1x128xi32, #tpu.memory_space<vmem>>
      %dma_start3A_1008 = tpu.memref_squeeze %dma_start3A_1007 : memref<1x128xi32, #tpu.memory_space<vmem>> -> memref<128xi32, #tpu.memory_space<vmem>>
      %dma_start3A_1009 = arith.constant 0 : i32
      %dma_start3A_1010 = arith.constant 0 : i32
      %dma_start3A_1011 = tpu.memref_slice %arg13[%dma_start3A_1009, %dma_start3A_1010] : memref<128x128xf32, #tpu.memory_space<vmem_shared>> -> memref<128x128xf32, #tpu.memory_space<vmem_shared>>
      tpu.enqueue_indirect_dma source(%dma_start3A_1005 : memref<128x128xf32, #tpu.memory_space<vmem>>) target(%dma_start3A_1011 : memref<128x128xf32, #tpu.memory_space<vmem_shared>>) offsets(%dma_start3A_1008 : memref<128xi32, #tpu.memory_space<vmem>>) semaphore(%run_scoped3A_1001 : memref<!tpu.dma_semaphore, #tpu.memory_space<semaphore_mem>>) {add = true}
      %dma_wait3A_1012 = arith.constant 0 : i32
      %dma_wait3A_1013 = arith.constant 0 : i32
      %dma_wait3A_1014 = tpu.memref_slice %arg8[%run_scoped3A_651, %dma_wait3A_1012, %dma_wait3A_1013] : memref<2x128x128xf32, #tpu.memory_space<vmem>> -> memref<1x128x128xf32, #tpu.memory_space<vmem>>
      %dma_wait3A_1015 = tpu.memref_squeeze %dma_wait3A_1014 : memref<1x128x128xf32, #tpu.memory_space<vmem>> -> memref<128x128xf32, #tpu.memory_space<vmem>>
      %dma_wait3A_1016 = arith.constant 0 : i32
      %dma_wait3A_1017 = tpu.memref_slice %arg9[%run_scoped3A_652, %dma_wait3A_1016] : memref<16x128xi32, #tpu.memory_space<vmem>> -> memref<1x128xi32, #tpu.memory_space<vmem>>
      %dma_wait3A_1018 = tpu.memref_squeeze %dma_wait3A_1017 : memref<1x128xi32, #tpu.memory_space<vmem>> -> memref<128xi32, #tpu.memory_space<vmem>>
      %dma_wait3A_1019 = arith.constant 0 : i32
      %dma_wait3A_1020 = arith.constant 0 : i32
      %dma_wait3A_1021 = tpu.memref_slice %arg13[%dma_wait3A_1019, %dma_wait3A_1020] : memref<128x128xf32, #tpu.memory_space<vmem_shared>> -> memref<128x128xf32, #tpu.memory_space<vmem_shared>>
      tpu.wait_indirect_dma semaphore(%run_scoped3A_1001 : memref<!tpu.dma_semaphore, #tpu.memory_space<semaphore_mem>>) src(%dma_wait3A_1015 : memref<128x128xf32, #tpu.memory_space<vmem>>) dst(%dma_wait3A_1021 : memref<128x128xf32, #tpu.memory_space<vmem_shared>>)
      tpu.yield
    }) : () -> ()
    %run_scoped3A_653 = arith.constant 9 : i32
    "tpu.region"() ({
      %run_scoped3A_1001 = tpu.sem_alloc : memref<!tpu.dma_semaphore, #tpu.memory_space<semaphore_mem>>
      %dma_start3A_1002 = arith.constant 0 : i32
      %dma_start3A_1003 = tpu.memref_slice %arg9[%run_scoped3A_653, %dma_start3A_1002] : memref<16x128xi32, #tpu.memory_space<vmem>> -> memref<1x128xi32, #tpu.memory_space<vmem>>
      %dma_start3A_1004 = tpu.memref_squeeze %dma_start3A_1003 : memref<1x128xi32, #tpu.memory_space<vmem>> -> memref<128xi32, #tpu.memory_space<vmem>>
      %dma_start3A_1005 = arith.constant 0 : i32
      %dma_start3A_1006 = arith.constant 0 : i32
      %dma_start3A_1007 = tpu.memref_slice %arg14[%dma_start3A_1005, %dma_start3A_1006] : memref<128x16xf32, #tpu.memory_space<vmem_shared>> -> memref<128x16xf32, #tpu.memory_space<vmem_shared>>
      tpu.enqueue_indirect_dma source(%arg10 : memref<128x16xf32, #tpu.memory_space<vmem>>) target(%dma_start3A_1007 : memref<128x16xf32, #tpu.memory_space<vmem_shared>>) offsets(%dma_start3A_1004 : memref<128xi32, #tpu.memory_space<vmem>>) semaphore(%run_scoped3A_1001 : memref<!tpu.dma_semaphore, #tpu.memory_space<semaphore_mem>>) {add = true}
      %dma_wait3A_1008 = arith.constant 0 : i32
      %dma_wait3A_1009 = tpu.memref_slice %arg9[%run_scoped3A_653, %dma_wait3A_1008] : memref<16x128xi32, #tpu.memory_space<vmem>> -> memref<1x128xi32, #tpu.memory_space<vmem>>
      %dma_wait3A_1010 = tpu.memref_squeeze %dma_wait3A_1009 : memref<1x128xi32, #tpu.memory_space<vmem>> -> memref<128xi32, #tpu.memory_space<vmem>>
      %dma_wait3A_1011 = arith.constant 0 : i32
      %dma_wait3A_1012 = arith.constant 0 : i32
      %dma_wait3A_1013 = tpu.memref_slice %arg14[%dma_wait3A_1011, %dma_wait3A_1012] : memref<128x16xf32, #tpu.memory_space<vmem_shared>> -> memref<128x16xf32, #tpu.memory_space<vmem_shared>>
      tpu.wait_indirect_dma semaphore(%run_scoped3A_1001 : memref<!tpu.dma_semaphore, #tpu.memory_space<semaphore_mem>>) src(%arg10 : memref<128x16xf32, #tpu.memory_space<vmem>>) dst(%dma_wait3A_1013 : memref<128x16xf32, #tpu.memory_space<vmem_shared>>)
      tpu.yield
    }) : () -> ()
    %add3A_654 = arith.constant 1408 : i32
    %add3A_655 = arith.addi %mul3A_2, %add3A_654 : i32
    %dma_start3A_656 = arith.constant 1 : i32
    %dma_start3A_657 = arith.constant 1 : i32
    %dma_start3A_658 = arith.constant 0 : i32
    %dma_start3A_659 = arith.constant 0 : i32
    %dma_start3A_660 = tpu.memref_slice %arg8[%dma_start3A_656, %dma_start3A_658, %dma_start3A_659] : memref<2x128x128xf32, #tpu.memory_space<vmem>> -> memref<1x128x128xf32, #tpu.memory_space<vmem>>
    %dma_start3A_661 = tpu.memref_squeeze %dma_start3A_660 : memref<1x128x128xf32, #tpu.memory_space<vmem>> -> memref<128x128xf32, #tpu.memory_space<vmem>>
    %dma_start3A_662 = arith.constant 0 : i32
    %dma_start3A_663 = tpu.memref_slice %arg2[%add3A_655, %dma_start3A_662] : memref<65536x128xf32, #tpu.memory_space<hbm>> -> memref<128x128xf32, #tpu.memory_space<hbm>>
    %dma_start3A_664 = tpu.memref_slice %arg15[%dma_start3A_657] : memref<2x!tpu.dma_semaphore, #tpu.memory_space<semaphore_mem>> -> memref<1x!tpu.dma_semaphore, #tpu.memory_space<semaphore_mem>>
    %dma_start3A_665 = tpu.memref_squeeze %dma_start3A_664 : memref<1x!tpu.dma_semaphore, #tpu.memory_space<semaphore_mem>> -> memref<!tpu.dma_semaphore, #tpu.memory_space<semaphore_mem>>
    %dma_start3A_666 = arith.constant 0 : i32
    %dma_start3A_667 = arith.constant 0 : i32
    %dma_start3A_668 = tpu.memref_slice %arg8[%dma_start3A_656, %dma_start3A_666, %dma_start3A_667] : memref<2x128x128xf32, #tpu.memory_space<vmem>> -> memref<1x128x128xf32, #tpu.memory_space<vmem>>
    %dma_start3A_669 = tpu.memref_squeeze %dma_start3A_668 : memref<1x128x128xf32, #tpu.memory_space<vmem>> -> memref<128x128xf32, #tpu.memory_space<vmem>>
    %dma_start3A_670 = arith.constant 0 : i32
    %dma_start3A_671 = tpu.memref_slice %arg2[%add3A_655, %dma_start3A_670] : memref<65536x128xf32, #tpu.memory_space<hbm>> -> memref<128x128xf32, #tpu.memory_space<hbm>>
    tpu.enqueue_dma source(%dma_start3A_671 : memref<128x128xf32, #tpu.memory_space<hbm>>) target(%dma_start3A_669 : memref<128x128xf32, #tpu.memory_space<vmem>>) target_semaphore(%dma_start3A_665 : memref<!tpu.dma_semaphore, #tpu.memory_space<semaphore_mem>>)
    %dma_start3A_672 = arith.constant 11 : i32
    %dma_start3A_673 = arith.constant 1 : i32
    %dma_start3A_674 = arith.constant 0 : i32
    %dma_start3A_675 = tpu.memref_slice %arg9[%dma_start3A_672, %dma_start3A_674] : memref<16x128xi32, #tpu.memory_space<vmem>> -> memref<1x128xi32, #tpu.memory_space<vmem>>
    %dma_start3A_676 = tpu.memref_squeeze %dma_start3A_675 : memref<1x128xi32, #tpu.memory_space<vmem>> -> memref<128xi32, #tpu.memory_space<vmem>>
    %dma_start3A_677 = tpu.memref_slice %arg3[%add3A_655] : memref<65536xi32, #tpu.memory_space<hbm>> -> memref<128xi32, #tpu.memory_space<hbm>>
    %dma_start3A_678 = tpu.memref_slice %arg16[%dma_start3A_673] : memref<2x!tpu.dma_semaphore, #tpu.memory_space<semaphore_mem>> -> memref<1x!tpu.dma_semaphore, #tpu.memory_space<semaphore_mem>>
    %dma_start3A_679 = tpu.memref_squeeze %dma_start3A_678 : memref<1x!tpu.dma_semaphore, #tpu.memory_space<semaphore_mem>> -> memref<!tpu.dma_semaphore, #tpu.memory_space<semaphore_mem>>
    %dma_start3A_680 = arith.constant 0 : i32
    %dma_start3A_681 = tpu.memref_slice %arg9[%dma_start3A_672, %dma_start3A_680] : memref<16x128xi32, #tpu.memory_space<vmem>> -> memref<1x128xi32, #tpu.memory_space<vmem>>
    %dma_start3A_682 = tpu.memref_squeeze %dma_start3A_681 : memref<1x128xi32, #tpu.memory_space<vmem>> -> memref<128xi32, #tpu.memory_space<vmem>>
    %dma_start3A_683 = tpu.memref_slice %arg3[%add3A_655] : memref<65536xi32, #tpu.memory_space<hbm>> -> memref<128xi32, #tpu.memory_space<hbm>>
    tpu.enqueue_dma source(%dma_start3A_683 : memref<128xi32, #tpu.memory_space<hbm>>) target(%dma_start3A_682 : memref<128xi32, #tpu.memory_space<vmem>>) target_semaphore(%dma_start3A_679 : memref<!tpu.dma_semaphore, #tpu.memory_space<semaphore_mem>>)
    %dma_wait3A_684 = arith.constant 0 : i32
    %dma_wait3A_685 = arith.constant 0 : i32
    %dma_wait3A_686 = arith.constant 0 : i32
    %dma_wait3A_687 = arith.constant 0 : i32
    %dma_wait3A_688 = tpu.memref_slice %arg8[%dma_wait3A_684, %dma_wait3A_686, %dma_wait3A_687] : memref<2x128x128xf32, #tpu.memory_space<vmem>> -> memref<1x128x128xf32, #tpu.memory_space<vmem>>
    %dma_wait3A_689 = tpu.memref_squeeze %dma_wait3A_688 : memref<1x128x128xf32, #tpu.memory_space<vmem>> -> memref<128x128xf32, #tpu.memory_space<vmem>>
    %dma_wait3A_690 = arith.constant 0 : i32
    %dma_wait3A_691 = tpu.memref_slice %arg2[%add3A_594, %dma_wait3A_690] : memref<65536x128xf32, #tpu.memory_space<hbm>> -> memref<128x128xf32, #tpu.memory_space<hbm>>
    %dma_wait3A_692 = tpu.memref_slice %arg15[%dma_wait3A_685] : memref<2x!tpu.dma_semaphore, #tpu.memory_space<semaphore_mem>> -> memref<1x!tpu.dma_semaphore, #tpu.memory_space<semaphore_mem>>
    %dma_wait3A_693 = tpu.memref_squeeze %dma_wait3A_692 : memref<1x!tpu.dma_semaphore, #tpu.memory_space<semaphore_mem>> -> memref<!tpu.dma_semaphore, #tpu.memory_space<semaphore_mem>>
    %dma_wait3A_694 = arith.constant 0 : i32
    %dma_wait3A_695 = arith.constant 0 : i32
    %dma_wait3A_696 = tpu.memref_slice %arg8[%dma_wait3A_684, %dma_wait3A_694, %dma_wait3A_695] : memref<2x128x128xf32, #tpu.memory_space<vmem>> -> memref<1x128x128xf32, #tpu.memory_space<vmem>>
    %dma_wait3A_697 = tpu.memref_squeeze %dma_wait3A_696 : memref<1x128x128xf32, #tpu.memory_space<vmem>> -> memref<128x128xf32, #tpu.memory_space<vmem>>
    %dma_wait3A_698 = arith.constant 0 : i32
    %dma_wait3A_699 = tpu.memref_slice %arg2[%add3A_594, %dma_wait3A_698] : memref<65536x128xf32, #tpu.memory_space<hbm>> -> memref<128x128xf32, #tpu.memory_space<hbm>>
    tpu.wait_dma2 semaphore(%dma_wait3A_693 : memref<!tpu.dma_semaphore, #tpu.memory_space<semaphore_mem>>) src(%dma_wait3A_699 : memref<128x128xf32, #tpu.memory_space<hbm>>) dst(%dma_wait3A_697 : memref<128x128xf32, #tpu.memory_space<vmem>>)
    %dma_wait3A_700 = arith.constant 10 : i32
    %dma_wait3A_701 = arith.constant 0 : i32
    %dma_wait3A_702 = arith.constant 0 : i32
    %dma_wait3A_703 = tpu.memref_slice %arg9[%dma_wait3A_700, %dma_wait3A_702] : memref<16x128xi32, #tpu.memory_space<vmem>> -> memref<1x128xi32, #tpu.memory_space<vmem>>
    %dma_wait3A_704 = tpu.memref_squeeze %dma_wait3A_703 : memref<1x128xi32, #tpu.memory_space<vmem>> -> memref<128xi32, #tpu.memory_space<vmem>>
    %dma_wait3A_705 = tpu.memref_slice %arg3[%add3A_594] : memref<65536xi32, #tpu.memory_space<hbm>> -> memref<128xi32, #tpu.memory_space<hbm>>
    %dma_wait3A_706 = tpu.memref_slice %arg16[%dma_wait3A_701] : memref<2x!tpu.dma_semaphore, #tpu.memory_space<semaphore_mem>> -> memref<1x!tpu.dma_semaphore, #tpu.memory_space<semaphore_mem>>
    %dma_wait3A_707 = tpu.memref_squeeze %dma_wait3A_706 : memref<1x!tpu.dma_semaphore, #tpu.memory_space<semaphore_mem>> -> memref<!tpu.dma_semaphore, #tpu.memory_space<semaphore_mem>>
    %dma_wait3A_708 = arith.constant 0 : i32
    %dma_wait3A_709 = tpu.memref_slice %arg9[%dma_wait3A_700, %dma_wait3A_708] : memref<16x128xi32, #tpu.memory_space<vmem>> -> memref<1x128xi32, #tpu.memory_space<vmem>>
    %dma_wait3A_710 = tpu.memref_squeeze %dma_wait3A_709 : memref<1x128xi32, #tpu.memory_space<vmem>> -> memref<128xi32, #tpu.memory_space<vmem>>
    %dma_wait3A_711 = tpu.memref_slice %arg3[%add3A_594] : memref<65536xi32, #tpu.memory_space<hbm>> -> memref<128xi32, #tpu.memory_space<hbm>>
    tpu.wait_dma2 semaphore(%dma_wait3A_707 : memref<!tpu.dma_semaphore, #tpu.memory_space<semaphore_mem>>) src(%dma_wait3A_711 : memref<128xi32, #tpu.memory_space<hbm>>) dst(%dma_wait3A_710 : memref<128xi32, #tpu.memory_space<vmem>>)
    %run_scoped3A_712 = arith.constant 0 : i32
    %run_scoped3A_713 = arith.constant 10 : i32
    "tpu.region"() ({
      %run_scoped3A_1001 = tpu.sem_alloc : memref<!tpu.dma_semaphore, #tpu.memory_space<semaphore_mem>>
      %dma_start3A_1002 = arith.constant 0 : i32
      %dma_start3A_1003 = arith.constant 0 : i32
      %dma_start3A_1004 = tpu.memref_slice %arg8[%run_scoped3A_712, %dma_start3A_1002, %dma_start3A_1003] : memref<2x128x128xf32, #tpu.memory_space<vmem>> -> memref<1x128x128xf32, #tpu.memory_space<vmem>>
      %dma_start3A_1005 = tpu.memref_squeeze %dma_start3A_1004 : memref<1x128x128xf32, #tpu.memory_space<vmem>> -> memref<128x128xf32, #tpu.memory_space<vmem>>
      %dma_start3A_1006 = arith.constant 0 : i32
      %dma_start3A_1007 = tpu.memref_slice %arg9[%run_scoped3A_713, %dma_start3A_1006] : memref<16x128xi32, #tpu.memory_space<vmem>> -> memref<1x128xi32, #tpu.memory_space<vmem>>
      %dma_start3A_1008 = tpu.memref_squeeze %dma_start3A_1007 : memref<1x128xi32, #tpu.memory_space<vmem>> -> memref<128xi32, #tpu.memory_space<vmem>>
      %dma_start3A_1009 = arith.constant 0 : i32
      %dma_start3A_1010 = arith.constant 0 : i32
      %dma_start3A_1011 = tpu.memref_slice %arg13[%dma_start3A_1009, %dma_start3A_1010] : memref<128x128xf32, #tpu.memory_space<vmem_shared>> -> memref<128x128xf32, #tpu.memory_space<vmem_shared>>
      tpu.enqueue_indirect_dma source(%dma_start3A_1005 : memref<128x128xf32, #tpu.memory_space<vmem>>) target(%dma_start3A_1011 : memref<128x128xf32, #tpu.memory_space<vmem_shared>>) offsets(%dma_start3A_1008 : memref<128xi32, #tpu.memory_space<vmem>>) semaphore(%run_scoped3A_1001 : memref<!tpu.dma_semaphore, #tpu.memory_space<semaphore_mem>>) {add = true}
      %dma_wait3A_1012 = arith.constant 0 : i32
      %dma_wait3A_1013 = arith.constant 0 : i32
      %dma_wait3A_1014 = tpu.memref_slice %arg8[%run_scoped3A_712, %dma_wait3A_1012, %dma_wait3A_1013] : memref<2x128x128xf32, #tpu.memory_space<vmem>> -> memref<1x128x128xf32, #tpu.memory_space<vmem>>
      %dma_wait3A_1015 = tpu.memref_squeeze %dma_wait3A_1014 : memref<1x128x128xf32, #tpu.memory_space<vmem>> -> memref<128x128xf32, #tpu.memory_space<vmem>>
      %dma_wait3A_1016 = arith.constant 0 : i32
      %dma_wait3A_1017 = tpu.memref_slice %arg9[%run_scoped3A_713, %dma_wait3A_1016] : memref<16x128xi32, #tpu.memory_space<vmem>> -> memref<1x128xi32, #tpu.memory_space<vmem>>
      %dma_wait3A_1018 = tpu.memref_squeeze %dma_wait3A_1017 : memref<1x128xi32, #tpu.memory_space<vmem>> -> memref<128xi32, #tpu.memory_space<vmem>>
      %dma_wait3A_1019 = arith.constant 0 : i32
      %dma_wait3A_1020 = arith.constant 0 : i32
      %dma_wait3A_1021 = tpu.memref_slice %arg13[%dma_wait3A_1019, %dma_wait3A_1020] : memref<128x128xf32, #tpu.memory_space<vmem_shared>> -> memref<128x128xf32, #tpu.memory_space<vmem_shared>>
      tpu.wait_indirect_dma semaphore(%run_scoped3A_1001 : memref<!tpu.dma_semaphore, #tpu.memory_space<semaphore_mem>>) src(%dma_wait3A_1015 : memref<128x128xf32, #tpu.memory_space<vmem>>) dst(%dma_wait3A_1021 : memref<128x128xf32, #tpu.memory_space<vmem_shared>>)
      tpu.yield
    }) : () -> ()
    %run_scoped3A_714 = arith.constant 10 : i32
    "tpu.region"() ({
      %run_scoped3A_1001 = tpu.sem_alloc : memref<!tpu.dma_semaphore, #tpu.memory_space<semaphore_mem>>
      %dma_start3A_1002 = arith.constant 0 : i32
      %dma_start3A_1003 = tpu.memref_slice %arg9[%run_scoped3A_714, %dma_start3A_1002] : memref<16x128xi32, #tpu.memory_space<vmem>> -> memref<1x128xi32, #tpu.memory_space<vmem>>
      %dma_start3A_1004 = tpu.memref_squeeze %dma_start3A_1003 : memref<1x128xi32, #tpu.memory_space<vmem>> -> memref<128xi32, #tpu.memory_space<vmem>>
      %dma_start3A_1005 = arith.constant 0 : i32
      %dma_start3A_1006 = arith.constant 0 : i32
      %dma_start3A_1007 = tpu.memref_slice %arg14[%dma_start3A_1005, %dma_start3A_1006] : memref<128x16xf32, #tpu.memory_space<vmem_shared>> -> memref<128x16xf32, #tpu.memory_space<vmem_shared>>
      tpu.enqueue_indirect_dma source(%arg10 : memref<128x16xf32, #tpu.memory_space<vmem>>) target(%dma_start3A_1007 : memref<128x16xf32, #tpu.memory_space<vmem_shared>>) offsets(%dma_start3A_1004 : memref<128xi32, #tpu.memory_space<vmem>>) semaphore(%run_scoped3A_1001 : memref<!tpu.dma_semaphore, #tpu.memory_space<semaphore_mem>>) {add = true}
      %dma_wait3A_1008 = arith.constant 0 : i32
      %dma_wait3A_1009 = tpu.memref_slice %arg9[%run_scoped3A_714, %dma_wait3A_1008] : memref<16x128xi32, #tpu.memory_space<vmem>> -> memref<1x128xi32, #tpu.memory_space<vmem>>
      %dma_wait3A_1010 = tpu.memref_squeeze %dma_wait3A_1009 : memref<1x128xi32, #tpu.memory_space<vmem>> -> memref<128xi32, #tpu.memory_space<vmem>>
      %dma_wait3A_1011 = arith.constant 0 : i32
      %dma_wait3A_1012 = arith.constant 0 : i32
      %dma_wait3A_1013 = tpu.memref_slice %arg14[%dma_wait3A_1011, %dma_wait3A_1012] : memref<128x16xf32, #tpu.memory_space<vmem_shared>> -> memref<128x16xf32, #tpu.memory_space<vmem_shared>>
      tpu.wait_indirect_dma semaphore(%run_scoped3A_1001 : memref<!tpu.dma_semaphore, #tpu.memory_space<semaphore_mem>>) src(%arg10 : memref<128x16xf32, #tpu.memory_space<vmem>>) dst(%dma_wait3A_1013 : memref<128x16xf32, #tpu.memory_space<vmem_shared>>)
      tpu.yield
    }) : () -> ()
    %add3A_715 = arith.constant 1536 : i32
    %add3A_716 = arith.addi %mul3A_2, %add3A_715 : i32
    %dma_start3A_717 = arith.constant 0 : i32
    %dma_start3A_718 = arith.constant 0 : i32
    %dma_start3A_719 = arith.constant 0 : i32
    %dma_start3A_720 = arith.constant 0 : i32
    %dma_start3A_721 = tpu.memref_slice %arg8[%dma_start3A_717, %dma_start3A_719, %dma_start3A_720] : memref<2x128x128xf32, #tpu.memory_space<vmem>> -> memref<1x128x128xf32, #tpu.memory_space<vmem>>
    %dma_start3A_722 = tpu.memref_squeeze %dma_start3A_721 : memref<1x128x128xf32, #tpu.memory_space<vmem>> -> memref<128x128xf32, #tpu.memory_space<vmem>>
    %dma_start3A_723 = arith.constant 0 : i32
    %dma_start3A_724 = tpu.memref_slice %arg2[%add3A_716, %dma_start3A_723] : memref<65536x128xf32, #tpu.memory_space<hbm>> -> memref<128x128xf32, #tpu.memory_space<hbm>>
    %dma_start3A_725 = tpu.memref_slice %arg15[%dma_start3A_718] : memref<2x!tpu.dma_semaphore, #tpu.memory_space<semaphore_mem>> -> memref<1x!tpu.dma_semaphore, #tpu.memory_space<semaphore_mem>>
    %dma_start3A_726 = tpu.memref_squeeze %dma_start3A_725 : memref<1x!tpu.dma_semaphore, #tpu.memory_space<semaphore_mem>> -> memref<!tpu.dma_semaphore, #tpu.memory_space<semaphore_mem>>
    %dma_start3A_727 = arith.constant 0 : i32
    %dma_start3A_728 = arith.constant 0 : i32
    %dma_start3A_729 = tpu.memref_slice %arg8[%dma_start3A_717, %dma_start3A_727, %dma_start3A_728] : memref<2x128x128xf32, #tpu.memory_space<vmem>> -> memref<1x128x128xf32, #tpu.memory_space<vmem>>
    %dma_start3A_730 = tpu.memref_squeeze %dma_start3A_729 : memref<1x128x128xf32, #tpu.memory_space<vmem>> -> memref<128x128xf32, #tpu.memory_space<vmem>>
    %dma_start3A_731 = arith.constant 0 : i32
    %dma_start3A_732 = tpu.memref_slice %arg2[%add3A_716, %dma_start3A_731] : memref<65536x128xf32, #tpu.memory_space<hbm>> -> memref<128x128xf32, #tpu.memory_space<hbm>>
    tpu.enqueue_dma source(%dma_start3A_732 : memref<128x128xf32, #tpu.memory_space<hbm>>) target(%dma_start3A_730 : memref<128x128xf32, #tpu.memory_space<vmem>>) target_semaphore(%dma_start3A_726 : memref<!tpu.dma_semaphore, #tpu.memory_space<semaphore_mem>>)
    %dma_start3A_733 = arith.constant 12 : i32
    %dma_start3A_734 = arith.constant 0 : i32
    %dma_start3A_735 = arith.constant 0 : i32
    %dma_start3A_736 = tpu.memref_slice %arg9[%dma_start3A_733, %dma_start3A_735] : memref<16x128xi32, #tpu.memory_space<vmem>> -> memref<1x128xi32, #tpu.memory_space<vmem>>
    %dma_start3A_737 = tpu.memref_squeeze %dma_start3A_736 : memref<1x128xi32, #tpu.memory_space<vmem>> -> memref<128xi32, #tpu.memory_space<vmem>>
    %dma_start3A_738 = tpu.memref_slice %arg3[%add3A_716] : memref<65536xi32, #tpu.memory_space<hbm>> -> memref<128xi32, #tpu.memory_space<hbm>>
    %dma_start3A_739 = tpu.memref_slice %arg16[%dma_start3A_734] : memref<2x!tpu.dma_semaphore, #tpu.memory_space<semaphore_mem>> -> memref<1x!tpu.dma_semaphore, #tpu.memory_space<semaphore_mem>>
    %dma_start3A_740 = tpu.memref_squeeze %dma_start3A_739 : memref<1x!tpu.dma_semaphore, #tpu.memory_space<semaphore_mem>> -> memref<!tpu.dma_semaphore, #tpu.memory_space<semaphore_mem>>
    %dma_start3A_741 = arith.constant 0 : i32
    %dma_start3A_742 = tpu.memref_slice %arg9[%dma_start3A_733, %dma_start3A_741] : memref<16x128xi32, #tpu.memory_space<vmem>> -> memref<1x128xi32, #tpu.memory_space<vmem>>
    %dma_start3A_743 = tpu.memref_squeeze %dma_start3A_742 : memref<1x128xi32, #tpu.memory_space<vmem>> -> memref<128xi32, #tpu.memory_space<vmem>>
    %dma_start3A_744 = tpu.memref_slice %arg3[%add3A_716] : memref<65536xi32, #tpu.memory_space<hbm>> -> memref<128xi32, #tpu.memory_space<hbm>>
    tpu.enqueue_dma source(%dma_start3A_744 : memref<128xi32, #tpu.memory_space<hbm>>) target(%dma_start3A_743 : memref<128xi32, #tpu.memory_space<vmem>>) target_semaphore(%dma_start3A_740 : memref<!tpu.dma_semaphore, #tpu.memory_space<semaphore_mem>>)
    %dma_wait3A_745 = arith.constant 1 : i32
    %dma_wait3A_746 = arith.constant 1 : i32
    %dma_wait3A_747 = arith.constant 0 : i32
    %dma_wait3A_748 = arith.constant 0 : i32
    %dma_wait3A_749 = tpu.memref_slice %arg8[%dma_wait3A_745, %dma_wait3A_747, %dma_wait3A_748] : memref<2x128x128xf32, #tpu.memory_space<vmem>> -> memref<1x128x128xf32, #tpu.memory_space<vmem>>
    %dma_wait3A_750 = tpu.memref_squeeze %dma_wait3A_749 : memref<1x128x128xf32, #tpu.memory_space<vmem>> -> memref<128x128xf32, #tpu.memory_space<vmem>>
    %dma_wait3A_751 = arith.constant 0 : i32
    %dma_wait3A_752 = tpu.memref_slice %arg2[%add3A_655, %dma_wait3A_751] : memref<65536x128xf32, #tpu.memory_space<hbm>> -> memref<128x128xf32, #tpu.memory_space<hbm>>
    %dma_wait3A_753 = tpu.memref_slice %arg15[%dma_wait3A_746] : memref<2x!tpu.dma_semaphore, #tpu.memory_space<semaphore_mem>> -> memref<1x!tpu.dma_semaphore, #tpu.memory_space<semaphore_mem>>
    %dma_wait3A_754 = tpu.memref_squeeze %dma_wait3A_753 : memref<1x!tpu.dma_semaphore, #tpu.memory_space<semaphore_mem>> -> memref<!tpu.dma_semaphore, #tpu.memory_space<semaphore_mem>>
    %dma_wait3A_755 = arith.constant 0 : i32
    %dma_wait3A_756 = arith.constant 0 : i32
    %dma_wait3A_757 = tpu.memref_slice %arg8[%dma_wait3A_745, %dma_wait3A_755, %dma_wait3A_756] : memref<2x128x128xf32, #tpu.memory_space<vmem>> -> memref<1x128x128xf32, #tpu.memory_space<vmem>>
    %dma_wait3A_758 = tpu.memref_squeeze %dma_wait3A_757 : memref<1x128x128xf32, #tpu.memory_space<vmem>> -> memref<128x128xf32, #tpu.memory_space<vmem>>
    %dma_wait3A_759 = arith.constant 0 : i32
    %dma_wait3A_760 = tpu.memref_slice %arg2[%add3A_655, %dma_wait3A_759] : memref<65536x128xf32, #tpu.memory_space<hbm>> -> memref<128x128xf32, #tpu.memory_space<hbm>>
    tpu.wait_dma2 semaphore(%dma_wait3A_754 : memref<!tpu.dma_semaphore, #tpu.memory_space<semaphore_mem>>) src(%dma_wait3A_760 : memref<128x128xf32, #tpu.memory_space<hbm>>) dst(%dma_wait3A_758 : memref<128x128xf32, #tpu.memory_space<vmem>>)
    %dma_wait3A_761 = arith.constant 11 : i32
    %dma_wait3A_762 = arith.constant 1 : i32
    %dma_wait3A_763 = arith.constant 0 : i32
    %dma_wait3A_764 = tpu.memref_slice %arg9[%dma_wait3A_761, %dma_wait3A_763] : memref<16x128xi32, #tpu.memory_space<vmem>> -> memref<1x128xi32, #tpu.memory_space<vmem>>
    %dma_wait3A_765 = tpu.memref_squeeze %dma_wait3A_764 : memref<1x128xi32, #tpu.memory_space<vmem>> -> memref<128xi32, #tpu.memory_space<vmem>>
    %dma_wait3A_766 = tpu.memref_slice %arg3[%add3A_655] : memref<65536xi32, #tpu.memory_space<hbm>> -> memref<128xi32, #tpu.memory_space<hbm>>
    %dma_wait3A_767 = tpu.memref_slice %arg16[%dma_wait3A_762] : memref<2x!tpu.dma_semaphore, #tpu.memory_space<semaphore_mem>> -> memref<1x!tpu.dma_semaphore, #tpu.memory_space<semaphore_mem>>
    %dma_wait3A_768 = tpu.memref_squeeze %dma_wait3A_767 : memref<1x!tpu.dma_semaphore, #tpu.memory_space<semaphore_mem>> -> memref<!tpu.dma_semaphore, #tpu.memory_space<semaphore_mem>>
    %dma_wait3A_769 = arith.constant 0 : i32
    %dma_wait3A_770 = tpu.memref_slice %arg9[%dma_wait3A_761, %dma_wait3A_769] : memref<16x128xi32, #tpu.memory_space<vmem>> -> memref<1x128xi32, #tpu.memory_space<vmem>>
    %dma_wait3A_771 = tpu.memref_squeeze %dma_wait3A_770 : memref<1x128xi32, #tpu.memory_space<vmem>> -> memref<128xi32, #tpu.memory_space<vmem>>
    %dma_wait3A_772 = tpu.memref_slice %arg3[%add3A_655] : memref<65536xi32, #tpu.memory_space<hbm>> -> memref<128xi32, #tpu.memory_space<hbm>>
    tpu.wait_dma2 semaphore(%dma_wait3A_768 : memref<!tpu.dma_semaphore, #tpu.memory_space<semaphore_mem>>) src(%dma_wait3A_772 : memref<128xi32, #tpu.memory_space<hbm>>) dst(%dma_wait3A_771 : memref<128xi32, #tpu.memory_space<vmem>>)
    %run_scoped3A_773 = arith.constant 1 : i32
    %run_scoped3A_774 = arith.constant 11 : i32
    "tpu.region"() ({
      %run_scoped3A_1001 = tpu.sem_alloc : memref<!tpu.dma_semaphore, #tpu.memory_space<semaphore_mem>>
      %dma_start3A_1002 = arith.constant 0 : i32
      %dma_start3A_1003 = arith.constant 0 : i32
      %dma_start3A_1004 = tpu.memref_slice %arg8[%run_scoped3A_773, %dma_start3A_1002, %dma_start3A_1003] : memref<2x128x128xf32, #tpu.memory_space<vmem>> -> memref<1x128x128xf32, #tpu.memory_space<vmem>>
      %dma_start3A_1005 = tpu.memref_squeeze %dma_start3A_1004 : memref<1x128x128xf32, #tpu.memory_space<vmem>> -> memref<128x128xf32, #tpu.memory_space<vmem>>
      %dma_start3A_1006 = arith.constant 0 : i32
      %dma_start3A_1007 = tpu.memref_slice %arg9[%run_scoped3A_774, %dma_start3A_1006] : memref<16x128xi32, #tpu.memory_space<vmem>> -> memref<1x128xi32, #tpu.memory_space<vmem>>
      %dma_start3A_1008 = tpu.memref_squeeze %dma_start3A_1007 : memref<1x128xi32, #tpu.memory_space<vmem>> -> memref<128xi32, #tpu.memory_space<vmem>>
      %dma_start3A_1009 = arith.constant 0 : i32
      %dma_start3A_1010 = arith.constant 0 : i32
      %dma_start3A_1011 = tpu.memref_slice %arg13[%dma_start3A_1009, %dma_start3A_1010] : memref<128x128xf32, #tpu.memory_space<vmem_shared>> -> memref<128x128xf32, #tpu.memory_space<vmem_shared>>
      tpu.enqueue_indirect_dma source(%dma_start3A_1005 : memref<128x128xf32, #tpu.memory_space<vmem>>) target(%dma_start3A_1011 : memref<128x128xf32, #tpu.memory_space<vmem_shared>>) offsets(%dma_start3A_1008 : memref<128xi32, #tpu.memory_space<vmem>>) semaphore(%run_scoped3A_1001 : memref<!tpu.dma_semaphore, #tpu.memory_space<semaphore_mem>>) {add = true}
      %dma_wait3A_1012 = arith.constant 0 : i32
      %dma_wait3A_1013 = arith.constant 0 : i32
      %dma_wait3A_1014 = tpu.memref_slice %arg8[%run_scoped3A_773, %dma_wait3A_1012, %dma_wait3A_1013] : memref<2x128x128xf32, #tpu.memory_space<vmem>> -> memref<1x128x128xf32, #tpu.memory_space<vmem>>
      %dma_wait3A_1015 = tpu.memref_squeeze %dma_wait3A_1014 : memref<1x128x128xf32, #tpu.memory_space<vmem>> -> memref<128x128xf32, #tpu.memory_space<vmem>>
      %dma_wait3A_1016 = arith.constant 0 : i32
      %dma_wait3A_1017 = tpu.memref_slice %arg9[%run_scoped3A_774, %dma_wait3A_1016] : memref<16x128xi32, #tpu.memory_space<vmem>> -> memref<1x128xi32, #tpu.memory_space<vmem>>
      %dma_wait3A_1018 = tpu.memref_squeeze %dma_wait3A_1017 : memref<1x128xi32, #tpu.memory_space<vmem>> -> memref<128xi32, #tpu.memory_space<vmem>>
      %dma_wait3A_1019 = arith.constant 0 : i32
      %dma_wait3A_1020 = arith.constant 0 : i32
      %dma_wait3A_1021 = tpu.memref_slice %arg13[%dma_wait3A_1019, %dma_wait3A_1020] : memref<128x128xf32, #tpu.memory_space<vmem_shared>> -> memref<128x128xf32, #tpu.memory_space<vmem_shared>>
      tpu.wait_indirect_dma semaphore(%run_scoped3A_1001 : memref<!tpu.dma_semaphore, #tpu.memory_space<semaphore_mem>>) src(%dma_wait3A_1015 : memref<128x128xf32, #tpu.memory_space<vmem>>) dst(%dma_wait3A_1021 : memref<128x128xf32, #tpu.memory_space<vmem_shared>>)
      tpu.yield
    }) : () -> ()
    %run_scoped3A_775 = arith.constant 11 : i32
    "tpu.region"() ({
      %run_scoped3A_1001 = tpu.sem_alloc : memref<!tpu.dma_semaphore, #tpu.memory_space<semaphore_mem>>
      %dma_start3A_1002 = arith.constant 0 : i32
      %dma_start3A_1003 = tpu.memref_slice %arg9[%run_scoped3A_775, %dma_start3A_1002] : memref<16x128xi32, #tpu.memory_space<vmem>> -> memref<1x128xi32, #tpu.memory_space<vmem>>
      %dma_start3A_1004 = tpu.memref_squeeze %dma_start3A_1003 : memref<1x128xi32, #tpu.memory_space<vmem>> -> memref<128xi32, #tpu.memory_space<vmem>>
      %dma_start3A_1005 = arith.constant 0 : i32
      %dma_start3A_1006 = arith.constant 0 : i32
      %dma_start3A_1007 = tpu.memref_slice %arg14[%dma_start3A_1005, %dma_start3A_1006] : memref<128x16xf32, #tpu.memory_space<vmem_shared>> -> memref<128x16xf32, #tpu.memory_space<vmem_shared>>
      tpu.enqueue_indirect_dma source(%arg10 : memref<128x16xf32, #tpu.memory_space<vmem>>) target(%dma_start3A_1007 : memref<128x16xf32, #tpu.memory_space<vmem_shared>>) offsets(%dma_start3A_1004 : memref<128xi32, #tpu.memory_space<vmem>>) semaphore(%run_scoped3A_1001 : memref<!tpu.dma_semaphore, #tpu.memory_space<semaphore_mem>>) {add = true}
      %dma_wait3A_1008 = arith.constant 0 : i32
      %dma_wait3A_1009 = tpu.memref_slice %arg9[%run_scoped3A_775, %dma_wait3A_1008] : memref<16x128xi32, #tpu.memory_space<vmem>> -> memref<1x128xi32, #tpu.memory_space<vmem>>
      %dma_wait3A_1010 = tpu.memref_squeeze %dma_wait3A_1009 : memref<1x128xi32, #tpu.memory_space<vmem>> -> memref<128xi32, #tpu.memory_space<vmem>>
      %dma_wait3A_1011 = arith.constant 0 : i32
      %dma_wait3A_1012 = arith.constant 0 : i32
      %dma_wait3A_1013 = tpu.memref_slice %arg14[%dma_wait3A_1011, %dma_wait3A_1012] : memref<128x16xf32, #tpu.memory_space<vmem_shared>> -> memref<128x16xf32, #tpu.memory_space<vmem_shared>>
      tpu.wait_indirect_dma semaphore(%run_scoped3A_1001 : memref<!tpu.dma_semaphore, #tpu.memory_space<semaphore_mem>>) src(%arg10 : memref<128x16xf32, #tpu.memory_space<vmem>>) dst(%dma_wait3A_1013 : memref<128x16xf32, #tpu.memory_space<vmem_shared>>)
      tpu.yield
    }) : () -> ()
    %add3A_776 = arith.constant 1664 : i32
    %add3A_777 = arith.addi %mul3A_2, %add3A_776 : i32
    %dma_start3A_778 = arith.constant 1 : i32
    %dma_start3A_779 = arith.constant 1 : i32
    %dma_start3A_780 = arith.constant 0 : i32
    %dma_start3A_781 = arith.constant 0 : i32
    %dma_start3A_782 = tpu.memref_slice %arg8[%dma_start3A_778, %dma_start3A_780, %dma_start3A_781] : memref<2x128x128xf32, #tpu.memory_space<vmem>> -> memref<1x128x128xf32, #tpu.memory_space<vmem>>
    %dma_start3A_783 = tpu.memref_squeeze %dma_start3A_782 : memref<1x128x128xf32, #tpu.memory_space<vmem>> -> memref<128x128xf32, #tpu.memory_space<vmem>>
    %dma_start3A_784 = arith.constant 0 : i32
    %dma_start3A_785 = tpu.memref_slice %arg2[%add3A_777, %dma_start3A_784] : memref<65536x128xf32, #tpu.memory_space<hbm>> -> memref<128x128xf32, #tpu.memory_space<hbm>>
    %dma_start3A_786 = tpu.memref_slice %arg15[%dma_start3A_779] : memref<2x!tpu.dma_semaphore, #tpu.memory_space<semaphore_mem>> -> memref<1x!tpu.dma_semaphore, #tpu.memory_space<semaphore_mem>>
    %dma_start3A_787 = tpu.memref_squeeze %dma_start3A_786 : memref<1x!tpu.dma_semaphore, #tpu.memory_space<semaphore_mem>> -> memref<!tpu.dma_semaphore, #tpu.memory_space<semaphore_mem>>
    %dma_start3A_788 = arith.constant 0 : i32
    %dma_start3A_789 = arith.constant 0 : i32
    %dma_start3A_790 = tpu.memref_slice %arg8[%dma_start3A_778, %dma_start3A_788, %dma_start3A_789] : memref<2x128x128xf32, #tpu.memory_space<vmem>> -> memref<1x128x128xf32, #tpu.memory_space<vmem>>
    %dma_start3A_791 = tpu.memref_squeeze %dma_start3A_790 : memref<1x128x128xf32, #tpu.memory_space<vmem>> -> memref<128x128xf32, #tpu.memory_space<vmem>>
    %dma_start3A_792 = arith.constant 0 : i32
    %dma_start3A_793 = tpu.memref_slice %arg2[%add3A_777, %dma_start3A_792] : memref<65536x128xf32, #tpu.memory_space<hbm>> -> memref<128x128xf32, #tpu.memory_space<hbm>>
    tpu.enqueue_dma source(%dma_start3A_793 : memref<128x128xf32, #tpu.memory_space<hbm>>) target(%dma_start3A_791 : memref<128x128xf32, #tpu.memory_space<vmem>>) target_semaphore(%dma_start3A_787 : memref<!tpu.dma_semaphore, #tpu.memory_space<semaphore_mem>>)
    %dma_start3A_794 = arith.constant 13 : i32
    %dma_start3A_795 = arith.constant 1 : i32
    %dma_start3A_796 = arith.constant 0 : i32
    %dma_start3A_797 = tpu.memref_slice %arg9[%dma_start3A_794, %dma_start3A_796] : memref<16x128xi32, #tpu.memory_space<vmem>> -> memref<1x128xi32, #tpu.memory_space<vmem>>
    %dma_start3A_798 = tpu.memref_squeeze %dma_start3A_797 : memref<1x128xi32, #tpu.memory_space<vmem>> -> memref<128xi32, #tpu.memory_space<vmem>>
    %dma_start3A_799 = tpu.memref_slice %arg3[%add3A_777] : memref<65536xi32, #tpu.memory_space<hbm>> -> memref<128xi32, #tpu.memory_space<hbm>>
    %dma_start3A_800 = tpu.memref_slice %arg16[%dma_start3A_795] : memref<2x!tpu.dma_semaphore, #tpu.memory_space<semaphore_mem>> -> memref<1x!tpu.dma_semaphore, #tpu.memory_space<semaphore_mem>>
    %dma_start3A_801 = tpu.memref_squeeze %dma_start3A_800 : memref<1x!tpu.dma_semaphore, #tpu.memory_space<semaphore_mem>> -> memref<!tpu.dma_semaphore, #tpu.memory_space<semaphore_mem>>
    %dma_start3A_802 = arith.constant 0 : i32
    %dma_start3A_803 = tpu.memref_slice %arg9[%dma_start3A_794, %dma_start3A_802] : memref<16x128xi32, #tpu.memory_space<vmem>> -> memref<1x128xi32, #tpu.memory_space<vmem>>
    %dma_start3A_804 = tpu.memref_squeeze %dma_start3A_803 : memref<1x128xi32, #tpu.memory_space<vmem>> -> memref<128xi32, #tpu.memory_space<vmem>>
    %dma_start3A_805 = tpu.memref_slice %arg3[%add3A_777] : memref<65536xi32, #tpu.memory_space<hbm>> -> memref<128xi32, #tpu.memory_space<hbm>>
    tpu.enqueue_dma source(%dma_start3A_805 : memref<128xi32, #tpu.memory_space<hbm>>) target(%dma_start3A_804 : memref<128xi32, #tpu.memory_space<vmem>>) target_semaphore(%dma_start3A_801 : memref<!tpu.dma_semaphore, #tpu.memory_space<semaphore_mem>>)
    %dma_wait3A_806 = arith.constant 0 : i32
    %dma_wait3A_807 = arith.constant 0 : i32
    %dma_wait3A_808 = arith.constant 0 : i32
    %dma_wait3A_809 = arith.constant 0 : i32
    %dma_wait3A_810 = tpu.memref_slice %arg8[%dma_wait3A_806, %dma_wait3A_808, %dma_wait3A_809] : memref<2x128x128xf32, #tpu.memory_space<vmem>> -> memref<1x128x128xf32, #tpu.memory_space<vmem>>
    %dma_wait3A_811 = tpu.memref_squeeze %dma_wait3A_810 : memref<1x128x128xf32, #tpu.memory_space<vmem>> -> memref<128x128xf32, #tpu.memory_space<vmem>>
    %dma_wait3A_812 = arith.constant 0 : i32
    %dma_wait3A_813 = tpu.memref_slice %arg2[%add3A_716, %dma_wait3A_812] : memref<65536x128xf32, #tpu.memory_space<hbm>> -> memref<128x128xf32, #tpu.memory_space<hbm>>
    %dma_wait3A_814 = tpu.memref_slice %arg15[%dma_wait3A_807] : memref<2x!tpu.dma_semaphore, #tpu.memory_space<semaphore_mem>> -> memref<1x!tpu.dma_semaphore, #tpu.memory_space<semaphore_mem>>
    %dma_wait3A_815 = tpu.memref_squeeze %dma_wait3A_814 : memref<1x!tpu.dma_semaphore, #tpu.memory_space<semaphore_mem>> -> memref<!tpu.dma_semaphore, #tpu.memory_space<semaphore_mem>>
    %dma_wait3A_816 = arith.constant 0 : i32
    %dma_wait3A_817 = arith.constant 0 : i32
    %dma_wait3A_818 = tpu.memref_slice %arg8[%dma_wait3A_806, %dma_wait3A_816, %dma_wait3A_817] : memref<2x128x128xf32, #tpu.memory_space<vmem>> -> memref<1x128x128xf32, #tpu.memory_space<vmem>>
    %dma_wait3A_819 = tpu.memref_squeeze %dma_wait3A_818 : memref<1x128x128xf32, #tpu.memory_space<vmem>> -> memref<128x128xf32, #tpu.memory_space<vmem>>
    %dma_wait3A_820 = arith.constant 0 : i32
    %dma_wait3A_821 = tpu.memref_slice %arg2[%add3A_716, %dma_wait3A_820] : memref<65536x128xf32, #tpu.memory_space<hbm>> -> memref<128x128xf32, #tpu.memory_space<hbm>>
    tpu.wait_dma2 semaphore(%dma_wait3A_815 : memref<!tpu.dma_semaphore, #tpu.memory_space<semaphore_mem>>) src(%dma_wait3A_821 : memref<128x128xf32, #tpu.memory_space<hbm>>) dst(%dma_wait3A_819 : memref<128x128xf32, #tpu.memory_space<vmem>>)
    %dma_wait3A_822 = arith.constant 12 : i32
    %dma_wait3A_823 = arith.constant 0 : i32
    %dma_wait3A_824 = arith.constant 0 : i32
    %dma_wait3A_825 = tpu.memref_slice %arg9[%dma_wait3A_822, %dma_wait3A_824] : memref<16x128xi32, #tpu.memory_space<vmem>> -> memref<1x128xi32, #tpu.memory_space<vmem>>
    %dma_wait3A_826 = tpu.memref_squeeze %dma_wait3A_825 : memref<1x128xi32, #tpu.memory_space<vmem>> -> memref<128xi32, #tpu.memory_space<vmem>>
    %dma_wait3A_827 = tpu.memref_slice %arg3[%add3A_716] : memref<65536xi32, #tpu.memory_space<hbm>> -> memref<128xi32, #tpu.memory_space<hbm>>
    %dma_wait3A_828 = tpu.memref_slice %arg16[%dma_wait3A_823] : memref<2x!tpu.dma_semaphore, #tpu.memory_space<semaphore_mem>> -> memref<1x!tpu.dma_semaphore, #tpu.memory_space<semaphore_mem>>
    %dma_wait3A_829 = tpu.memref_squeeze %dma_wait3A_828 : memref<1x!tpu.dma_semaphore, #tpu.memory_space<semaphore_mem>> -> memref<!tpu.dma_semaphore, #tpu.memory_space<semaphore_mem>>
    %dma_wait3A_830 = arith.constant 0 : i32
    %dma_wait3A_831 = tpu.memref_slice %arg9[%dma_wait3A_822, %dma_wait3A_830] : memref<16x128xi32, #tpu.memory_space<vmem>> -> memref<1x128xi32, #tpu.memory_space<vmem>>
    %dma_wait3A_832 = tpu.memref_squeeze %dma_wait3A_831 : memref<1x128xi32, #tpu.memory_space<vmem>> -> memref<128xi32, #tpu.memory_space<vmem>>
    %dma_wait3A_833 = tpu.memref_slice %arg3[%add3A_716] : memref<65536xi32, #tpu.memory_space<hbm>> -> memref<128xi32, #tpu.memory_space<hbm>>
    tpu.wait_dma2 semaphore(%dma_wait3A_829 : memref<!tpu.dma_semaphore, #tpu.memory_space<semaphore_mem>>) src(%dma_wait3A_833 : memref<128xi32, #tpu.memory_space<hbm>>) dst(%dma_wait3A_832 : memref<128xi32, #tpu.memory_space<vmem>>)
    %run_scoped3A_834 = arith.constant 0 : i32
    %run_scoped3A_835 = arith.constant 12 : i32
    "tpu.region"() ({
      %run_scoped3A_1001 = tpu.sem_alloc : memref<!tpu.dma_semaphore, #tpu.memory_space<semaphore_mem>>
      %dma_start3A_1002 = arith.constant 0 : i32
      %dma_start3A_1003 = arith.constant 0 : i32
      %dma_start3A_1004 = tpu.memref_slice %arg8[%run_scoped3A_834, %dma_start3A_1002, %dma_start3A_1003] : memref<2x128x128xf32, #tpu.memory_space<vmem>> -> memref<1x128x128xf32, #tpu.memory_space<vmem>>
      %dma_start3A_1005 = tpu.memref_squeeze %dma_start3A_1004 : memref<1x128x128xf32, #tpu.memory_space<vmem>> -> memref<128x128xf32, #tpu.memory_space<vmem>>
      %dma_start3A_1006 = arith.constant 0 : i32
      %dma_start3A_1007 = tpu.memref_slice %arg9[%run_scoped3A_835, %dma_start3A_1006] : memref<16x128xi32, #tpu.memory_space<vmem>> -> memref<1x128xi32, #tpu.memory_space<vmem>>
      %dma_start3A_1008 = tpu.memref_squeeze %dma_start3A_1007 : memref<1x128xi32, #tpu.memory_space<vmem>> -> memref<128xi32, #tpu.memory_space<vmem>>
      %dma_start3A_1009 = arith.constant 0 : i32
      %dma_start3A_1010 = arith.constant 0 : i32
      %dma_start3A_1011 = tpu.memref_slice %arg13[%dma_start3A_1009, %dma_start3A_1010] : memref<128x128xf32, #tpu.memory_space<vmem_shared>> -> memref<128x128xf32, #tpu.memory_space<vmem_shared>>
      tpu.enqueue_indirect_dma source(%dma_start3A_1005 : memref<128x128xf32, #tpu.memory_space<vmem>>) target(%dma_start3A_1011 : memref<128x128xf32, #tpu.memory_space<vmem_shared>>) offsets(%dma_start3A_1008 : memref<128xi32, #tpu.memory_space<vmem>>) semaphore(%run_scoped3A_1001 : memref<!tpu.dma_semaphore, #tpu.memory_space<semaphore_mem>>) {add = true}
      %dma_wait3A_1012 = arith.constant 0 : i32
      %dma_wait3A_1013 = arith.constant 0 : i32
      %dma_wait3A_1014 = tpu.memref_slice %arg8[%run_scoped3A_834, %dma_wait3A_1012, %dma_wait3A_1013] : memref<2x128x128xf32, #tpu.memory_space<vmem>> -> memref<1x128x128xf32, #tpu.memory_space<vmem>>
      %dma_wait3A_1015 = tpu.memref_squeeze %dma_wait3A_1014 : memref<1x128x128xf32, #tpu.memory_space<vmem>> -> memref<128x128xf32, #tpu.memory_space<vmem>>
      %dma_wait3A_1016 = arith.constant 0 : i32
      %dma_wait3A_1017 = tpu.memref_slice %arg9[%run_scoped3A_835, %dma_wait3A_1016] : memref<16x128xi32, #tpu.memory_space<vmem>> -> memref<1x128xi32, #tpu.memory_space<vmem>>
      %dma_wait3A_1018 = tpu.memref_squeeze %dma_wait3A_1017 : memref<1x128xi32, #tpu.memory_space<vmem>> -> memref<128xi32, #tpu.memory_space<vmem>>
      %dma_wait3A_1019 = arith.constant 0 : i32
      %dma_wait3A_1020 = arith.constant 0 : i32
      %dma_wait3A_1021 = tpu.memref_slice %arg13[%dma_wait3A_1019, %dma_wait3A_1020] : memref<128x128xf32, #tpu.memory_space<vmem_shared>> -> memref<128x128xf32, #tpu.memory_space<vmem_shared>>
      tpu.wait_indirect_dma semaphore(%run_scoped3A_1001 : memref<!tpu.dma_semaphore, #tpu.memory_space<semaphore_mem>>) src(%dma_wait3A_1015 : memref<128x128xf32, #tpu.memory_space<vmem>>) dst(%dma_wait3A_1021 : memref<128x128xf32, #tpu.memory_space<vmem_shared>>)
      tpu.yield
    }) : () -> ()
    %run_scoped3A_836 = arith.constant 12 : i32
    "tpu.region"() ({
      %run_scoped3A_1001 = tpu.sem_alloc : memref<!tpu.dma_semaphore, #tpu.memory_space<semaphore_mem>>
      %dma_start3A_1002 = arith.constant 0 : i32
      %dma_start3A_1003 = tpu.memref_slice %arg9[%run_scoped3A_836, %dma_start3A_1002] : memref<16x128xi32, #tpu.memory_space<vmem>> -> memref<1x128xi32, #tpu.memory_space<vmem>>
      %dma_start3A_1004 = tpu.memref_squeeze %dma_start3A_1003 : memref<1x128xi32, #tpu.memory_space<vmem>> -> memref<128xi32, #tpu.memory_space<vmem>>
      %dma_start3A_1005 = arith.constant 0 : i32
      %dma_start3A_1006 = arith.constant 0 : i32
      %dma_start3A_1007 = tpu.memref_slice %arg14[%dma_start3A_1005, %dma_start3A_1006] : memref<128x16xf32, #tpu.memory_space<vmem_shared>> -> memref<128x16xf32, #tpu.memory_space<vmem_shared>>
      tpu.enqueue_indirect_dma source(%arg10 : memref<128x16xf32, #tpu.memory_space<vmem>>) target(%dma_start3A_1007 : memref<128x16xf32, #tpu.memory_space<vmem_shared>>) offsets(%dma_start3A_1004 : memref<128xi32, #tpu.memory_space<vmem>>) semaphore(%run_scoped3A_1001 : memref<!tpu.dma_semaphore, #tpu.memory_space<semaphore_mem>>) {add = true}
      %dma_wait3A_1008 = arith.constant 0 : i32
      %dma_wait3A_1009 = tpu.memref_slice %arg9[%run_scoped3A_836, %dma_wait3A_1008] : memref<16x128xi32, #tpu.memory_space<vmem>> -> memref<1x128xi32, #tpu.memory_space<vmem>>
      %dma_wait3A_1010 = tpu.memref_squeeze %dma_wait3A_1009 : memref<1x128xi32, #tpu.memory_space<vmem>> -> memref<128xi32, #tpu.memory_space<vmem>>
      %dma_wait3A_1011 = arith.constant 0 : i32
      %dma_wait3A_1012 = arith.constant 0 : i32
      %dma_wait3A_1013 = tpu.memref_slice %arg14[%dma_wait3A_1011, %dma_wait3A_1012] : memref<128x16xf32, #tpu.memory_space<vmem_shared>> -> memref<128x16xf32, #tpu.memory_space<vmem_shared>>
      tpu.wait_indirect_dma semaphore(%run_scoped3A_1001 : memref<!tpu.dma_semaphore, #tpu.memory_space<semaphore_mem>>) src(%arg10 : memref<128x16xf32, #tpu.memory_space<vmem>>) dst(%dma_wait3A_1013 : memref<128x16xf32, #tpu.memory_space<vmem_shared>>)
      tpu.yield
    }) : () -> ()
    %add3A_837 = arith.constant 1792 : i32
    %add3A_838 = arith.addi %mul3A_2, %add3A_837 : i32
    %dma_start3A_839 = arith.constant 0 : i32
    %dma_start3A_840 = arith.constant 0 : i32
    %dma_start3A_841 = arith.constant 0 : i32
    %dma_start3A_842 = arith.constant 0 : i32
    %dma_start3A_843 = tpu.memref_slice %arg8[%dma_start3A_839, %dma_start3A_841, %dma_start3A_842] : memref<2x128x128xf32, #tpu.memory_space<vmem>> -> memref<1x128x128xf32, #tpu.memory_space<vmem>>
    %dma_start3A_844 = tpu.memref_squeeze %dma_start3A_843 : memref<1x128x128xf32, #tpu.memory_space<vmem>> -> memref<128x128xf32, #tpu.memory_space<vmem>>
    %dma_start3A_845 = arith.constant 0 : i32
    %dma_start3A_846 = tpu.memref_slice %arg2[%add3A_838, %dma_start3A_845] : memref<65536x128xf32, #tpu.memory_space<hbm>> -> memref<128x128xf32, #tpu.memory_space<hbm>>
    %dma_start3A_847 = tpu.memref_slice %arg15[%dma_start3A_840] : memref<2x!tpu.dma_semaphore, #tpu.memory_space<semaphore_mem>> -> memref<1x!tpu.dma_semaphore, #tpu.memory_space<semaphore_mem>>
    %dma_start3A_848 = tpu.memref_squeeze %dma_start3A_847 : memref<1x!tpu.dma_semaphore, #tpu.memory_space<semaphore_mem>> -> memref<!tpu.dma_semaphore, #tpu.memory_space<semaphore_mem>>
    %dma_start3A_849 = arith.constant 0 : i32
    %dma_start3A_850 = arith.constant 0 : i32
    %dma_start3A_851 = tpu.memref_slice %arg8[%dma_start3A_839, %dma_start3A_849, %dma_start3A_850] : memref<2x128x128xf32, #tpu.memory_space<vmem>> -> memref<1x128x128xf32, #tpu.memory_space<vmem>>
    %dma_start3A_852 = tpu.memref_squeeze %dma_start3A_851 : memref<1x128x128xf32, #tpu.memory_space<vmem>> -> memref<128x128xf32, #tpu.memory_space<vmem>>
    %dma_start3A_853 = arith.constant 0 : i32
    %dma_start3A_854 = tpu.memref_slice %arg2[%add3A_838, %dma_start3A_853] : memref<65536x128xf32, #tpu.memory_space<hbm>> -> memref<128x128xf32, #tpu.memory_space<hbm>>
    tpu.enqueue_dma source(%dma_start3A_854 : memref<128x128xf32, #tpu.memory_space<hbm>>) target(%dma_start3A_852 : memref<128x128xf32, #tpu.memory_space<vmem>>) target_semaphore(%dma_start3A_848 : memref<!tpu.dma_semaphore, #tpu.memory_space<semaphore_mem>>)
    %dma_start3A_855 = arith.constant 14 : i32
    %dma_start3A_856 = arith.constant 0 : i32
    %dma_start3A_857 = arith.constant 0 : i32
    %dma_start3A_858 = tpu.memref_slice %arg9[%dma_start3A_855, %dma_start3A_857] : memref<16x128xi32, #tpu.memory_space<vmem>> -> memref<1x128xi32, #tpu.memory_space<vmem>>
    %dma_start3A_859 = tpu.memref_squeeze %dma_start3A_858 : memref<1x128xi32, #tpu.memory_space<vmem>> -> memref<128xi32, #tpu.memory_space<vmem>>
    %dma_start3A_860 = tpu.memref_slice %arg3[%add3A_838] : memref<65536xi32, #tpu.memory_space<hbm>> -> memref<128xi32, #tpu.memory_space<hbm>>
    %dma_start3A_861 = tpu.memref_slice %arg16[%dma_start3A_856] : memref<2x!tpu.dma_semaphore, #tpu.memory_space<semaphore_mem>> -> memref<1x!tpu.dma_semaphore, #tpu.memory_space<semaphore_mem>>
    %dma_start3A_862 = tpu.memref_squeeze %dma_start3A_861 : memref<1x!tpu.dma_semaphore, #tpu.memory_space<semaphore_mem>> -> memref<!tpu.dma_semaphore, #tpu.memory_space<semaphore_mem>>
    %dma_start3A_863 = arith.constant 0 : i32
    %dma_start3A_864 = tpu.memref_slice %arg9[%dma_start3A_855, %dma_start3A_863] : memref<16x128xi32, #tpu.memory_space<vmem>> -> memref<1x128xi32, #tpu.memory_space<vmem>>
    %dma_start3A_865 = tpu.memref_squeeze %dma_start3A_864 : memref<1x128xi32, #tpu.memory_space<vmem>> -> memref<128xi32, #tpu.memory_space<vmem>>
    %dma_start3A_866 = tpu.memref_slice %arg3[%add3A_838] : memref<65536xi32, #tpu.memory_space<hbm>> -> memref<128xi32, #tpu.memory_space<hbm>>
    tpu.enqueue_dma source(%dma_start3A_866 : memref<128xi32, #tpu.memory_space<hbm>>) target(%dma_start3A_865 : memref<128xi32, #tpu.memory_space<vmem>>) target_semaphore(%dma_start3A_862 : memref<!tpu.dma_semaphore, #tpu.memory_space<semaphore_mem>>)
    %dma_wait3A_867 = arith.constant 1 : i32
    %dma_wait3A_868 = arith.constant 1 : i32
    %dma_wait3A_869 = arith.constant 0 : i32
    %dma_wait3A_870 = arith.constant 0 : i32
    %dma_wait3A_871 = tpu.memref_slice %arg8[%dma_wait3A_867, %dma_wait3A_869, %dma_wait3A_870] : memref<2x128x128xf32, #tpu.memory_space<vmem>> -> memref<1x128x128xf32, #tpu.memory_space<vmem>>
    %dma_wait3A_872 = tpu.memref_squeeze %dma_wait3A_871 : memref<1x128x128xf32, #tpu.memory_space<vmem>> -> memref<128x128xf32, #tpu.memory_space<vmem>>
    %dma_wait3A_873 = arith.constant 0 : i32
    %dma_wait3A_874 = tpu.memref_slice %arg2[%add3A_777, %dma_wait3A_873] : memref<65536x128xf32, #tpu.memory_space<hbm>> -> memref<128x128xf32, #tpu.memory_space<hbm>>
    %dma_wait3A_875 = tpu.memref_slice %arg15[%dma_wait3A_868] : memref<2x!tpu.dma_semaphore, #tpu.memory_space<semaphore_mem>> -> memref<1x!tpu.dma_semaphore, #tpu.memory_space<semaphore_mem>>
    %dma_wait3A_876 = tpu.memref_squeeze %dma_wait3A_875 : memref<1x!tpu.dma_semaphore, #tpu.memory_space<semaphore_mem>> -> memref<!tpu.dma_semaphore, #tpu.memory_space<semaphore_mem>>
    %dma_wait3A_877 = arith.constant 0 : i32
    %dma_wait3A_878 = arith.constant 0 : i32
    %dma_wait3A_879 = tpu.memref_slice %arg8[%dma_wait3A_867, %dma_wait3A_877, %dma_wait3A_878] : memref<2x128x128xf32, #tpu.memory_space<vmem>> -> memref<1x128x128xf32, #tpu.memory_space<vmem>>
    %dma_wait3A_880 = tpu.memref_squeeze %dma_wait3A_879 : memref<1x128x128xf32, #tpu.memory_space<vmem>> -> memref<128x128xf32, #tpu.memory_space<vmem>>
    %dma_wait3A_881 = arith.constant 0 : i32
    %dma_wait3A_882 = tpu.memref_slice %arg2[%add3A_777, %dma_wait3A_881] : memref<65536x128xf32, #tpu.memory_space<hbm>> -> memref<128x128xf32, #tpu.memory_space<hbm>>
    tpu.wait_dma2 semaphore(%dma_wait3A_876 : memref<!tpu.dma_semaphore, #tpu.memory_space<semaphore_mem>>) src(%dma_wait3A_882 : memref<128x128xf32, #tpu.memory_space<hbm>>) dst(%dma_wait3A_880 : memref<128x128xf32, #tpu.memory_space<vmem>>)
    %dma_wait3A_883 = arith.constant 13 : i32
    %dma_wait3A_884 = arith.constant 1 : i32
    %dma_wait3A_885 = arith.constant 0 : i32
    %dma_wait3A_886 = tpu.memref_slice %arg9[%dma_wait3A_883, %dma_wait3A_885] : memref<16x128xi32, #tpu.memory_space<vmem>> -> memref<1x128xi32, #tpu.memory_space<vmem>>
    %dma_wait3A_887 = tpu.memref_squeeze %dma_wait3A_886 : memref<1x128xi32, #tpu.memory_space<vmem>> -> memref<128xi32, #tpu.memory_space<vmem>>
    %dma_wait3A_888 = tpu.memref_slice %arg3[%add3A_777] : memref<65536xi32, #tpu.memory_space<hbm>> -> memref<128xi32, #tpu.memory_space<hbm>>
    %dma_wait3A_889 = tpu.memref_slice %arg16[%dma_wait3A_884] : memref<2x!tpu.dma_semaphore, #tpu.memory_space<semaphore_mem>> -> memref<1x!tpu.dma_semaphore, #tpu.memory_space<semaphore_mem>>
    %dma_wait3A_890 = tpu.memref_squeeze %dma_wait3A_889 : memref<1x!tpu.dma_semaphore, #tpu.memory_space<semaphore_mem>> -> memref<!tpu.dma_semaphore, #tpu.memory_space<semaphore_mem>>
    %dma_wait3A_891 = arith.constant 0 : i32
    %dma_wait3A_892 = tpu.memref_slice %arg9[%dma_wait3A_883, %dma_wait3A_891] : memref<16x128xi32, #tpu.memory_space<vmem>> -> memref<1x128xi32, #tpu.memory_space<vmem>>
    %dma_wait3A_893 = tpu.memref_squeeze %dma_wait3A_892 : memref<1x128xi32, #tpu.memory_space<vmem>> -> memref<128xi32, #tpu.memory_space<vmem>>
    %dma_wait3A_894 = tpu.memref_slice %arg3[%add3A_777] : memref<65536xi32, #tpu.memory_space<hbm>> -> memref<128xi32, #tpu.memory_space<hbm>>
    tpu.wait_dma2 semaphore(%dma_wait3A_890 : memref<!tpu.dma_semaphore, #tpu.memory_space<semaphore_mem>>) src(%dma_wait3A_894 : memref<128xi32, #tpu.memory_space<hbm>>) dst(%dma_wait3A_893 : memref<128xi32, #tpu.memory_space<vmem>>)
    %run_scoped3A_895 = arith.constant 1 : i32
    %run_scoped3A_896 = arith.constant 13 : i32
    "tpu.region"() ({
      %run_scoped3A_1001 = tpu.sem_alloc : memref<!tpu.dma_semaphore, #tpu.memory_space<semaphore_mem>>
      %dma_start3A_1002 = arith.constant 0 : i32
      %dma_start3A_1003 = arith.constant 0 : i32
      %dma_start3A_1004 = tpu.memref_slice %arg8[%run_scoped3A_895, %dma_start3A_1002, %dma_start3A_1003] : memref<2x128x128xf32, #tpu.memory_space<vmem>> -> memref<1x128x128xf32, #tpu.memory_space<vmem>>
      %dma_start3A_1005 = tpu.memref_squeeze %dma_start3A_1004 : memref<1x128x128xf32, #tpu.memory_space<vmem>> -> memref<128x128xf32, #tpu.memory_space<vmem>>
      %dma_start3A_1006 = arith.constant 0 : i32
      %dma_start3A_1007 = tpu.memref_slice %arg9[%run_scoped3A_896, %dma_start3A_1006] : memref<16x128xi32, #tpu.memory_space<vmem>> -> memref<1x128xi32, #tpu.memory_space<vmem>>
      %dma_start3A_1008 = tpu.memref_squeeze %dma_start3A_1007 : memref<1x128xi32, #tpu.memory_space<vmem>> -> memref<128xi32, #tpu.memory_space<vmem>>
      %dma_start3A_1009 = arith.constant 0 : i32
      %dma_start3A_1010 = arith.constant 0 : i32
      %dma_start3A_1011 = tpu.memref_slice %arg13[%dma_start3A_1009, %dma_start3A_1010] : memref<128x128xf32, #tpu.memory_space<vmem_shared>> -> memref<128x128xf32, #tpu.memory_space<vmem_shared>>
      tpu.enqueue_indirect_dma source(%dma_start3A_1005 : memref<128x128xf32, #tpu.memory_space<vmem>>) target(%dma_start3A_1011 : memref<128x128xf32, #tpu.memory_space<vmem_shared>>) offsets(%dma_start3A_1008 : memref<128xi32, #tpu.memory_space<vmem>>) semaphore(%run_scoped3A_1001 : memref<!tpu.dma_semaphore, #tpu.memory_space<semaphore_mem>>) {add = true}
      %dma_wait3A_1012 = arith.constant 0 : i32
      %dma_wait3A_1013 = arith.constant 0 : i32
      %dma_wait3A_1014 = tpu.memref_slice %arg8[%run_scoped3A_895, %dma_wait3A_1012, %dma_wait3A_1013] : memref<2x128x128xf32, #tpu.memory_space<vmem>> -> memref<1x128x128xf32, #tpu.memory_space<vmem>>
      %dma_wait3A_1015 = tpu.memref_squeeze %dma_wait3A_1014 : memref<1x128x128xf32, #tpu.memory_space<vmem>> -> memref<128x128xf32, #tpu.memory_space<vmem>>
      %dma_wait3A_1016 = arith.constant 0 : i32
      %dma_wait3A_1017 = tpu.memref_slice %arg9[%run_scoped3A_896, %dma_wait3A_1016] : memref<16x128xi32, #tpu.memory_space<vmem>> -> memref<1x128xi32, #tpu.memory_space<vmem>>
      %dma_wait3A_1018 = tpu.memref_squeeze %dma_wait3A_1017 : memref<1x128xi32, #tpu.memory_space<vmem>> -> memref<128xi32, #tpu.memory_space<vmem>>
      %dma_wait3A_1019 = arith.constant 0 : i32
      %dma_wait3A_1020 = arith.constant 0 : i32
      %dma_wait3A_1021 = tpu.memref_slice %arg13[%dma_wait3A_1019, %dma_wait3A_1020] : memref<128x128xf32, #tpu.memory_space<vmem_shared>> -> memref<128x128xf32, #tpu.memory_space<vmem_shared>>
      tpu.wait_indirect_dma semaphore(%run_scoped3A_1001 : memref<!tpu.dma_semaphore, #tpu.memory_space<semaphore_mem>>) src(%dma_wait3A_1015 : memref<128x128xf32, #tpu.memory_space<vmem>>) dst(%dma_wait3A_1021 : memref<128x128xf32, #tpu.memory_space<vmem_shared>>)
      tpu.yield
    }) : () -> ()
    %run_scoped3A_897 = arith.constant 13 : i32
    "tpu.region"() ({
      %run_scoped3A_1001 = tpu.sem_alloc : memref<!tpu.dma_semaphore, #tpu.memory_space<semaphore_mem>>
      %dma_start3A_1002 = arith.constant 0 : i32
      %dma_start3A_1003 = tpu.memref_slice %arg9[%run_scoped3A_897, %dma_start3A_1002] : memref<16x128xi32, #tpu.memory_space<vmem>> -> memref<1x128xi32, #tpu.memory_space<vmem>>
      %dma_start3A_1004 = tpu.memref_squeeze %dma_start3A_1003 : memref<1x128xi32, #tpu.memory_space<vmem>> -> memref<128xi32, #tpu.memory_space<vmem>>
      %dma_start3A_1005 = arith.constant 0 : i32
      %dma_start3A_1006 = arith.constant 0 : i32
      %dma_start3A_1007 = tpu.memref_slice %arg14[%dma_start3A_1005, %dma_start3A_1006] : memref<128x16xf32, #tpu.memory_space<vmem_shared>> -> memref<128x16xf32, #tpu.memory_space<vmem_shared>>
      tpu.enqueue_indirect_dma source(%arg10 : memref<128x16xf32, #tpu.memory_space<vmem>>) target(%dma_start3A_1007 : memref<128x16xf32, #tpu.memory_space<vmem_shared>>) offsets(%dma_start3A_1004 : memref<128xi32, #tpu.memory_space<vmem>>) semaphore(%run_scoped3A_1001 : memref<!tpu.dma_semaphore, #tpu.memory_space<semaphore_mem>>) {add = true}
      %dma_wait3A_1008 = arith.constant 0 : i32
      %dma_wait3A_1009 = tpu.memref_slice %arg9[%run_scoped3A_897, %dma_wait3A_1008] : memref<16x128xi32, #tpu.memory_space<vmem>> -> memref<1x128xi32, #tpu.memory_space<vmem>>
      %dma_wait3A_1010 = tpu.memref_squeeze %dma_wait3A_1009 : memref<1x128xi32, #tpu.memory_space<vmem>> -> memref<128xi32, #tpu.memory_space<vmem>>
      %dma_wait3A_1011 = arith.constant 0 : i32
      %dma_wait3A_1012 = arith.constant 0 : i32
      %dma_wait3A_1013 = tpu.memref_slice %arg14[%dma_wait3A_1011, %dma_wait3A_1012] : memref<128x16xf32, #tpu.memory_space<vmem_shared>> -> memref<128x16xf32, #tpu.memory_space<vmem_shared>>
      tpu.wait_indirect_dma semaphore(%run_scoped3A_1001 : memref<!tpu.dma_semaphore, #tpu.memory_space<semaphore_mem>>) src(%arg10 : memref<128x16xf32, #tpu.memory_space<vmem>>) dst(%dma_wait3A_1013 : memref<128x16xf32, #tpu.memory_space<vmem_shared>>)
      tpu.yield
    }) : () -> ()
    %add3A_898 = arith.constant 1920 : i32
    %add3A_899 = arith.addi %mul3A_2, %add3A_898 : i32
    %dma_start3A_900 = arith.constant 1 : i32
    %dma_start3A_901 = arith.constant 1 : i32
    %dma_start3A_902 = arith.constant 0 : i32
    %dma_start3A_903 = arith.constant 0 : i32
    %dma_start3A_904 = tpu.memref_slice %arg8[%dma_start3A_900, %dma_start3A_902, %dma_start3A_903] : memref<2x128x128xf32, #tpu.memory_space<vmem>> -> memref<1x128x128xf32, #tpu.memory_space<vmem>>
    %dma_start3A_905 = tpu.memref_squeeze %dma_start3A_904 : memref<1x128x128xf32, #tpu.memory_space<vmem>> -> memref<128x128xf32, #tpu.memory_space<vmem>>
    %dma_start3A_906 = arith.constant 0 : i32
    %dma_start3A_907 = tpu.memref_slice %arg2[%add3A_899, %dma_start3A_906] : memref<65536x128xf32, #tpu.memory_space<hbm>> -> memref<128x128xf32, #tpu.memory_space<hbm>>
    %dma_start3A_908 = tpu.memref_slice %arg15[%dma_start3A_901] : memref<2x!tpu.dma_semaphore, #tpu.memory_space<semaphore_mem>> -> memref<1x!tpu.dma_semaphore, #tpu.memory_space<semaphore_mem>>
    %dma_start3A_909 = tpu.memref_squeeze %dma_start3A_908 : memref<1x!tpu.dma_semaphore, #tpu.memory_space<semaphore_mem>> -> memref<!tpu.dma_semaphore, #tpu.memory_space<semaphore_mem>>
    %dma_start3A_910 = arith.constant 0 : i32
    %dma_start3A_911 = arith.constant 0 : i32
    %dma_start3A_912 = tpu.memref_slice %arg8[%dma_start3A_900, %dma_start3A_910, %dma_start3A_911] : memref<2x128x128xf32, #tpu.memory_space<vmem>> -> memref<1x128x128xf32, #tpu.memory_space<vmem>>
    %dma_start3A_913 = tpu.memref_squeeze %dma_start3A_912 : memref<1x128x128xf32, #tpu.memory_space<vmem>> -> memref<128x128xf32, #tpu.memory_space<vmem>>
    %dma_start3A_914 = arith.constant 0 : i32
    %dma_start3A_915 = tpu.memref_slice %arg2[%add3A_899, %dma_start3A_914] : memref<65536x128xf32, #tpu.memory_space<hbm>> -> memref<128x128xf32, #tpu.memory_space<hbm>>
    tpu.enqueue_dma source(%dma_start3A_915 : memref<128x128xf32, #tpu.memory_space<hbm>>) target(%dma_start3A_913 : memref<128x128xf32, #tpu.memory_space<vmem>>) target_semaphore(%dma_start3A_909 : memref<!tpu.dma_semaphore, #tpu.memory_space<semaphore_mem>>)
    %dma_start3A_916 = arith.constant 15 : i32
    %dma_start3A_917 = arith.constant 1 : i32
    %dma_start3A_918 = arith.constant 0 : i32
    %dma_start3A_919 = tpu.memref_slice %arg9[%dma_start3A_916, %dma_start3A_918] : memref<16x128xi32, #tpu.memory_space<vmem>> -> memref<1x128xi32, #tpu.memory_space<vmem>>
    %dma_start3A_920 = tpu.memref_squeeze %dma_start3A_919 : memref<1x128xi32, #tpu.memory_space<vmem>> -> memref<128xi32, #tpu.memory_space<vmem>>
    %dma_start3A_921 = tpu.memref_slice %arg3[%add3A_899] : memref<65536xi32, #tpu.memory_space<hbm>> -> memref<128xi32, #tpu.memory_space<hbm>>
    %dma_start3A_922 = tpu.memref_slice %arg16[%dma_start3A_917] : memref<2x!tpu.dma_semaphore, #tpu.memory_space<semaphore_mem>> -> memref<1x!tpu.dma_semaphore, #tpu.memory_space<semaphore_mem>>
    %dma_start3A_923 = tpu.memref_squeeze %dma_start3A_922 : memref<1x!tpu.dma_semaphore, #tpu.memory_space<semaphore_mem>> -> memref<!tpu.dma_semaphore, #tpu.memory_space<semaphore_mem>>
    %dma_start3A_924 = arith.constant 0 : i32
    %dma_start3A_925 = tpu.memref_slice %arg9[%dma_start3A_916, %dma_start3A_924] : memref<16x128xi32, #tpu.memory_space<vmem>> -> memref<1x128xi32, #tpu.memory_space<vmem>>
    %dma_start3A_926 = tpu.memref_squeeze %dma_start3A_925 : memref<1x128xi32, #tpu.memory_space<vmem>> -> memref<128xi32, #tpu.memory_space<vmem>>
    %dma_start3A_927 = tpu.memref_slice %arg3[%add3A_899] : memref<65536xi32, #tpu.memory_space<hbm>> -> memref<128xi32, #tpu.memory_space<hbm>>
    tpu.enqueue_dma source(%dma_start3A_927 : memref<128xi32, #tpu.memory_space<hbm>>) target(%dma_start3A_926 : memref<128xi32, #tpu.memory_space<vmem>>) target_semaphore(%dma_start3A_923 : memref<!tpu.dma_semaphore, #tpu.memory_space<semaphore_mem>>)
    %dma_wait3A_928 = arith.constant 0 : i32
    %dma_wait3A_929 = arith.constant 0 : i32
    %dma_wait3A_930 = arith.constant 0 : i32
    %dma_wait3A_931 = arith.constant 0 : i32
    %dma_wait3A_932 = tpu.memref_slice %arg8[%dma_wait3A_928, %dma_wait3A_930, %dma_wait3A_931] : memref<2x128x128xf32, #tpu.memory_space<vmem>> -> memref<1x128x128xf32, #tpu.memory_space<vmem>>
    %dma_wait3A_933 = tpu.memref_squeeze %dma_wait3A_932 : memref<1x128x128xf32, #tpu.memory_space<vmem>> -> memref<128x128xf32, #tpu.memory_space<vmem>>
    %dma_wait3A_934 = arith.constant 0 : i32
    %dma_wait3A_935 = tpu.memref_slice %arg2[%add3A_838, %dma_wait3A_934] : memref<65536x128xf32, #tpu.memory_space<hbm>> -> memref<128x128xf32, #tpu.memory_space<hbm>>
    %dma_wait3A_936 = tpu.memref_slice %arg15[%dma_wait3A_929] : memref<2x!tpu.dma_semaphore, #tpu.memory_space<semaphore_mem>> -> memref<1x!tpu.dma_semaphore, #tpu.memory_space<semaphore_mem>>
    %dma_wait3A_937 = tpu.memref_squeeze %dma_wait3A_936 : memref<1x!tpu.dma_semaphore, #tpu.memory_space<semaphore_mem>> -> memref<!tpu.dma_semaphore, #tpu.memory_space<semaphore_mem>>
    %dma_wait3A_938 = arith.constant 0 : i32
    %dma_wait3A_939 = arith.constant 0 : i32
    %dma_wait3A_940 = tpu.memref_slice %arg8[%dma_wait3A_928, %dma_wait3A_938, %dma_wait3A_939] : memref<2x128x128xf32, #tpu.memory_space<vmem>> -> memref<1x128x128xf32, #tpu.memory_space<vmem>>
    %dma_wait3A_941 = tpu.memref_squeeze %dma_wait3A_940 : memref<1x128x128xf32, #tpu.memory_space<vmem>> -> memref<128x128xf32, #tpu.memory_space<vmem>>
    %dma_wait3A_942 = arith.constant 0 : i32
    %dma_wait3A_943 = tpu.memref_slice %arg2[%add3A_838, %dma_wait3A_942] : memref<65536x128xf32, #tpu.memory_space<hbm>> -> memref<128x128xf32, #tpu.memory_space<hbm>>
    tpu.wait_dma2 semaphore(%dma_wait3A_937 : memref<!tpu.dma_semaphore, #tpu.memory_space<semaphore_mem>>) src(%dma_wait3A_943 : memref<128x128xf32, #tpu.memory_space<hbm>>) dst(%dma_wait3A_941 : memref<128x128xf32, #tpu.memory_space<vmem>>)
    %dma_wait3A_944 = arith.constant 14 : i32
    %dma_wait3A_945 = arith.constant 0 : i32
    %dma_wait3A_946 = arith.constant 0 : i32
    %dma_wait3A_947 = tpu.memref_slice %arg9[%dma_wait3A_944, %dma_wait3A_946] : memref<16x128xi32, #tpu.memory_space<vmem>> -> memref<1x128xi32, #tpu.memory_space<vmem>>
    %dma_wait3A_948 = tpu.memref_squeeze %dma_wait3A_947 : memref<1x128xi32, #tpu.memory_space<vmem>> -> memref<128xi32, #tpu.memory_space<vmem>>
    %dma_wait3A_949 = tpu.memref_slice %arg3[%add3A_838] : memref<65536xi32, #tpu.memory_space<hbm>> -> memref<128xi32, #tpu.memory_space<hbm>>
    %dma_wait3A_950 = tpu.memref_slice %arg16[%dma_wait3A_945] : memref<2x!tpu.dma_semaphore, #tpu.memory_space<semaphore_mem>> -> memref<1x!tpu.dma_semaphore, #tpu.memory_space<semaphore_mem>>
    %dma_wait3A_951 = tpu.memref_squeeze %dma_wait3A_950 : memref<1x!tpu.dma_semaphore, #tpu.memory_space<semaphore_mem>> -> memref<!tpu.dma_semaphore, #tpu.memory_space<semaphore_mem>>
    %dma_wait3A_952 = arith.constant 0 : i32
    %dma_wait3A_953 = tpu.memref_slice %arg9[%dma_wait3A_944, %dma_wait3A_952] : memref<16x128xi32, #tpu.memory_space<vmem>> -> memref<1x128xi32, #tpu.memory_space<vmem>>
    %dma_wait3A_954 = tpu.memref_squeeze %dma_wait3A_953 : memref<1x128xi32, #tpu.memory_space<vmem>> -> memref<128xi32, #tpu.memory_space<vmem>>
    %dma_wait3A_955 = tpu.memref_slice %arg3[%add3A_838] : memref<65536xi32, #tpu.memory_space<hbm>> -> memref<128xi32, #tpu.memory_space<hbm>>
    tpu.wait_dma2 semaphore(%dma_wait3A_951 : memref<!tpu.dma_semaphore, #tpu.memory_space<semaphore_mem>>) src(%dma_wait3A_955 : memref<128xi32, #tpu.memory_space<hbm>>) dst(%dma_wait3A_954 : memref<128xi32, #tpu.memory_space<vmem>>)
    %run_scoped3A_956 = arith.constant 0 : i32
    %run_scoped3A_957 = arith.constant 14 : i32
    "tpu.region"() ({
      %run_scoped3A_1001 = tpu.sem_alloc : memref<!tpu.dma_semaphore, #tpu.memory_space<semaphore_mem>>
      %dma_start3A_1002 = arith.constant 0 : i32
      %dma_start3A_1003 = arith.constant 0 : i32
      %dma_start3A_1004 = tpu.memref_slice %arg8[%run_scoped3A_956, %dma_start3A_1002, %dma_start3A_1003] : memref<2x128x128xf32, #tpu.memory_space<vmem>> -> memref<1x128x128xf32, #tpu.memory_space<vmem>>
      %dma_start3A_1005 = tpu.memref_squeeze %dma_start3A_1004 : memref<1x128x128xf32, #tpu.memory_space<vmem>> -> memref<128x128xf32, #tpu.memory_space<vmem>>
      %dma_start3A_1006 = arith.constant 0 : i32
      %dma_start3A_1007 = tpu.memref_slice %arg9[%run_scoped3A_957, %dma_start3A_1006] : memref<16x128xi32, #tpu.memory_space<vmem>> -> memref<1x128xi32, #tpu.memory_space<vmem>>
      %dma_start3A_1008 = tpu.memref_squeeze %dma_start3A_1007 : memref<1x128xi32, #tpu.memory_space<vmem>> -> memref<128xi32, #tpu.memory_space<vmem>>
      %dma_start3A_1009 = arith.constant 0 : i32
      %dma_start3A_1010 = arith.constant 0 : i32
      %dma_start3A_1011 = tpu.memref_slice %arg13[%dma_start3A_1009, %dma_start3A_1010] : memref<128x128xf32, #tpu.memory_space<vmem_shared>> -> memref<128x128xf32, #tpu.memory_space<vmem_shared>>
      tpu.enqueue_indirect_dma source(%dma_start3A_1005 : memref<128x128xf32, #tpu.memory_space<vmem>>) target(%dma_start3A_1011 : memref<128x128xf32, #tpu.memory_space<vmem_shared>>) offsets(%dma_start3A_1008 : memref<128xi32, #tpu.memory_space<vmem>>) semaphore(%run_scoped3A_1001 : memref<!tpu.dma_semaphore, #tpu.memory_space<semaphore_mem>>) {add = true}
      %dma_wait3A_1012 = arith.constant 0 : i32
      %dma_wait3A_1013 = arith.constant 0 : i32
      %dma_wait3A_1014 = tpu.memref_slice %arg8[%run_scoped3A_956, %dma_wait3A_1012, %dma_wait3A_1013] : memref<2x128x128xf32, #tpu.memory_space<vmem>> -> memref<1x128x128xf32, #tpu.memory_space<vmem>>
      %dma_wait3A_1015 = tpu.memref_squeeze %dma_wait3A_1014 : memref<1x128x128xf32, #tpu.memory_space<vmem>> -> memref<128x128xf32, #tpu.memory_space<vmem>>
      %dma_wait3A_1016 = arith.constant 0 : i32
      %dma_wait3A_1017 = tpu.memref_slice %arg9[%run_scoped3A_957, %dma_wait3A_1016] : memref<16x128xi32, #tpu.memory_space<vmem>> -> memref<1x128xi32, #tpu.memory_space<vmem>>
      %dma_wait3A_1018 = tpu.memref_squeeze %dma_wait3A_1017 : memref<1x128xi32, #tpu.memory_space<vmem>> -> memref<128xi32, #tpu.memory_space<vmem>>
      %dma_wait3A_1019 = arith.constant 0 : i32
      %dma_wait3A_1020 = arith.constant 0 : i32
      %dma_wait3A_1021 = tpu.memref_slice %arg13[%dma_wait3A_1019, %dma_wait3A_1020] : memref<128x128xf32, #tpu.memory_space<vmem_shared>> -> memref<128x128xf32, #tpu.memory_space<vmem_shared>>
      tpu.wait_indirect_dma semaphore(%run_scoped3A_1001 : memref<!tpu.dma_semaphore, #tpu.memory_space<semaphore_mem>>) src(%dma_wait3A_1015 : memref<128x128xf32, #tpu.memory_space<vmem>>) dst(%dma_wait3A_1021 : memref<128x128xf32, #tpu.memory_space<vmem_shared>>)
      tpu.yield
    }) : () -> ()
    %run_scoped3A_958 = arith.constant 14 : i32
    "tpu.region"() ({
      %run_scoped3A_1001 = tpu.sem_alloc : memref<!tpu.dma_semaphore, #tpu.memory_space<semaphore_mem>>
      %dma_start3A_1002 = arith.constant 0 : i32
      %dma_start3A_1003 = tpu.memref_slice %arg9[%run_scoped3A_958, %dma_start3A_1002] : memref<16x128xi32, #tpu.memory_space<vmem>> -> memref<1x128xi32, #tpu.memory_space<vmem>>
      %dma_start3A_1004 = tpu.memref_squeeze %dma_start3A_1003 : memref<1x128xi32, #tpu.memory_space<vmem>> -> memref<128xi32, #tpu.memory_space<vmem>>
      %dma_start3A_1005 = arith.constant 0 : i32
      %dma_start3A_1006 = arith.constant 0 : i32
      %dma_start3A_1007 = tpu.memref_slice %arg14[%dma_start3A_1005, %dma_start3A_1006] : memref<128x16xf32, #tpu.memory_space<vmem_shared>> -> memref<128x16xf32, #tpu.memory_space<vmem_shared>>
      tpu.enqueue_indirect_dma source(%arg10 : memref<128x16xf32, #tpu.memory_space<vmem>>) target(%dma_start3A_1007 : memref<128x16xf32, #tpu.memory_space<vmem_shared>>) offsets(%dma_start3A_1004 : memref<128xi32, #tpu.memory_space<vmem>>) semaphore(%run_scoped3A_1001 : memref<!tpu.dma_semaphore, #tpu.memory_space<semaphore_mem>>) {add = true}
      %dma_wait3A_1008 = arith.constant 0 : i32
      %dma_wait3A_1009 = tpu.memref_slice %arg9[%run_scoped3A_958, %dma_wait3A_1008] : memref<16x128xi32, #tpu.memory_space<vmem>> -> memref<1x128xi32, #tpu.memory_space<vmem>>
      %dma_wait3A_1010 = tpu.memref_squeeze %dma_wait3A_1009 : memref<1x128xi32, #tpu.memory_space<vmem>> -> memref<128xi32, #tpu.memory_space<vmem>>
      %dma_wait3A_1011 = arith.constant 0 : i32
      %dma_wait3A_1012 = arith.constant 0 : i32
      %dma_wait3A_1013 = tpu.memref_slice %arg14[%dma_wait3A_1011, %dma_wait3A_1012] : memref<128x16xf32, #tpu.memory_space<vmem_shared>> -> memref<128x16xf32, #tpu.memory_space<vmem_shared>>
      tpu.wait_indirect_dma semaphore(%run_scoped3A_1001 : memref<!tpu.dma_semaphore, #tpu.memory_space<semaphore_mem>>) src(%arg10 : memref<128x16xf32, #tpu.memory_space<vmem>>) dst(%dma_wait3A_1013 : memref<128x16xf32, #tpu.memory_space<vmem_shared>>)
      tpu.yield
    }) : () -> ()
    %dma_wait3A_959 = arith.constant 1 : i32
    %dma_wait3A_960 = arith.constant 1 : i32
    %dma_wait3A_961 = arith.constant 0 : i32
    %dma_wait3A_962 = arith.constant 0 : i32
    %dma_wait3A_963 = tpu.memref_slice %arg8[%dma_wait3A_959, %dma_wait3A_961, %dma_wait3A_962] : memref<2x128x128xf32, #tpu.memory_space<vmem>> -> memref<1x128x128xf32, #tpu.memory_space<vmem>>
    %dma_wait3A_964 = tpu.memref_squeeze %dma_wait3A_963 : memref<1x128x128xf32, #tpu.memory_space<vmem>> -> memref<128x128xf32, #tpu.memory_space<vmem>>
    %dma_wait3A_965 = arith.constant 0 : i32
    %dma_wait3A_966 = tpu.memref_slice %arg2[%add3A_899, %dma_wait3A_965] : memref<65536x128xf32, #tpu.memory_space<hbm>> -> memref<128x128xf32, #tpu.memory_space<hbm>>
    %dma_wait3A_967 = tpu.memref_slice %arg15[%dma_wait3A_960] : memref<2x!tpu.dma_semaphore, #tpu.memory_space<semaphore_mem>> -> memref<1x!tpu.dma_semaphore, #tpu.memory_space<semaphore_mem>>
    %dma_wait3A_968 = tpu.memref_squeeze %dma_wait3A_967 : memref<1x!tpu.dma_semaphore, #tpu.memory_space<semaphore_mem>> -> memref<!tpu.dma_semaphore, #tpu.memory_space<semaphore_mem>>
    %dma_wait3A_969 = arith.constant 0 : i32
    %dma_wait3A_970 = arith.constant 0 : i32
    %dma_wait3A_971 = tpu.memref_slice %arg8[%dma_wait3A_959, %dma_wait3A_969, %dma_wait3A_970] : memref<2x128x128xf32, #tpu.memory_space<vmem>> -> memref<1x128x128xf32, #tpu.memory_space<vmem>>
    %dma_wait3A_972 = tpu.memref_squeeze %dma_wait3A_971 : memref<1x128x128xf32, #tpu.memory_space<vmem>> -> memref<128x128xf32, #tpu.memory_space<vmem>>
    %dma_wait3A_973 = arith.constant 0 : i32
    %dma_wait3A_974 = tpu.memref_slice %arg2[%add3A_899, %dma_wait3A_973] : memref<65536x128xf32, #tpu.memory_space<hbm>> -> memref<128x128xf32, #tpu.memory_space<hbm>>
    tpu.wait_dma2 semaphore(%dma_wait3A_968 : memref<!tpu.dma_semaphore, #tpu.memory_space<semaphore_mem>>) src(%dma_wait3A_974 : memref<128x128xf32, #tpu.memory_space<hbm>>) dst(%dma_wait3A_972 : memref<128x128xf32, #tpu.memory_space<vmem>>)
    %dma_wait3A_975 = arith.constant 15 : i32
    %dma_wait3A_976 = arith.constant 1 : i32
    %dma_wait3A_977 = arith.constant 0 : i32
    %dma_wait3A_978 = tpu.memref_slice %arg9[%dma_wait3A_975, %dma_wait3A_977] : memref<16x128xi32, #tpu.memory_space<vmem>> -> memref<1x128xi32, #tpu.memory_space<vmem>>
    %dma_wait3A_979 = tpu.memref_squeeze %dma_wait3A_978 : memref<1x128xi32, #tpu.memory_space<vmem>> -> memref<128xi32, #tpu.memory_space<vmem>>
    %dma_wait3A_980 = tpu.memref_slice %arg3[%add3A_899] : memref<65536xi32, #tpu.memory_space<hbm>> -> memref<128xi32, #tpu.memory_space<hbm>>
    %dma_wait3A_981 = tpu.memref_slice %arg16[%dma_wait3A_976] : memref<2x!tpu.dma_semaphore, #tpu.memory_space<semaphore_mem>> -> memref<1x!tpu.dma_semaphore, #tpu.memory_space<semaphore_mem>>
    %dma_wait3A_982 = tpu.memref_squeeze %dma_wait3A_981 : memref<1x!tpu.dma_semaphore, #tpu.memory_space<semaphore_mem>> -> memref<!tpu.dma_semaphore, #tpu.memory_space<semaphore_mem>>
    %dma_wait3A_983 = arith.constant 0 : i32
    %dma_wait3A_984 = tpu.memref_slice %arg9[%dma_wait3A_975, %dma_wait3A_983] : memref<16x128xi32, #tpu.memory_space<vmem>> -> memref<1x128xi32, #tpu.memory_space<vmem>>
    %dma_wait3A_985 = tpu.memref_squeeze %dma_wait3A_984 : memref<1x128xi32, #tpu.memory_space<vmem>> -> memref<128xi32, #tpu.memory_space<vmem>>
    %dma_wait3A_986 = tpu.memref_slice %arg3[%add3A_899] : memref<65536xi32, #tpu.memory_space<hbm>> -> memref<128xi32, #tpu.memory_space<hbm>>
    tpu.wait_dma2 semaphore(%dma_wait3A_982 : memref<!tpu.dma_semaphore, #tpu.memory_space<semaphore_mem>>) src(%dma_wait3A_986 : memref<128xi32, #tpu.memory_space<hbm>>) dst(%dma_wait3A_985 : memref<128xi32, #tpu.memory_space<vmem>>)
    %run_scoped3A_987 = arith.constant 1 : i32
    %run_scoped3A_988 = arith.constant 15 : i32
    "tpu.region"() ({
      %run_scoped3A_1001 = tpu.sem_alloc : memref<!tpu.dma_semaphore, #tpu.memory_space<semaphore_mem>>
      %dma_start3A_1002 = arith.constant 0 : i32
      %dma_start3A_1003 = arith.constant 0 : i32
      %dma_start3A_1004 = tpu.memref_slice %arg8[%run_scoped3A_987, %dma_start3A_1002, %dma_start3A_1003] : memref<2x128x128xf32, #tpu.memory_space<vmem>> -> memref<1x128x128xf32, #tpu.memory_space<vmem>>
      %dma_start3A_1005 = tpu.memref_squeeze %dma_start3A_1004 : memref<1x128x128xf32, #tpu.memory_space<vmem>> -> memref<128x128xf32, #tpu.memory_space<vmem>>
      %dma_start3A_1006 = arith.constant 0 : i32
      %dma_start3A_1007 = tpu.memref_slice %arg9[%run_scoped3A_988, %dma_start3A_1006] : memref<16x128xi32, #tpu.memory_space<vmem>> -> memref<1x128xi32, #tpu.memory_space<vmem>>
      %dma_start3A_1008 = tpu.memref_squeeze %dma_start3A_1007 : memref<1x128xi32, #tpu.memory_space<vmem>> -> memref<128xi32, #tpu.memory_space<vmem>>
      %dma_start3A_1009 = arith.constant 0 : i32
      %dma_start3A_1010 = arith.constant 0 : i32
      %dma_start3A_1011 = tpu.memref_slice %arg13[%dma_start3A_1009, %dma_start3A_1010] : memref<128x128xf32, #tpu.memory_space<vmem_shared>> -> memref<128x128xf32, #tpu.memory_space<vmem_shared>>
      tpu.enqueue_indirect_dma source(%dma_start3A_1005 : memref<128x128xf32, #tpu.memory_space<vmem>>) target(%dma_start3A_1011 : memref<128x128xf32, #tpu.memory_space<vmem_shared>>) offsets(%dma_start3A_1008 : memref<128xi32, #tpu.memory_space<vmem>>) semaphore(%run_scoped3A_1001 : memref<!tpu.dma_semaphore, #tpu.memory_space<semaphore_mem>>) {add = true}
      %dma_wait3A_1012 = arith.constant 0 : i32
      %dma_wait3A_1013 = arith.constant 0 : i32
      %dma_wait3A_1014 = tpu.memref_slice %arg8[%run_scoped3A_987, %dma_wait3A_1012, %dma_wait3A_1013] : memref<2x128x128xf32, #tpu.memory_space<vmem>> -> memref<1x128x128xf32, #tpu.memory_space<vmem>>
      %dma_wait3A_1015 = tpu.memref_squeeze %dma_wait3A_1014 : memref<1x128x128xf32, #tpu.memory_space<vmem>> -> memref<128x128xf32, #tpu.memory_space<vmem>>
      %dma_wait3A_1016 = arith.constant 0 : i32
      %dma_wait3A_1017 = tpu.memref_slice %arg9[%run_scoped3A_988, %dma_wait3A_1016] : memref<16x128xi32, #tpu.memory_space<vmem>> -> memref<1x128xi32, #tpu.memory_space<vmem>>
      %dma_wait3A_1018 = tpu.memref_squeeze %dma_wait3A_1017 : memref<1x128xi32, #tpu.memory_space<vmem>> -> memref<128xi32, #tpu.memory_space<vmem>>
      %dma_wait3A_1019 = arith.constant 0 : i32
      %dma_wait3A_1020 = arith.constant 0 : i32
      %dma_wait3A_1021 = tpu.memref_slice %arg13[%dma_wait3A_1019, %dma_wait3A_1020] : memref<128x128xf32, #tpu.memory_space<vmem_shared>> -> memref<128x128xf32, #tpu.memory_space<vmem_shared>>
      tpu.wait_indirect_dma semaphore(%run_scoped3A_1001 : memref<!tpu.dma_semaphore, #tpu.memory_space<semaphore_mem>>) src(%dma_wait3A_1015 : memref<128x128xf32, #tpu.memory_space<vmem>>) dst(%dma_wait3A_1021 : memref<128x128xf32, #tpu.memory_space<vmem_shared>>)
      tpu.yield
    }) : () -> ()
    %run_scoped3A_989 = arith.constant 15 : i32
    "tpu.region"() ({
      %run_scoped3A_1001 = tpu.sem_alloc : memref<!tpu.dma_semaphore, #tpu.memory_space<semaphore_mem>>
      %dma_start3A_1002 = arith.constant 0 : i32
      %dma_start3A_1003 = tpu.memref_slice %arg9[%run_scoped3A_989, %dma_start3A_1002] : memref<16x128xi32, #tpu.memory_space<vmem>> -> memref<1x128xi32, #tpu.memory_space<vmem>>
      %dma_start3A_1004 = tpu.memref_squeeze %dma_start3A_1003 : memref<1x128xi32, #tpu.memory_space<vmem>> -> memref<128xi32, #tpu.memory_space<vmem>>
      %dma_start3A_1005 = arith.constant 0 : i32
      %dma_start3A_1006 = arith.constant 0 : i32
      %dma_start3A_1007 = tpu.memref_slice %arg14[%dma_start3A_1005, %dma_start3A_1006] : memref<128x16xf32, #tpu.memory_space<vmem_shared>> -> memref<128x16xf32, #tpu.memory_space<vmem_shared>>
      tpu.enqueue_indirect_dma source(%arg10 : memref<128x16xf32, #tpu.memory_space<vmem>>) target(%dma_start3A_1007 : memref<128x16xf32, #tpu.memory_space<vmem_shared>>) offsets(%dma_start3A_1004 : memref<128xi32, #tpu.memory_space<vmem>>) semaphore(%run_scoped3A_1001 : memref<!tpu.dma_semaphore, #tpu.memory_space<semaphore_mem>>) {add = true}
      %dma_wait3A_1008 = arith.constant 0 : i32
      %dma_wait3A_1009 = tpu.memref_slice %arg9[%run_scoped3A_989, %dma_wait3A_1008] : memref<16x128xi32, #tpu.memory_space<vmem>> -> memref<1x128xi32, #tpu.memory_space<vmem>>
      %dma_wait3A_1010 = tpu.memref_squeeze %dma_wait3A_1009 : memref<1x128xi32, #tpu.memory_space<vmem>> -> memref<128xi32, #tpu.memory_space<vmem>>
      %dma_wait3A_1011 = arith.constant 0 : i32
      %dma_wait3A_1012 = arith.constant 0 : i32
      %dma_wait3A_1013 = tpu.memref_slice %arg14[%dma_wait3A_1011, %dma_wait3A_1012] : memref<128x16xf32, #tpu.memory_space<vmem_shared>> -> memref<128x16xf32, #tpu.memory_space<vmem_shared>>
      tpu.wait_indirect_dma semaphore(%run_scoped3A_1001 : memref<!tpu.dma_semaphore, #tpu.memory_space<semaphore_mem>>) src(%arg10 : memref<128x16xf32, #tpu.memory_space<vmem>>) dst(%dma_wait3A_1013 : memref<128x16xf32, #tpu.memory_space<vmem_shared>>)
      tpu.yield
    }) : () -> ()
    %barrier3A_990 = arith.constant 0 : index
    tpu.barrier barrier_id(%barrier3A_990)
    %eq3A_991 = arith.constant 0 : i32
    %eq3A_992 = arith.cmpi eq, %arg1, %eq3A_991 : i32
    %convert_element_type3A_993 = arith.extui %eq3A_992 : i1 to i32
    %cond3A_994 = arith.constant 0 : i32
    %cond3A_995 = arith.cmpi ne, %convert_element_type3A_993, %cond3A_994 : i32
    scf.if %cond3A_995 {
      "tpu.region"() ({
        %run_scoped3A_1001 = tpu.sem_alloc : memref<!tpu.dma_semaphore, #tpu.memory_space<semaphore_mem>>
        %dma_start3A_1002 = arith.constant 0 : i32
        %dma_start3A_1003 = arith.constant 0 : i32
        %dma_start3A_1004 = tpu.memref_slice %arg5[%arg0, %dma_start3A_1002, %dma_start3A_1003] : memref<2x128x128xf32, #tpu.memory_space<hbm>> -> memref<1x128x128xf32, #tpu.memory_space<hbm>>
        %dma_start3A_1005 = tpu.memref_squeeze %dma_start3A_1004 : memref<1x128x128xf32, #tpu.memory_space<hbm>> -> memref<128x128xf32, #tpu.memory_space<hbm>>
        tpu.enqueue_dma source(%arg13 : memref<128x128xf32, #tpu.memory_space<vmem_shared>>) target(%dma_start3A_1005 : memref<128x128xf32, #tpu.memory_space<hbm>>) target_semaphore(%run_scoped3A_1001 : memref<!tpu.dma_semaphore, #tpu.memory_space<semaphore_mem>>)
        %dma_wait3A_1006 = arith.constant 0 : i32
        %dma_wait3A_1007 = arith.constant 0 : i32
        %dma_wait3A_1008 = tpu.memref_slice %arg5[%arg0, %dma_wait3A_1006, %dma_wait3A_1007] : memref<2x128x128xf32, #tpu.memory_space<hbm>> -> memref<1x128x128xf32, #tpu.memory_space<hbm>>
        %dma_wait3A_1009 = tpu.memref_squeeze %dma_wait3A_1008 : memref<1x128x128xf32, #tpu.memory_space<hbm>> -> memref<128x128xf32, #tpu.memory_space<hbm>>
        tpu.wait_dma2 semaphore(%run_scoped3A_1001 : memref<!tpu.dma_semaphore, #tpu.memory_space<semaphore_mem>>) src(%arg13 : memref<128x128xf32, #tpu.memory_space<vmem_shared>>) dst(%dma_wait3A_1009 : memref<128x128xf32, #tpu.memory_space<hbm>>)
        tpu.yield
      }) : () -> ()
      "tpu.region"() ({
        %run_scoped3A_1001 = tpu.sem_alloc : memref<!tpu.dma_semaphore, #tpu.memory_space<semaphore_mem>>
        %dma_start3A_1002 = arith.constant 0 : i32
        %dma_start3A_1003 = arith.constant 0 : i32
        %dma_start3A_1004 = tpu.memref_slice %arg6[%arg0, %dma_start3A_1002, %dma_start3A_1003] : memref<2x128x16xf32, #tpu.memory_space<hbm>> -> memref<1x128x16xf32, #tpu.memory_space<hbm>>
        %dma_start3A_1005 = tpu.memref_squeeze %dma_start3A_1004 : memref<1x128x16xf32, #tpu.memory_space<hbm>> -> memref<128x16xf32, #tpu.memory_space<hbm>>
        tpu.enqueue_dma source(%arg14 : memref<128x16xf32, #tpu.memory_space<vmem_shared>>) target(%dma_start3A_1005 : memref<128x16xf32, #tpu.memory_space<hbm>>) target_semaphore(%run_scoped3A_1001 : memref<!tpu.dma_semaphore, #tpu.memory_space<semaphore_mem>>)
        %dma_wait3A_1006 = arith.constant 0 : i32
        %dma_wait3A_1007 = arith.constant 0 : i32
        %dma_wait3A_1008 = tpu.memref_slice %arg6[%arg0, %dma_wait3A_1006, %dma_wait3A_1007] : memref<2x128x16xf32, #tpu.memory_space<hbm>> -> memref<1x128x16xf32, #tpu.memory_space<hbm>>
        %dma_wait3A_1009 = tpu.memref_squeeze %dma_wait3A_1008 : memref<1x128x16xf32, #tpu.memory_space<hbm>> -> memref<128x16xf32, #tpu.memory_space<hbm>>
        tpu.wait_dma2 semaphore(%run_scoped3A_1001 : memref<!tpu.dma_semaphore, #tpu.memory_space<semaphore_mem>>) src(%arg14 : memref<128x16xf32, #tpu.memory_space<vmem_shared>>) dst(%dma_wait3A_1009 : memref<128x16xf32, #tpu.memory_space<hbm>>)
        tpu.yield
      }) : () -> ()
    } else {
    }
    %eq3A_996 = arith.constant 0 : i32
    %eq3A_997 = arith.cmpi eq, %add3A, %eq3A_996 : i32
    %convert_element_type3A_998 = arith.extui %eq3A_997 : i1 to i32
    %cond3A_999 = arith.constant 0 : i32
    %cond3A_1000 = arith.cmpi ne, %convert_element_type3A_998, %cond3A_999 : i32
    scf.if %cond3A_1000 {
      "tpu.region"() ({
        %run_scoped3A_1005 = tpu.sem_alloc : memref<!tpu.dma_semaphore, #tpu.memory_space<semaphore_mem>>
        tpu.enqueue_dma source(%arg4 : memref<256xi32, #tpu.memory_space<hbm>>) target(%arg11 : memref<256xi32, #tpu.memory_space<vmem>>) target_semaphore(%run_scoped3A_1005 : memref<!tpu.dma_semaphore, #tpu.memory_space<semaphore_mem>>)
        tpu.wait_dma2 semaphore(%run_scoped3A_1005 : memref<!tpu.dma_semaphore, #tpu.memory_space<semaphore_mem>>) src(%arg4 : memref<256xi32, #tpu.memory_space<hbm>>) dst(%arg11 : memref<256xi32, #tpu.memory_space<vmem>>)
        tpu.yield
      }) : () -> ()
      %dma_start3A_1001 = arith.constant 0 : i32
      %dma_start3A_1002 = tpu.memref_slice %arg3[%dma_start3A_1001] : memref<65536xi32, #tpu.memory_space<hbm>> -> memref<65536xi32, #tpu.memory_space<hbm>>
      tpu.enqueue_indirect_dma source(%dma_start3A_1002 : memref<65536xi32, #tpu.memory_space<hbm>>) target(%arg12 : memref<256xi32, #tpu.memory_space<vmem>>) offsets(%arg11 : memref<256xi32, #tpu.memory_space<vmem>>) semaphore(%arg17 : memref<!tpu.dma_semaphore, #tpu.memory_space<semaphore_mem>>)
      %dma_wait3A_1003 = arith.constant 0 : i32
      %dma_wait3A_1004 = tpu.memref_slice %arg3[%dma_wait3A_1003] : memref<65536xi32, #tpu.memory_space<hbm>> -> memref<65536xi32, #tpu.memory_space<hbm>>
      tpu.wait_indirect_dma semaphore(%arg17 : memref<!tpu.dma_semaphore, #tpu.memory_space<semaphore_mem>>) src(%dma_wait3A_1004 : memref<65536xi32, #tpu.memory_space<hbm>>) dst(%arg12 : memref<256xi32, #tpu.memory_space<vmem>>)
      "tpu.region"() ({
        %run_scoped3A_1005 = tpu.sem_alloc : memref<!tpu.dma_semaphore, #tpu.memory_space<semaphore_mem>>
        tpu.enqueue_dma source(%arg12 : memref<256xi32, #tpu.memory_space<vmem>>) target(%arg7 : memref<256xi32, #tpu.memory_space<hbm>>) target_semaphore(%run_scoped3A_1005 : memref<!tpu.dma_semaphore, #tpu.memory_space<semaphore_mem>>)
        tpu.wait_dma2 semaphore(%run_scoped3A_1005 : memref<!tpu.dma_semaphore, #tpu.memory_space<semaphore_mem>>) src(%arg12 : memref<256xi32, #tpu.memory_space<vmem>>) dst(%arg7 : memref<256xi32, #tpu.memory_space<hbm>>)
        tpu.yield
      }) : () -> ()
    } else {
    }
    return
  }
}

module attributes {stable_mosaic.version = 14 : i64} {
  func.func @_g_kernel(%arg0: i32, %arg1: memref<8192x128xf32, #tpu.memory_space<vmem>>, %arg2: memref<128x128xf32, #tpu.memory_space<vmem>>) attributes {dimension_semantics = [#tpu.dimension_semantics<arbitrary>], iteration_bounds = array<i64: 8>, scalar_prefetch = 0 : i64, scratch_operands = 0 : i64, tpu.core_type = #tpu.core_type<tc>, window_params = [{transform_indices = @transform_0, window_bounds = array<i64: 8192, 128>}, {pipeline_mode = #tpu.pipeline_mode<synchronous>, transform_indices = @transform_1, window_bounds = array<i64: 128, 128>}]} {
    %eq3A = arith.constant 0 : i32
    %eq3A_0 = arith.cmpi eq, %arg0, %eq3A : i32
    %convert_element_type3A = arith.extui %eq3A_0 : i1 to i32
    %cond3A = arith.constant 0 : i32
    %cond3A_1 = arith.cmpi ne, %convert_element_type3A, %cond3A : i32
    scf.if %cond3A_1 {
      %broadcast_in_dim3A = arith.constant 0.000000e+00 : f32
      %broadcast_in_dim3A_11 = vector.broadcast %broadcast_in_dim3A : f32 to vector<128x128xf32>
      %swap3A_12 = arith.constant 0 : index
      %swap3A_13 = arith.constant 0 : index
      %swap3A_14 = vector.load %arg2[%swap3A_12, %swap3A_13] : memref<128x128xf32, #tpu.memory_space<vmem>>, vector<128x128xf32>
      tpu.vector_store %arg2[%swap3A_12, %swap3A_13], %broadcast_in_dim3A_11 {strides = array<i32>} : memref<128x128xf32, #tpu.memory_space<vmem>>, vector<128x128xf32>,
    } else {
    }
    %get3A = arith.constant 0 : index
    %get3A_2 = arith.constant 0 : index
    %get3A_3 = vector.load %arg1[%get3A, %get3A_2] : memref<8192x128xf32, #tpu.memory_space<vmem>>, vector<8192x128xf32>
    %convert_element_type3A_4 = arith.truncf %get3A_3 : vector<8192x128xf32> to vector<8192x128xbf16>
    %get3A_5 = arith.constant 0 : index
    %get3A_6 = arith.constant 0 : index
    %get3A_7 = vector.load %arg2[%get3A_5, %get3A_6] : memref<128x128xf32, #tpu.memory_space<vmem>>, vector<128x128xf32>
    %dot_general3A = arith.constant dense<0.000000e+00> : vector<128x128xf32>
    %dot_general3A_8 = tpu.matmul %convert_element_type3A_4, %convert_element_type3A_4, %dot_general3A {dimension_numbers = #tpu.dot_dimension_numbers<[0], [0], [1], [1], [0, 1, 1, 1], [], []>, transpose_lhs_hint = false} : vector<8192x128xbf16>, vector<8192x128xbf16>, vector<128x128xf32> -> vector<128x128xf32>
    %add3A = arith.addf %get3A_7, %dot_general3A_8 : vector<128x128xf32>
    %swap3A = arith.constant 0 : index
    %swap3A_9 = arith.constant 0 : index
    %swap3A_10 = vector.load %arg2[%swap3A, %swap3A_9] : memref<128x128xf32, #tpu.memory_space<vmem>>, vector<128x128xf32>
    tpu.vector_store %arg2[%swap3A, %swap3A_9], %add3A {strides = array<i32>} : memref<128x128xf32, #tpu.memory_space<vmem>>, vector<128x128xf32>,
    return
  }
  func.func @transform_0(%arg0: i32) -> (i32, i32) {
    %c0_i32 = arith.constant 0 : i32
    %c0_i32_0 = arith.constant 0 : i32
    return %arg0, %c0_i32 : i32, i32
  }
  func.func @transform_1(%arg0: i32) -> (i32, i32) {
    %c0_i32 = arith.constant 0 : i32
    %c0_i32_0 = arith.constant 0 : i32
    %c0_i32_1 = arith.constant 0 : i32
    return %c0_i32, %c0_i32_0 : i32, i32
  }
}

module attributes {stable_mosaic.version = 14 : i64} {
  func.func @_epilogue_kernel(%arg0: memref<256x128xf32, #tpu.memory_space<vmem>>, %arg1: memref<256x1xi32, #tpu.memory_space<vmem>>, %arg2: memref<128x128xf32, #tpu.memory_space<vmem>>, %arg3: memref<2x128x128xf32, #tpu.memory_space<vmem>>, %arg4: memref<2x128x16xf32, #tpu.memory_space<vmem>>, %arg5: memref<1x1xf32, #tpu.memory_space<vmem>>) attributes {dimension_semantics = [], scalar_prefetch = 0 : i64, scratch_operands = 0 : i64, tpu.core_type = #tpu.core_type<tc>} {
    %get3A = arith.constant 0 : index
    %get3A_0 = arith.constant 0 : index
    %get3A_1 = vector.load %arg0[%get3A, %get3A_0] : memref<256x128xf32, #tpu.memory_space<vmem>>, vector<256x128xf32>
    %mul3A = arith.mulf %get3A_1, %get3A_1 : vector<256x128xf32>
    %reduce_sum3A = arith.constant dense<0.000000e+00> : vector<256xf32>
    %reduce_sum3A_2 = vector.multi_reduction <add>, %mul3A, %reduce_sum3A [1] : vector<256x128xf32> to vector<256xf32>
    %broadcast_in_dim3A = vector.shape_cast %reduce_sum3A_2 : vector<256xf32> to vector<256x1xf32>
    %sqrt3A = math.sqrt %broadcast_in_dim3A : vector<256x1xf32>
    %add3A = arith.constant 9.99999996E-13 : f32
    %add3A_3 = vector.broadcast %add3A : f32 to vector<256x1xf32>
    %add3A_4 = arith.addf %sqrt3A, %add3A_3 : vector<256x1xf32>
    %div3A = vector.broadcast %add3A_4 : vector<256x1xf32> to vector<256x128xf32>
    %div3A_5 = arith.divf %get3A_1, %div3A : vector<256x128xf32>
    %get3A_6 = arith.constant 0 : index
    %get3A_7 = arith.constant 0 : index
    %get3A_8 = arith.constant 0 : index
    %get3A_9 = vector.load %arg3[%get3A_6, %get3A_7, %get3A_8] : memref<2x128x128xf32, #tpu.memory_space<vmem>>, vector<2x128x128xf32>
    %reduce_sum3A_10 = arith.constant dense<0.000000e+00> : vector<128x128xf32>
    %reduce_sum3A_11 = vector.multi_reduction <add>, %get3A_9, %reduce_sum3A_10 [0] : vector<2x128x128xf32> to vector<128x128xf32>
    %get3A_12 = arith.constant 0 : index
    %get3A_13 = arith.constant 0 : index
    %get3A_14 = arith.constant 0 : index
    %get3A_15 = vector.load %arg4[%get3A_12, %get3A_13, %get3A_14] : memref<2x128x16xf32, #tpu.memory_space<vmem>>, vector<2x128x16xf32>
    %reduce_sum3A_16 = arith.constant dense<0.000000e+00> : vector<128x16xf32>
    %reduce_sum3A_17 = vector.multi_reduction <add>, %get3A_15, %reduce_sum3A_16 [0] : vector<2x128x16xf32> to vector<128x16xf32>
    %broadcast_in_dim3A_18 = arith.constant 1.000000e+00 : f32
    %broadcast_in_dim3A_19 = vector.broadcast %broadcast_in_dim3A_18 : f32 to vector<1x16xf32>
    %dot_general3A = arith.constant dense<0.000000e+00> : vector<1x128xf32>
    %dot_general3A_20 = tpu.matmul %broadcast_in_dim3A_19, %reduce_sum3A_17, %dot_general3A {dimension_numbers = #tpu.dot_dimension_numbers<[1], [1], [0], [0], [0, 0, 1, 0], [], []>, transpose_lhs_hint = false} : vector<1x16xf32>, vector<128x16xf32>, vector<1x128xf32> -> vector<1x128xf32>
    %get3A_21 = arith.constant 0 : index
    %get3A_22 = arith.constant 0 : index
    %get3A_23 = vector.load %arg2[%get3A_21, %get3A_22] : memref<128x128xf32, #tpu.memory_space<vmem>>, vector<128x128xf32>
    %dot_general3A_24 = arith.constant dense<0.000000e+00> : vector<256x128xf32>
    %dot_general3A_25 = tpu.matmul %div3A_5, %get3A_23, %dot_general3A_24 {dimension_numbers = #tpu.dot_dimension_numbers<[1], [0], [0], [1], [0, 0, 1, 1], [], []>, transpose_lhs_hint = false} : vector<256x128xf32>, vector<128x128xf32>, vector<256x128xf32> -> vector<256x128xf32>
    %dot_general3A_26 = arith.constant dense<0.000000e+00> : vector<256x256xf32>
    %dot_general3A_27 = tpu.matmul %dot_general3A_25, %div3A_5, %dot_general3A_26 {dimension_numbers = #tpu.dot_dimension_numbers<[1], [1], [0], [0], [0, 0, 1, 0], [], []>, transpose_lhs_hint = false} : vector<256x128xf32>, vector<256x128xf32>, vector<256x256xf32> -> vector<256x256xf32>
    %mul3A_28 = arith.mulf %dot_general3A_25, %div3A_5 : vector<256x128xf32>
    %reduce_sum3A_29 = arith.constant dense<0.000000e+00> : vector<256xf32>
    %reduce_sum3A_30 = vector.multi_reduction <add>, %mul3A_28, %reduce_sum3A_29 [1] : vector<256x128xf32> to vector<256xf32>
    %broadcast_in_dim3A_31 = vector.shape_cast %reduce_sum3A_30 : vector<256xf32> to vector<256x1xf32>
    %sqrt3A_32 = math.sqrt %broadcast_in_dim3A_31 : vector<256x1xf32>
    %mul3A_33 = arith.constant 5.000000e-02 : f32
    %mul3A_34 = vector.broadcast %mul3A_33 : f32 to vector<256x1xf32>
    %mul3A_35 = arith.mulf %mul3A_34, %sqrt3A_32 : vector<256x1xf32>
    %div3A_36 = vector.broadcast %mul3A_35 : vector<256x1xf32> to vector<256x256xf32>
    %div3A_37 = arith.divf %dot_general3A_27, %div3A_36 : vector<256x256xf32>
    %get3A_38 = arith.constant 0 : index
    %get3A_39 = arith.constant 0 : index
    %get3A_40 = vector.load %arg1[%get3A_38, %get3A_39] : memref<256x1xi32, #tpu.memory_space<vmem>>, vector<256x1xi32>
    %iota3A = tpu.iota {dimensions = array<i32: 1>} : vector<256x128xi32>
    %eq3A = vector.broadcast %get3A_40 : vector<256x1xi32> to vector<256x128xi32>
    %eq3A_41 = arith.cmpi eq, %eq3A, %iota3A : vector<256x128xi32>
    %convert_element_type3A = arith.extui %eq3A_41 : vector<256x128xi1> to vector<256x128xi32>
    %convert_element_type3A_42 = arith.sitofp %convert_element_type3A : vector<256x128xi32> to vector<256x128xf32>
    %iota3A_43 = tpu.iota {dimensions = array<i32: 0>} : vector<256x256xi32>
    %iota3A_44 = tpu.iota {dimensions = array<i32: 1>} : vector<256x256xi32>
    %eq3A_45 = arith.cmpi eq, %iota3A_43, %iota3A_44 : vector<256x256xi32>
    %convert_element_type3A_46 = arith.extui %eq3A_45 : vector<256x256xi1> to vector<256x256xi32>
    %convert_element_type3A_47 = arith.sitofp %convert_element_type3A_46 : vector<256x256xi32> to vector<256x256xf32>
    %mul3A_48 = arith.constant 0.899999976 : f32
    %mul3A_49 = vector.broadcast %mul3A_48 : f32 to vector<256x256xf32>
    %mul3A_50 = arith.mulf %mul3A_49, %convert_element_type3A_47 : vector<256x256xf32>
    %mul3A_51 = arith.constant 1.000000e-01 : f32
    %mul3A_52 = vector.broadcast %mul3A_51 : f32 to vector<256x256xf32>
    %mul3A_53 = arith.mulf %mul3A_52, %div3A_37 : vector<256x256xf32>
    %add3A_54 = arith.addf %mul3A_50, %mul3A_53 : vector<256x256xf32>
    %convert_element_type3A_55 = arith.truncf %add3A_54 : vector<256x256xf32> to vector<256x256xbf16>
    %dot_general3A_56 = arith.constant dense<0.000000e+00> : vector<256x256xf32>
    %dot_general3A_57 = tpu.matmul %convert_element_type3A_55, %convert_element_type3A_55, %dot_general3A_56 {dimension_numbers = #tpu.dot_dimension_numbers<[1], [0], [0], [1], [0, 0, 1, 1], [], []>, transpose_lhs_hint = false} : vector<256x256xbf16>, vector<256x256xbf16>, vector<256x256xf32> -> vector<256x256xf32>
    %convert_element_type3A_58 = arith.truncf %dot_general3A_57 : vector<256x256xf32> to vector<256x256xbf16>
    %dot_general3A_59 = arith.constant dense<0.000000e+00> : vector<256x256xf32>
    %dot_general3A_60 = tpu.matmul %convert_element_type3A_58, %convert_element_type3A_58, %dot_general3A_59 {dimension_numbers = #tpu.dot_dimension_numbers<[1], [0], [0], [1], [0, 0, 1, 1], [], []>, transpose_lhs_hint = false} : vector<256x256xbf16>, vector<256x256xbf16>, vector<256x256xf32> -> vector<256x256xf32>
    %convert_element_type3A_61 = arith.truncf %dot_general3A_60 : vector<256x256xf32> to vector<256x256xbf16>
    %dot_general3A_62 = arith.constant dense<0.000000e+00> : vector<256x256xf32>
    %dot_general3A_63 = tpu.matmul %convert_element_type3A_61, %convert_element_type3A_61, %dot_general3A_62 {dimension_numbers = #tpu.dot_dimension_numbers<[1], [0], [0], [1], [0, 0, 1, 1], [], []>, transpose_lhs_hint = false} : vector<256x256xbf16>, vector<256x256xbf16>, vector<256x256xf32> -> vector<256x256xf32>
    %convert_element_type3A_64 = arith.truncf %dot_general3A_63 : vector<256x256xf32> to vector<256x256xbf16>
    %convert_element_type3A_65 = arith.truncf %convert_element_type3A_42 : vector<256x128xf32> to vector<256x128xbf16>
    %dot_general3A_66 = arith.constant dense<0.000000e+00> : vector<256x128xf32>
    %dot_general3A_67 = tpu.matmul %convert_element_type3A_61, %convert_element_type3A_65, %dot_general3A_66 {dimension_numbers = #tpu.dot_dimension_numbers<[1], [0], [0], [1], [0, 0, 1, 1], [], []>, transpose_lhs_hint = false} : vector<256x256xbf16>, vector<256x128xbf16>, vector<256x128xf32> -> vector<256x128xf32>
    %scan3A = arith.constant 0 : i32
    %scan3A_68 = arith.constant 12 : i32
    %scan3A_69 = arith.addi %scan3A, %scan3A_68 : i32
    %scan3A_70 = arith.constant 1 : i32
    %scan3A_71 = scf.for %scan3A_272 = %scan3A to %scan3A_69 step %scan3A_70 iter_args(%scan3A_273 = %dot_general3A_67) -> (vector<256x128xf32>)  : i32 {
      %convert_element_type3A_274 = arith.truncf %scan3A_273 : vector<256x128xf32> to vector<256x128xbf16>
      %dot_general3A_275 = arith.constant dense<0.000000e+00> : vector<256x128xf32>
      %dot_general3A_276 = tpu.matmul %convert_element_type3A_64, %convert_element_type3A_274, %dot_general3A_275 {dimension_numbers = #tpu.dot_dimension_numbers<[1], [0], [0], [1], [0, 0, 1, 1], [], []>, transpose_lhs_hint = false} : vector<256x256xbf16>, vector<256x128xbf16>, vector<256x128xf32> -> vector<256x128xf32>
      scf.yield %dot_general3A_276 : vector<256x128xf32>
    }
    %convert_element_type3A_72 = arith.sitofp %iota3A : vector<256x128xi32> to vector<256x128xf32>
    %ne3A = arith.cmpf one, %scan3A_71, %scan3A_71 : vector<256x128xf32>
    %convert_element_type3A_73 = arith.extui %ne3A : vector<256x128xi1> to vector<256x128xi32>
    %convert_element_type3A_74 = arith.sitofp %convert_element_type3A_73 : vector<256x128xi32> to vector<256x128xf32>
    %reduce_max3A = arith.constant dense<0xFF800000> : vector<256xf32>
    %reduce_max3A_75 = vector.multi_reduction <maximumf>, %convert_element_type3A_74, %reduce_max3A [1] : vector<256x128xf32> to vector<256xf32>
    %broadcast_in_dim3A_76 = vector.shape_cast %reduce_max3A_75 : vector<256xf32> to vector<256x1xf32>
    %gt3A = arith.constant 0.000000e+00 : f32
    %gt3A_77 = vector.broadcast %gt3A : f32 to vector<256x1xf32>
    %gt3A_78 = arith.cmpf ogt, %broadcast_in_dim3A_76, %gt3A_77 : vector<256x1xf32>
    %jit3A = arith.constant 1.000000e+09 : f32
    %broadcast_in_dim3A_79 = vector.broadcast %jit3A : f32 to vector<256x128xf32>
    %select_n3A = arith.select %ne3A, %convert_element_type3A_72, %broadcast_in_dim3A_79 : vector<256x128xi1>, vector<256x128xf32>
    %reduce_min3A = arith.constant dense<0x7F800000> : vector<256xf32>
    %reduce_min3A_80 = vector.multi_reduction <minimumf>, %select_n3A, %reduce_min3A [1] : vector<256x128xf32> to vector<256xf32>
    %broadcast_in_dim3A_81 = vector.shape_cast %reduce_min3A_80 : vector<256xf32> to vector<256x1xf32>
    %jit3A_82 = arith.constant 0xFF800000 : f32
    %broadcast_in_dim3A_83 = vector.broadcast %jit3A_82 : f32 to vector<256x128xf32>
    %select_n3A_84 = arith.select %ne3A, %broadcast_in_dim3A_83, %scan3A_71 : vector<256x128xi1>, vector<256x128xf32>
    %reduce_max3A_85 = arith.constant dense<0xFF800000> : vector<256xf32>
    %reduce_max3A_86 = vector.multi_reduction <maximumf>, %select_n3A_84, %reduce_max3A_85 [1] : vector<256x128xf32> to vector<256xf32>
    %broadcast_in_dim3A_87 = vector.shape_cast %reduce_max3A_86 : vector<256xf32> to vector<256x1xf32>
    %eq3A_88 = vector.broadcast %broadcast_in_dim3A_87 : vector<256x1xf32> to vector<256x128xf32>
    %eq3A_89 = arith.cmpf oeq, %select_n3A_84, %eq3A_88 : vector<256x128xf32>
    %jit3A_90 = arith.constant 1.000000e+09 : f32
    %broadcast_in_dim3A_91 = vector.broadcast %jit3A_90 : f32 to vector<256x128xf32>
    %select_n3A_92 = arith.select %eq3A_89, %convert_element_type3A_72, %broadcast_in_dim3A_91 : vector<256x128xi1>, vector<256x128xf32>
    %reduce_min3A_93 = arith.constant dense<0x7F800000> : vector<256xf32>
    %reduce_min3A_94 = vector.multi_reduction <minimumf>, %select_n3A_92, %reduce_min3A_93 [1] : vector<256x128xf32> to vector<256xf32>
    %broadcast_in_dim3A_95 = vector.shape_cast %reduce_min3A_94 : vector<256xf32> to vector<256x1xf32>
    %select_n3A_96 = arith.select %gt3A_78, %broadcast_in_dim3A_81, %broadcast_in_dim3A_95 : vector<256x1xi1>, vector<256x1xf32>
    %gt3A_97 = arith.constant 0.000000e+00 : f32
    %gt3A_98 = vector.broadcast %gt3A_97 : f32 to vector<1x128xf32>
    %gt3A_99 = arith.cmpf ogt, %dot_general3A_20, %gt3A_98 : vector<1x128xf32>
    %jit3A_100 = arith.constant 1.000000e+00 : f32
    %broadcast_in_dim3A_101 = vector.broadcast %jit3A_100 : f32 to vector<1x128xf32>
    %select_n3A_102 = arith.select %gt3A_99, %dot_general3A_20, %broadcast_in_dim3A_101 : vector<1x128xi1>, vector<1x128xf32>
    %dot_general3A_103 = arith.constant dense<0.000000e+00> : vector<256x128xf32>
    %dot_general3A_104 = tpu.matmul %div3A_5, %reduce_sum3A_11, %dot_general3A_103 {dimension_numbers = #tpu.dot_dimension_numbers<[1], [1], [0], [0], [0, 0, 1, 0], [], []>, transpose_lhs_hint = false} : vector<256x128xf32>, vector<128x128xf32>, vector<256x128xf32> -> vector<256x128xf32>
    %div3A_105 = arith.constant 5.000000e-02 : f32
    %div3A_106 = vector.broadcast %div3A_105 : f32 to vector<256x128xf32>
    %div3A_107 = arith.divf %dot_general3A_104, %div3A_106 : vector<256x128xf32>
    %div3A_108 = vector.broadcast %select_n3A_102 : vector<1x128xf32> to vector<256x128xf32>
    %div3A_109 = arith.divf %div3A_107, %div3A_108 : vector<256x128xf32>
    %convert_element_type3A_110 = arith.extui %gt3A_99 : vector<1x128xi1> to vector<1x128xi32>
    %convert_element_type3A_111 = arith.sitofp %convert_element_type3A_110 : vector<1x128xi32> to vector<1x128xf32>
    %exp3A = math.exp %div3A_109 : vector<256x128xf32>
    %mul3A_112 = vector.broadcast %convert_element_type3A_111 : vector<1x128xf32> to vector<256x128xf32>
    %mul3A_113 = arith.mulf %exp3A, %mul3A_112 : vector<256x128xf32>
    %eq3A_114 = vector.broadcast %select_n3A_96 : vector<256x1xf32> to vector<256x128xf32>
    %eq3A_115 = arith.cmpf oeq, %convert_element_type3A_72, %eq3A_114 : vector<256x128xf32>
    %jit3A_116 = arith.constant 0.000000e+00 : f32
    %broadcast_in_dim3A_117 = vector.broadcast %jit3A_116 : f32 to vector<256x128xf32>
    %select_n3A_118 = arith.select %eq3A_115, %broadcast_in_dim3A_117, %mul3A_113 : vector<256x128xi1>, vector<256x128xf32>
    %reduce_sum3A_119 = arith.constant dense<0.000000e+00> : vector<256xf32>
    %reduce_sum3A_120 = vector.multi_reduction <add>, %select_n3A_118, %reduce_sum3A_119 [1] : vector<256x128xf32> to vector<256xf32>
    %broadcast_in_dim3A_121 = vector.shape_cast %reduce_sum3A_120 : vector<256xf32> to vector<256x1xf32>
    %div3A_122 = vector.broadcast %broadcast_in_dim3A_121 : vector<256x1xf32> to vector<256x128xf32>
    %div3A_123 = arith.divf %select_n3A_118, %div3A_122 : vector<256x128xf32>
    %slice3A = vector.extract_strided_slice %div3A_123 {offsets = [0, 0], sizes = [32, 128], strides = [1, 1]} : vector<256x128xf32> to vector<32x128xf32>
    %broadcast_in_dim3A_124 = vector.shape_cast %slice3A : vector<32x128xf32> to vector<32x1x128xf32>
    %broadcast_in_dim3A_125 = vector.shape_cast %slice3A : vector<32x128xf32> to vector<32x128x1xf32>
    %ge3A = vector.broadcast %broadcast_in_dim3A_124 : vector<32x1x128xf32> to vector<32x128x128xf32>
    %ge3A_126 = vector.broadcast %broadcast_in_dim3A_125 : vector<32x128x1xf32> to vector<32x128x128xf32>
    %ge3A_127 = arith.cmpf oge, %ge3A, %ge3A_126 : vector<32x128x128xf32>
    %convert_element_type3A_128 = arith.extui %ge3A_127 : vector<32x128x128xi1> to vector<32x128x128xi32>
    %convert_element_type3A_129 = arith.sitofp %convert_element_type3A_128 : vector<32x128x128xi32> to vector<32x128x128xf32>
    %broadcast_in_dim3A_130 = vector.shape_cast %slice3A : vector<32x128xf32> to vector<32x1x128xf32>
    %mul3A_131 = vector.broadcast %broadcast_in_dim3A_130 : vector<32x1x128xf32> to vector<32x128x128xf32>
    %mul3A_132 = arith.mulf %mul3A_131, %convert_element_type3A_129 : vector<32x128x128xf32>
    %reduce_sum3A_133 = arith.constant dense<0.000000e+00> : vector<32x128xf32>
    %reduce_sum3A_134 = vector.multi_reduction <add>, %mul3A_132, %reduce_sum3A_133 [2] : vector<32x128x128xf32> to vector<32x128xf32>
    %slice3A_135 = vector.extract_strided_slice %div3A_123 {offsets = [32, 0], sizes = [32, 128], strides = [1, 1]} : vector<256x128xf32> to vector<32x128xf32>
    %broadcast_in_dim3A_136 = vector.shape_cast %slice3A_135 : vector<32x128xf32> to vector<32x1x128xf32>
    %broadcast_in_dim3A_137 = vector.shape_cast %slice3A_135 : vector<32x128xf32> to vector<32x128x1xf32>
    %ge3A_138 = vector.broadcast %broadcast_in_dim3A_136 : vector<32x1x128xf32> to vector<32x128x128xf32>
    %ge3A_139 = vector.broadcast %broadcast_in_dim3A_137 : vector<32x128x1xf32> to vector<32x128x128xf32>
    %ge3A_140 = arith.cmpf oge, %ge3A_138, %ge3A_139 : vector<32x128x128xf32>
    %convert_element_type3A_141 = arith.extui %ge3A_140 : vector<32x128x128xi1> to vector<32x128x128xi32>
    %convert_element_type3A_142 = arith.sitofp %convert_element_type3A_141 : vector<32x128x128xi32> to vector<32x128x128xf32>
    %broadcast_in_dim3A_143 = vector.shape_cast %slice3A_135 : vector<32x128xf32> to vector<32x1x128xf32>
    %mul3A_144 = vector.broadcast %broadcast_in_dim3A_143 : vector<32x1x128xf32> to vector<32x128x128xf32>
    %mul3A_145 = arith.mulf %mul3A_144, %convert_element_type3A_142 : vector<32x128x128xf32>
    %reduce_sum3A_146 = arith.constant dense<0.000000e+00> : vector<32x128xf32>
    %reduce_sum3A_147 = vector.multi_reduction <add>, %mul3A_145, %reduce_sum3A_146 [2] : vector<32x128x128xf32> to vector<32x128xf32>
    %slice3A_148 = vector.extract_strided_slice %div3A_123 {offsets = [64, 0], sizes = [32, 128], strides = [1, 1]} : vector<256x128xf32> to vector<32x128xf32>
    %broadcast_in_dim3A_149 = vector.shape_cast %slice3A_148 : vector<32x128xf32> to vector<32x1x128xf32>
    %broadcast_in_dim3A_150 = vector.shape_cast %slice3A_148 : vector<32x128xf32> to vector<32x128x1xf32>
    %ge3A_151 = vector.broadcast %broadcast_in_dim3A_149 : vector<32x1x128xf32> to vector<32x128x128xf32>
    %ge3A_152 = vector.broadcast %broadcast_in_dim3A_150 : vector<32x128x1xf32> to vector<32x128x128xf32>
    %ge3A_153 = arith.cmpf oge, %ge3A_151, %ge3A_152 : vector<32x128x128xf32>
    %convert_element_type3A_154 = arith.extui %ge3A_153 : vector<32x128x128xi1> to vector<32x128x128xi32>
    %convert_element_type3A_155 = arith.sitofp %convert_element_type3A_154 : vector<32x128x128xi32> to vector<32x128x128xf32>
    %broadcast_in_dim3A_156 = vector.shape_cast %slice3A_148 : vector<32x128xf32> to vector<32x1x128xf32>
    %mul3A_157 = vector.broadcast %broadcast_in_dim3A_156 : vector<32x1x128xf32> to vector<32x128x128xf32>
    %mul3A_158 = arith.mulf %mul3A_157, %convert_element_type3A_155 : vector<32x128x128xf32>
    %reduce_sum3A_159 = arith.constant dense<0.000000e+00> : vector<32x128xf32>
    %reduce_sum3A_160 = vector.multi_reduction <add>, %mul3A_158, %reduce_sum3A_159 [2] : vector<32x128x128xf32> to vector<32x128xf32>
    %slice3A_161 = vector.extract_strided_slice %div3A_123 {offsets = [96, 0], sizes = [32, 128], strides = [1, 1]} : vector<256x128xf32> to vector<32x128xf32>
    %broadcast_in_dim3A_162 = vector.shape_cast %slice3A_161 : vector<32x128xf32> to vector<32x1x128xf32>
    %broadcast_in_dim3A_163 = vector.shape_cast %slice3A_161 : vector<32x128xf32> to vector<32x128x1xf32>
    %ge3A_164 = vector.broadcast %broadcast_in_dim3A_162 : vector<32x1x128xf32> to vector<32x128x128xf32>
    %ge3A_165 = vector.broadcast %broadcast_in_dim3A_163 : vector<32x128x1xf32> to vector<32x128x128xf32>
    %ge3A_166 = arith.cmpf oge, %ge3A_164, %ge3A_165 : vector<32x128x128xf32>
    %convert_element_type3A_167 = arith.extui %ge3A_166 : vector<32x128x128xi1> to vector<32x128x128xi32>
    %convert_element_type3A_168 = arith.sitofp %convert_element_type3A_167 : vector<32x128x128xi32> to vector<32x128x128xf32>
    %broadcast_in_dim3A_169 = vector.shape_cast %slice3A_161 : vector<32x128xf32> to vector<32x1x128xf32>
    %mul3A_170 = vector.broadcast %broadcast_in_dim3A_169 : vector<32x1x128xf32> to vector<32x128x128xf32>
    %mul3A_171 = arith.mulf %mul3A_170, %convert_element_type3A_168 : vector<32x128x128xf32>
    %reduce_sum3A_172 = arith.constant dense<0.000000e+00> : vector<32x128xf32>
    %reduce_sum3A_173 = vector.multi_reduction <add>, %mul3A_171, %reduce_sum3A_172 [2] : vector<32x128x128xf32> to vector<32x128xf32>
    %slice3A_174 = vector.extract_strided_slice %div3A_123 {offsets = [128, 0], sizes = [32, 128], strides = [1, 1]} : vector<256x128xf32> to vector<32x128xf32>
    %broadcast_in_dim3A_175 = vector.shape_cast %slice3A_174 : vector<32x128xf32> to vector<32x1x128xf32>
    %broadcast_in_dim3A_176 = vector.shape_cast %slice3A_174 : vector<32x128xf32> to vector<32x128x1xf32>
    %ge3A_177 = vector.broadcast %broadcast_in_dim3A_175 : vector<32x1x128xf32> to vector<32x128x128xf32>
    %ge3A_178 = vector.broadcast %broadcast_in_dim3A_176 : vector<32x128x1xf32> to vector<32x128x128xf32>
    %ge3A_179 = arith.cmpf oge, %ge3A_177, %ge3A_178 : vector<32x128x128xf32>
    %convert_element_type3A_180 = arith.extui %ge3A_179 : vector<32x128x128xi1> to vector<32x128x128xi32>
    %convert_element_type3A_181 = arith.sitofp %convert_element_type3A_180 : vector<32x128x128xi32> to vector<32x128x128xf32>
    %broadcast_in_dim3A_182 = vector.shape_cast %slice3A_174 : vector<32x128xf32> to vector<32x1x128xf32>
    %mul3A_183 = vector.broadcast %broadcast_in_dim3A_182 : vector<32x1x128xf32> to vector<32x128x128xf32>
    %mul3A_184 = arith.mulf %mul3A_183, %convert_element_type3A_181 : vector<32x128x128xf32>
    %reduce_sum3A_185 = arith.constant dense<0.000000e+00> : vector<32x128xf32>
    %reduce_sum3A_186 = vector.multi_reduction <add>, %mul3A_184, %reduce_sum3A_185 [2] : vector<32x128x128xf32> to vector<32x128xf32>
    %slice3A_187 = vector.extract_strided_slice %div3A_123 {offsets = [160, 0], sizes = [32, 128], strides = [1, 1]} : vector<256x128xf32> to vector<32x128xf32>
    %broadcast_in_dim3A_188 = vector.shape_cast %slice3A_187 : vector<32x128xf32> to vector<32x1x128xf32>
    %broadcast_in_dim3A_189 = vector.shape_cast %slice3A_187 : vector<32x128xf32> to vector<32x128x1xf32>
    %ge3A_190 = vector.broadcast %broadcast_in_dim3A_188 : vector<32x1x128xf32> to vector<32x128x128xf32>
    %ge3A_191 = vector.broadcast %broadcast_in_dim3A_189 : vector<32x128x1xf32> to vector<32x128x128xf32>
    %ge3A_192 = arith.cmpf oge, %ge3A_190, %ge3A_191 : vector<32x128x128xf32>
    %convert_element_type3A_193 = arith.extui %ge3A_192 : vector<32x128x128xi1> to vector<32x128x128xi32>
    %convert_element_type3A_194 = arith.sitofp %convert_element_type3A_193 : vector<32x128x128xi32> to vector<32x128x128xf32>
    %broadcast_in_dim3A_195 = vector.shape_cast %slice3A_187 : vector<32x128xf32> to vector<32x1x128xf32>
    %mul3A_196 = vector.broadcast %broadcast_in_dim3A_195 : vector<32x1x128xf32> to vector<32x128x128xf32>
    %mul3A_197 = arith.mulf %mul3A_196, %convert_element_type3A_194 : vector<32x128x128xf32>
    %reduce_sum3A_198 = arith.constant dense<0.000000e+00> : vector<32x128xf32>
    %reduce_sum3A_199 = vector.multi_reduction <add>, %mul3A_197, %reduce_sum3A_198 [2] : vector<32x128x128xf32> to vector<32x128xf32>
    %slice3A_200 = vector.extract_strided_slice %div3A_123 {offsets = [192, 0], sizes = [32, 128], strides = [1, 1]} : vector<256x128xf32> to vector<32x128xf32>
    %broadcast_in_dim3A_201 = vector.shape_cast %slice3A_200 : vector<32x128xf32> to vector<32x1x128xf32>
    %broadcast_in_dim3A_202 = vector.shape_cast %slice3A_200 : vector<32x128xf32> to vector<32x128x1xf32>
    %ge3A_203 = vector.broadcast %broadcast_in_dim3A_201 : vector<32x1x128xf32> to vector<32x128x128xf32>
    %ge3A_204 = vector.broadcast %broadcast_in_dim3A_202 : vector<32x128x1xf32> to vector<32x128x128xf32>
    %ge3A_205 = arith.cmpf oge, %ge3A_203, %ge3A_204 : vector<32x128x128xf32>
    %convert_element_type3A_206 = arith.extui %ge3A_205 : vector<32x128x128xi1> to vector<32x128x128xi32>
    %convert_element_type3A_207 = arith.sitofp %convert_element_type3A_206 : vector<32x128x128xi32> to vector<32x128x128xf32>
    %broadcast_in_dim3A_208 = vector.shape_cast %slice3A_200 : vector<32x128xf32> to vector<32x1x128xf32>
    %mul3A_209 = vector.broadcast %broadcast_in_dim3A_208 : vector<32x1x128xf32> to vector<32x128x128xf32>
    %mul3A_210 = arith.mulf %mul3A_209, %convert_element_type3A_207 : vector<32x128x128xf32>
    %reduce_sum3A_211 = arith.constant dense<0.000000e+00> : vector<32x128xf32>
    %reduce_sum3A_212 = vector.multi_reduction <add>, %mul3A_210, %reduce_sum3A_211 [2] : vector<32x128x128xf32> to vector<32x128xf32>
    %slice3A_213 = vector.extract_strided_slice %div3A_123 {offsets = [224, 0], sizes = [32, 128], strides = [1, 1]} : vector<256x128xf32> to vector<32x128xf32>
    %broadcast_in_dim3A_214 = vector.shape_cast %slice3A_213 : vector<32x128xf32> to vector<32x1x128xf32>
    %broadcast_in_dim3A_215 = vector.shape_cast %slice3A_213 : vector<32x128xf32> to vector<32x128x1xf32>
    %ge3A_216 = vector.broadcast %broadcast_in_dim3A_214 : vector<32x1x128xf32> to vector<32x128x128xf32>
    %ge3A_217 = vector.broadcast %broadcast_in_dim3A_215 : vector<32x128x1xf32> to vector<32x128x128xf32>
    %ge3A_218 = arith.cmpf oge, %ge3A_216, %ge3A_217 : vector<32x128x128xf32>
    %convert_element_type3A_219 = arith.extui %ge3A_218 : vector<32x128x128xi1> to vector<32x128x128xi32>
    %convert_element_type3A_220 = arith.sitofp %convert_element_type3A_219 : vector<32x128x128xi32> to vector<32x128x128xf32>
    %broadcast_in_dim3A_221 = vector.shape_cast %slice3A_213 : vector<32x128xf32> to vector<32x1x128xf32>
    %mul3A_222 = vector.broadcast %broadcast_in_dim3A_221 : vector<32x1x128xf32> to vector<32x128x128xf32>
    %mul3A_223 = arith.mulf %mul3A_222, %convert_element_type3A_220 : vector<32x128x128xf32>
    %reduce_sum3A_224 = arith.constant dense<0.000000e+00> : vector<32x128xf32>
    %reduce_sum3A_225 = vector.multi_reduction <add>, %mul3A_223, %reduce_sum3A_224 [2] : vector<32x128x128xf32> to vector<32x128xf32>
    %concatenate3A = tpu.concatenate %reduce_sum3A_134, %reduce_sum3A_147, %reduce_sum3A_160, %reduce_sum3A_173, %reduce_sum3A_186, %reduce_sum3A_199, %reduce_sum3A_212, %reduce_sum3A_225 in 0 : vector<32x128xf32>, vector<32x128xf32>, vector<32x128xf32>, vector<32x128xf32>, vector<32x128xf32>, vector<32x128xf32>, vector<32x128xf32>, vector<32x128xf32> -> vector<256x128xf32>
    %sub3A = arith.constant 1.000000e-01 : f32
    %sub3A_226 = vector.broadcast %sub3A : f32 to vector<256x128xf32>
    %sub3A_227 = arith.subf %concatenate3A, %sub3A_226 : vector<256x128xf32>
    %abs3A = math.absf %sub3A_227 : vector<256x128xf32>
    %reduce_min3A_228 = arith.constant dense<0x7F800000> : vector<256xf32>
    %reduce_min3A_229 = vector.multi_reduction <minimumf>, %abs3A, %reduce_min3A_228 [1] : vector<256x128xf32> to vector<256xf32>
    %broadcast_in_dim3A_230 = vector.shape_cast %reduce_min3A_229 : vector<256xf32> to vector<256x1xf32>
    %eq3A_231 = vector.broadcast %broadcast_in_dim3A_230 : vector<256x1xf32> to vector<256x128xf32>
    %eq3A_232 = arith.cmpf oeq, %abs3A, %eq3A_231 : vector<256x128xf32>
    %jit3A_233 = arith.constant -1.000000e+00 : f32
    %broadcast_in_dim3A_234 = vector.broadcast %jit3A_233 : f32 to vector<256x128xf32>
    %select_n3A_235 = arith.select %eq3A_232, %div3A_123, %broadcast_in_dim3A_234 : vector<256x128xi1>, vector<256x128xf32>
    %reduce_max3A_236 = arith.constant dense<0xFF800000> : vector<256xf32>
    %reduce_max3A_237 = vector.multi_reduction <maximumf>, %select_n3A_235, %reduce_max3A_236 [1] : vector<256x128xf32> to vector<256xf32>
    %broadcast_in_dim3A_238 = vector.shape_cast %reduce_max3A_237 : vector<256xf32> to vector<256x1xf32>
    %mul3A_239 = arith.mulf %broadcast_in_dim3A_238, %broadcast_in_dim3A_121 : vector<256x1xf32>
    %lt3A = vector.broadcast %mul3A_239 : vector<256x1xf32> to vector<256x128xf32>
    %lt3A_240 = arith.cmpf olt, %select_n3A_118, %lt3A : vector<256x128xf32>
    %jit3A_241 = arith.constant 0.000000e+00 : f32
    %broadcast_in_dim3A_242 = vector.broadcast %jit3A_241 : f32 to vector<256x128xf32>
    %select_n3A_243 = arith.select %lt3A_240, %broadcast_in_dim3A_242, %select_n3A_118 : vector<256x128xi1>, vector<256x128xf32>
    %select_n3A_244 = arith.select %eq3A_115, %mul3A_113, %select_n3A_243 : vector<256x128xi1>, vector<256x128xf32>
    %reduce_sum3A_245 = arith.constant dense<0.000000e+00> : vector<256xf32>
    %reduce_sum3A_246 = vector.multi_reduction <add>, %select_n3A_244, %reduce_sum3A_245 [1] : vector<256x128xf32> to vector<256xf32>
    %broadcast_in_dim3A_247 = vector.shape_cast %reduce_sum3A_246 : vector<256xf32> to vector<256x1xf32>
    %add3A_248 = arith.constant 9.99999997E-7 : f32
    %add3A_249 = vector.broadcast %add3A_248 : f32 to vector<256x1xf32>
    %add3A_250 = arith.addf %broadcast_in_dim3A_247, %add3A_249 : vector<256x1xf32>
    %div3A_251 = vector.broadcast %add3A_250 : vector<256x1xf32> to vector<256x128xf32>
    %div3A_252 = arith.divf %select_n3A_244, %div3A_251 : vector<256x128xf32>
    %add3A_253 = arith.constant 9.99999997E-7 : f32
    %add3A_254 = vector.broadcast %add3A_253 : f32 to vector<256x128xf32>
    %add3A_255 = arith.addf %div3A_252, %add3A_254 : vector<256x128xf32>
    %log3A = math.log %add3A_255 : vector<256x128xf32>
    %jit3A_256 = arith.constant 0.000000e+00 : f32
    %broadcast_in_dim3A_257 = vector.broadcast %jit3A_256 : f32 to vector<256x128xf32>
    %select_n3A_258 = arith.select %eq3A_41, %log3A, %broadcast_in_dim3A_257 : vector<256x128xi1>, vector<256x128xf32>
    %reduce_sum3A_259 = arith.constant dense<0.000000e+00> : vector<256xf32>
    %reduce_sum3A_260 = vector.multi_reduction <add>, %select_n3A_258, %reduce_sum3A_259 [1] : vector<256x128xf32> to vector<256xf32>
    %broadcast_in_dim3A_261 = vector.shape_cast %reduce_sum3A_260 : vector<256xf32> to vector<256x1xf32>
    %reduce_sum3A_262 = arith.constant dense<0.000000e+00> : vector<1xf32>
    %reduce_sum3A_263 = vector.multi_reduction <add>, %broadcast_in_dim3A_261, %reduce_sum3A_262 [0] : vector<256x1xf32> to vector<1xf32>
    %broadcast_in_dim3A_264 = vector.shape_cast %reduce_sum3A_263 : vector<1xf32> to vector<1x1xf32>
    %neg3A = arith.constant 0.000000e+00 : f32
    %neg3A_265 = vector.broadcast %neg3A : f32 to vector<1x1xf32>
    %neg3A_266 = arith.subf %neg3A_265, %broadcast_in_dim3A_264 : vector<1x1xf32>
    %div3A_267 = arith.constant 2.560000e+02 : f32
    %div3A_268 = vector.broadcast %div3A_267 : f32 to vector<1x1xf32>
    %div3A_269 = arith.divf %neg3A_266, %div3A_268 : vector<1x1xf32>
    %swap3A = arith.constant 0 : index
    %swap3A_270 = arith.constant 0 : index
    %swap3A_271 = vector.load %arg5[%swap3A, %swap3A_270] : memref<1x1xf32, #tpu.memory_space<vmem>>, vector<1x1xf32>
    tpu.vector_store %arg5[%swap3A, %swap3A_270], %div3A_269 {strides = array<i32>} : memref<1x1xf32, #tpu.memory_space<vmem>>, vector<1x1xf32>,
    return
  }
}

</mosaic_0001>

<sc_bundles>
// kernel: kernel.5.cloned.1.call-start
scs
__scs_entry_jumppad:
0x0: {  	(pc) =	sbr.rel $0x88, $3  }
0x1: {  	(tag) =	ssettag $0x0;
	lr =	simm.s32 $0x1  }
0x2: {  	[smem:$0x3F9D] =	sst lr;
	_ =	strace $0xD0000000  }
0x3: {  	_ = 	snop  }
0x4: {  	_ = 	snop  }
0x5: {  	_ = 	snop  }
0x6: {  	_ = 	snop  }
0x7: {  	_ = 	snop  }
__scs_overlays_trampoline_lowered:
0x8: {  	[smem:$0x3FAC] =	sst s0  }
0x9: {  	[smem:$0x3FAD] =	sst s1  }
0xa: {  	[smem:$0x3FAE] =	sst s2  }
0xb: {  	[smem:$0x3FAF] =	sst s3  }
0xc: {  	[smem:$0x3FB0] =	sst s4  }
0xd: {  	[smem:$0x3FB1] =	sst s5  }
0xe: {  	[smem:$0x3FB2] =	sst s6  }
0xf: {  	[smem:$0x3FB3] =	sst s7  }
0x10: {  	[smem:$0x3FB4] =	sst s8  }
0x11: {  	[smem:$0x3FB5] =	sst s9;
	s0 =	simm.s32 @!p0 $0x0  }
0x12: {  	s1 =	sld [smem:$0x3F9B];
	s0 =	simm.s32 @p0 $0x1  }
0x13: {  	[smem:$0x3FB6] =	sst s0;
	s0 =	simm.s32 @!p1 $0x0  }
0x14: {  	s2 =	sld [smem:$0x3F9A];
	s0 =	simm.s32 @p1 $0x1  }
0x15: {  	[smem:$0x3FB7] =	sst s0;
	s0 =	simm.s32 @!p2 $0x0  }
0x16: {  	s3 =	sld [smem:$0x3FDB];
	s0 =	simm.s32 @p2 $0x1  }
0x17: {  	s4 =	simm.s32 $0x1BF5;
	[smem:$0x3FB9] =	sst s0  }
0x18: {  	s0 =	sld [smem:$0x3F9C];
	_ =	swait.ge [sflag:s4], $0x0  }
0x19: {  	s7 =	sld [smem:$0x3F9D]  }
0x1a: {  	s8 =	sadd.s32 $0xFFFFE003, lr  }
0x1b: {  	s9 =	sadd.s32 $0xFFFFFEF7, lr;
	s5 =	simm.s32 $0xFFFFFFFF;
	p2 =	slt.u32 s8, $0xFFFFF086  }
0x1c: {  	p1 =	slt.u32 s9, $0xF7A;
	s5 =	simm.s32 @!p2 $0x0  }
0x1d: {  	s5 =	simm.s32 @p1 $0x1;
	p0 =	seq.s32 s7, s2  }
0x1e: {  	s7 =	smul.u32 @!p0 $0xF7A, s2;
	p2 =	seq.s32 @!p0 s5, $0x0  }
0x1f: {  	s9 =	smul.u32 $0xF7A, s1;
	s8 =	simm.s32 @!p0 $0x1BF5;
	p2 =	por !p2, p0  }
0x20: {  	[sflag:s8] =	ssyncset.s32 @!p0 $0xFFFFF086;
	s6 =	sadd.s32 @!p0 s3, s7;
	s7 =	simm.s32 @!p0 $0x108  }
0x21: {  	s3 =	sadd.s32 s3, s9;
	s6 =	sadd.s32 @!p0 $0x88, s6;
	s7 =	simm.s32 @p2 $0x1082  }
0x22: {  	[simem:s7], [sflag:s8] =	dma.local @!p0 [hbm:s6], $0xF7A  }
0x23: {  	s9 =	sor.u32 $0xD0000000, s2;
	s6 =	simm.s32 $0x108;
	_ =	swait.ge @!p0 [sflag:s8], $0x0  }
0x24: {  	s3 =	sadd.s32 $0x88, s3;
	s6 =	simm.s32 @!p1 $0x1082;
	[sflag:s4] =	ssyncset.s32 $0xFFFFF086  }
0x25: {  	[simem:s6], [sflag:s4] =	dma.local [hbm:s3], $0xF7A  }
0x26: {  	[smem:$0x3F9D] =	sst s1;
	(tag) =	ssettag s2;
	_ =	strace s9  }
0x27: {  	s1 =	sld [smem:$0x3FAD]  }
0x28: {  	s2 =	sld [smem:$0x3FAE]  }
0x29: {  	s4 =	sld [smem:$0x3FB0]  }
0x2a: {  	p0 =	seq.s32 s5, $0x0;
	s5 =	sld [smem:$0x3FB1]  }
0x2b: {  	s6 =	sld [smem:$0x3FB2]  }
0x2c: {  	s7 =	sld [smem:$0x3FB3]  }
0x2d: {  	s3 =	simm.s32 $0x108;
	s8 =	sld [smem:$0x3FB4]  }
0x2e: {  	s3 =	simm.s32 @!p0 $0x1082;
	s9 =	sld [smem:$0x3FB5]  }
0x2f: {  	lr =	sadd.s32 s0, s3;
	s0 =	sld [smem:$0x3FAC]  }
0x30: {  	s3 =	sld [smem:$0x3FAF]  }
0x31: {  	[smem:$0x3FB8] =	sst s10  }
0x32: {  	s10 =	sld [smem:$0x3FB6];
	_ =	sdelay $0x3  }
0x33: {  	p0 =	seq.s32 s10, $0x1;
	s10 =	sld [smem:$0x3FB8];
	_ =	sdelay $0x3  }
0x34: {  	[smem:$0x3FB8] =	sst s10  }
0x35: {  	s10 =	sld [smem:$0x3FB7];
	_ =	sdelay $0x3  }
0x36: {  	p1 =	seq.s32 s10, $0x1;
	s10 =	sld [smem:$0x3FB8];
	_ =	sdelay $0x3  }
0x37: {  	[smem:$0x3FB8] =	sst s10  }
0x38: {  	s10 =	sld [smem:$0x3FB9]  }
0x39: {  	_ = 	snop;
	(pc) =	sbr.ind lr, $3  }
0x3a: {  	_ = 	snop  }
0x3b: {  	_ = 	snop  }
0x3c: {  	p2 =	seq.s32 s10, $0x1;
	s10 =	sld [smem:$0x3FB8]  }
0x3d: {  	_ =	shalt  }
0x3e: {  	_ =	shalt  }
0x3f: {  	_ =	shalt  }
0x40: {  	_ =	shalt  }
0x41: {  	_ =	shalt  }
0x42: {  	_ =	shalt  }
0x43: {  	_ =	shalt  }
0x44: {  	_ =	shalt  }
0x45: {  	_ =	shalt  }
0x46: {  	_ =	shalt  }
0x47: {  	_ =	shalt  }
0x48: {  	_ =	shalt  }
0x49: {  	_ =	shalt  }
0x4a: {  	_ =	shalt  }
0x4b: {  	_ =	shalt  }
0x4c: {  	_ =	shalt  }
0x4d: {  	_ =	shalt  }
0x4e: {  	_ =	shalt  }
0x4f: {  	_ =	shalt  }
0x50: {  	_ =	shalt  }
0x51: {  	_ =	shalt  }
0x52: {  	_ =	shalt  }
0x53: {  	_ =	shalt  }
0x54: {  	_ =	shalt  }
0x55: {  	_ =	shalt  }
0x56: {  	_ =	shalt  }
0x57: {  	_ =	shalt  }
0x58: {  	_ =	shalt  }
0x59: {  	_ =	shalt  }
0x5a: {  	_ =	shalt  }
0x5b: {  	_ =	shalt  }
0x5c: {  	_ =	shalt  }
0x5d: {  	_ =	shalt  }
0x5e: {  	_ =	shalt  }
0x5f: {  	_ =	shalt  }
0x60: {  	_ =	shalt  }
0x61: {  	_ =	shalt  }
0x62: {  	_ =	shalt  }
0x63: {  	_ =	shalt  }
0x64: {  	_ =	shalt  }
0x65: {  	_ =	shalt  }
0x66: {  	_ =	shalt  }
0x67: {  	_ =	shalt  }
0x68: {  	_ =	shalt  }
0x69: {  	_ =	shalt  }
0x6a: {  	_ =	shalt  }
0x6b: {  	_ =	shalt  }
0x6c: {  	_ =	shalt  }
0x6d: {  	_ =	shalt  }
0x6e: {  	_ =	shalt  }
0x6f: {  	_ =	shalt  }
0x70: {  	_ =	shalt  }
0x71: {  	_ =	shalt  }
0x72: {  	_ =	shalt  }
0x73: {  	_ =	shalt  }
0x74: {  	_ =	shalt  }
0x75: {  	_ =	shalt  }
0x76: {  	_ =	shalt  }
0x77: {  	_ =	shalt  }
0x78: {  	_ =	shalt  }
0x79: {  	_ =	shalt  }
0x7a: {  	_ =	shalt  }
0x7b: {  	_ =	shalt  }
0x7c: {  	_ =	shalt  }
0x7d: {  	_ =	shalt  }
0x7e: {  	_ =	shalt  }
0x7f: {  	_ =	shalt  }
0x80: {  	_ =	shalt  }
0x81: {  	_ =	shalt  }
0x82: {  	_ =	shalt  }
0x83: {  	_ =	shalt  }
0x84: {  	_ =	shalt  }
0x85: {  	_ =	shalt  }
0x86: {  	_ =	shalt  }
0x87: {  	_ =	shalt  }
.Lfunc_end0:
.L_simem_size_0:
called_computation_lowered:
.L_overlay_start_0:
0x88: {  	s2 =	sld [smem:$0x3FD9]  }
0x89: {  	s3 =	sld [smem:$0x3FFE];
	_ =	sdelay $0x1  }
0x8a: {  	s1 =	srdreg.scid  }
0x8b: {  	s0 =	sand.u32 $0x1, s1  }
0x8c: {  	s17 =	sshll.u32 s0, $0xA;
	s2 =	sadd.s32 s3, s2  }
0x8d: {  	s2 =	sadd.s32 s2, s17  }
0x8e: {  	[smem:$0x3FC4] =	sst s2  }
0x8f: {  	_ = 	snop  }
0x90: {  	s2 =	sld [smem:$0x3FC8]  }
0x91: {  	s18 =	sld [smem:$0x3FC7]  }
0x92: {  	s4 =	sld [smem:$0x3FC6];
	(tm) =	ssettm $0x1  }
0x93: {  	s5 =	sld [smem:$0x3FFB];
	_ =	sdelay $0x3  }
0x94: {  	_ =	strace s5  }
0x95: {  	s5 =	sld [smem:$0x3FFC];
	_ =	sdelay $0x3  }
0x96: {  	_ =	strace s5  }
0x97: {  	s5 =	sld [smem:$0x3FFD];
	_ =	sdelay $0x3  }
0x98: {  	_ =	strace s5  }
0x99: {  	_ =	strace $0x8FFFFFFF  }
0x9a: {  	s19 =	sld [smem:$0x3FDB];
	_ =	sdelay $0x1  }
0x9b: {  	s6 =	simm.s32 $_scs_section_size  }
0x9c: {  	s7 =	simm.s32 $_size__tile_overlayer_lowered;
	s8 =	simm.s32 $_tile_overlayer_lowered  }
0x9d: {  	s22 =	simm.s32 $0x1BFF;
	s21 =	sshll.u32 s8, $0x1;
	s5 =	sadd.s32 s6, s19  }
0x9e: {  	s9 =	simm.s32 $0x0;
	s20 =	sshll.u32 s7, $0x1;
	s7 =	sadd.s32 s21, s5  }
0x9f: {  	[timem:s9], [sflag:s22] =	dma.local [hbm:s7], s20  }
0xa0: {  	_ =	swait.ge [sflag:s22], s20  }
0xa1: {  	s6 =	ssub.s32 $0x0, s20;
	[sflag:s22] =	ssyncset.done $0x0  }
0xa2: {  	[sflag:s22] =	ssyncadd.s32 s6;
	_ =	sdelay $0x1  }
0xa3: {  	s23 =	simm.s32 $0x1B8B  }
0xa4: {  	_ =	swait.ge [sflag:s23], $0x1  }
0xa5: {  	[sflag:s23] =	ssyncset.done $0x0  }
0xa6: {  	s25 =	simm.s32 $0x1B8E;
	s24 =	sld [smem:$0x3FFE];
	[sflag:s23] =	ssyncadd.s32 $0xFFFFFFFF  }
0xa7: {  	s26 =	simm.s32 $execute0_lowered;
	[smem:$0x3FD2] =	sst s25  }
0xa8: {  	s7 =	sshll.u32 s26, $0x1;
	_ =	strace $0x80000046;
	[dreg:$0x1] =	wrdreg $0xFFFFFFFF  }
0xa9: {  	s28 =	simm.s32 $_size_execute0_lowered;
	s5 =	sadd.s32 s5, s7;
	[dreg:$0x0] =	wrdreg $0x0  }
0xaa: {  	s7 =	sshll.u32 s28, $0x1;
	[dreg:$0x2] =	wrdreg s5  }
0xab: {  	[dreg:$0x3] =	wrdreg s7  }
0xac: {  	[dreg:$0x4] =	wrdreg $0xC0  }
0xad: {  	_ =	task [dreg:s9], $0x5FFFF  }
0xae: {  	[dreg:$0x1] =	wrdreg $0xFFFFFFFF  }
0xaf: {  	[dreg:$0x0] =	wrdreg $0x60  }
0xb0: {  	[dreg:$0x2] =	wrdreg s18  }
0xb1: {  	[dreg:$0x3] =	wrdreg s4  }
0xb2: {  	[dreg:$0x4] =	wrdreg s2  }
0xb3: {  	[dreg:$0x5] =	wrdreg s24  }
0xb4: {  	[dreg:$0x6] =	wrdreg $0xCA000  }
0xb5: {  	[dreg:$0x7] =	wrdreg $0xCE000  }
0xb6: {  	[dreg:$0x8] =	wrdreg $0x9  }
0xb7: {  	_ =	task.clear_ibuf [dreg:s9], $0x9FFFF;
	_ =	strace $0x90000046  }
0xb8: {  	s29 =	simm.s32 $0x9;
	_ =	strace $0x80000048  }
0xb9: {  	_ =	swait.ge [sflag:s29], $0x1  }
0xba: {  	[sflag:s29] =	ssyncadd.s32 $0xFFFFFFFF  }
0xbb: {  	_ =	strace $0x90000048  }
0xbc: {  	_ =	sfence  }
0xbd: {  	s30 =	sld [smem:$0x0];
	_ =	sdelay $0x2  }
0xbe: {  	s31 =	sshll.u32 s1, $0xD;
	s1 =	sshrl.u32 s1, $0x2  }
0xbf: {  	s3 =	sand.u32 $0x4000, s31;
	s1 =	sadd.s32 s1, s30  }
0xc0: {  	s0 =	sor.u32 s3, s0;
	s1 =	sshll.u32 s1, $0x11  }
0xc1: {  	s0 =	sor.u32 s1, s0  }
0xc2: {  	s0 =	sadd.s32 $0x8F2B, s0  }
0xc3: {  	[sflag:s0] =	ssyncadd.remote.s32 $0x1  }
0xc4: {  	_ =	sfence.sel $0xFFFF  }
0xc5: {  	[dreg:$0x0] =	wrdreg $0xFFFFFFFF;
	(pc) =	sbr.abs _section_cstart, $3  }
0xc6: {  	[dreg:$0x1] =	wrdreg $0xFFFFFFFF  }
0xc7: {  	_ =	task.clear_ibuf [dreg:s9], $0x2FFFF;
	_ =	strace $0x9FFFFFFF  }
0xc8: {  	(tm) =	ssettm $0x7FFFFFFF  }
0xc9: {  	_ =	shalt  }
tec
execute0_lowered:
.L_overlay_start_1:
0x0: {  	(tag) =	ssettag $0x1  }
0x1: {  	s0 =	srdreg.scid  }
0x2: {  	s2 =	stileid.u32;
	s5 =	rddreg [dreg:$0x0]  }
0x3: {  	s28 =	simm.s32 $0x8280;
	s29 =	simm.s32 $0x8300;
	s30 =	simm.s32 $0x8380  }
0x4: {  	s31 =	simm.s32 $0x8400;
	s3 =	sand.u32 $0x1, s0;
	s1 =	sshll.u32 s2, $0x1  }
0x5: {  	s0 =	simm.s32 $0x0;
	p0 =	sne.s32 s2, $0x0;
	s6 =	ssub.s32 $0x2, s3  }
0x6: {  	s4 =	sor.u32 s3, s1;
	[smem:$0x7FF] =	sst s0;
	s17 =	sshrl.u32 s6, $0x1  }
0x7: {  	s7 =	sshll.u32 s4, $0xB;
	s9 =	sshll.u32 s4, $0xF;
	p1 =	sne.s32 s4, $0x0  }
0x8: {  	s1 =	ssub.s32 s6, s17;
	s6 =	sor.u32 $0x80, s7;
	s8 =	sor.u32 $0x100, s7  }
0x9: {  	s9 =	sadd.s32 s5, s9;
	s10 =	sshll.u32 s6, $0x4;
	s11 =	sshll.u32 s8, $0x4  }
0xa: {  	[dreg:$0x7] =	wrdreg s9;
	s9 =	sor.u32 $0x180, s7;
	s18 =	sadd.s32 s5, s10  }
0xb: {  	s19 =	sadd.s32 s5, s11;
	s10 =	sor.u32 $0x200, s7;
	[dreg:$0x8] =	wrdreg s18  }
0xc: {  	s11 =	sor.u32 $0x280, s7;
	s12 =	sshll.u32 s9, $0x4;
	[dreg:$0x9] =	wrdreg s19  }
0xd: {  	s13 =	sshll.u32 s10, $0x4;
	s14 =	sshll.u32 s11, $0x4;
	s12 =	sadd.s32 s5, s12  }
0xe: {  	s18 =	sor.u32 $0x580, s7;
	[dreg:$0xa] =	wrdreg s12;
	s20 =	sadd.s32 s5, s13  }
0xf: {  	s21 =	sadd.s32 s5, s14;
	s12 =	sor.u32 $0x300, s7;
	s13 =	sor.u32 $0x380, s7  }
0x10: {  	s14 =	sor.u32 $0x400, s7;
	[dreg:$0xb] =	wrdreg s20;
	s15 =	sshll.u32 s12, $0x4  }
0x11: {  	[dreg:$0xc] =	wrdreg s21;
	s16 =	sshll.u32 s13, $0x4;
	s15 =	sadd.s32 s5, s15  }
0x12: {  	s17 =	sshll.u32 s14, $0x4;
	s22 =	sadd.s32 s5, s16;
	[dreg:$0xd] =	wrdreg s15  }
0x13: {  	s20 =	sshll.u32 s18, $0x4;
	s23 =	sadd.s32 s5, s17;
	[dreg:$0xe] =	wrdreg s22  }
0x14: {  	s21 =	sor.u32 $0x680, s7;
	s26 =	sadd.s32 s5, s20;
	[dreg:$0xf] =	wrdreg s23  }
0x15: {  	s16 =	sor.u32 $0x500, s7;
	s15 =	sor.u32 $0x480, s7;
	[dreg:$0x12] =	wrdreg s26  }
0x16: {  	s19 =	sshll.u32 s16, $0x4;
	s26 =	rddreg [dreg:$0x1];
	s22 =	sshll.u32 s21, $0x4  }
0x17: {  	s25 =	sadd.s32 s5, s19;
	s23 =	sadd.s32 s5, s22;
	s22 =	rddreg [dreg:$0x3]  }
0x18: {  	s1 =	smax.u32 s1, $0x1;
	s24 =	sshll.u32 s15, $0x4;
	[dreg:$0x11] =	wrdreg s25  }
0x19: {  	s20 =	sor.u32 $0x600, s7;
	s17 =	sadd.s32 s5, s24;
	[dreg:$0x14] =	wrdreg s23  }
0x1a: {  	s19 =	sshll.u32 s20, $0x4;
	s23 =	sor.u32 $0x700, s7;
	[dreg:$0x10] =	wrdreg s17  }
0x1b: {  	s7 =	sor.u32 $0x780, s7;
	s17 =	sadd.s32 s5, s19;
	s19 =	rddreg [dreg:$0x5]  }
0x1c: {  	s24 =	sshll.u32 s23, $0x4;
	s25 =	sshll.u32 s7, $0x4;
	[dreg:$0x13] =	wrdreg s17  }
0x1d: {  	s23 =	sshrl.u32 s23, $0x3;
	s17 =	rddreg [dreg:$0x4];
	s24 =	sadd.s32 s5, s24  }
0x1e: {  	s5 =	sadd.s32 s5, s25;
	s25 =	sshll.u32 s4, $0x8;
	[dreg:$0x15] =	wrdreg s24  }
0x1f: {  	s4 =	simm.s32 $0x8780;
	[dreg:$0x16] =	wrdreg s5;
	s24 =	sshll.u32 s3, $0xB  }
0x20: {  	s5 =	sadd.s32 $0xE00, s22;
	s3 =	sadd.s32 s26, s25;
	s25 =	sshrl.u32 s9, $0x3  }
0x21: {  	s9 =	sshrl.u32 s12, $0x3;
	_ =	strace $0x80000047;
	[dreg:$0x17] =	wrdreg s5  }
0x22: {  	s12 =	sshrl.u32 s14, $0x3;
	s2 =	sadd.s32 s24, s22;
	[dreg:$0x18] =	wrdreg s3  }
0x23: {  	s22 =	sshrl.u32 s6, $0x3;
	s24 =	sshrl.u32 s8, $0x3;
	s5 =	sadd.s32 s26, s25  }
0x24: {  	s6 =	sshrl.u32 s10, $0x3;
	s8 =	sshrl.u32 s11, $0x3;
	s10 =	sadd.s32 s26, s9  }
0x25: {  	s11 =	sshrl.u32 s13, $0x3;
	s13 =	sshrl.u32 s15, $0x3;
	[smem:$0x7FD] =	sst s1  }
0x26: {  	s15 =	sshrl.u32 s16, $0x3;
	s16 =	sshrl.u32 s18, $0x3;
	[dreg:$0x1b] =	wrdreg s5  }
0x27: {  	s18 =	sshrl.u32 s20, $0x3;
	s3 =	sadd.s32 s26, s22;
	[dreg:$0x1e] =	wrdreg s10  }
0x28: {  	s1 =	simm.s32 $0x8600;
	s14 =	sadd.s32 s26, s13;
	[dreg:$0x19] =	wrdreg s3  }
0x29: {  	s20 =	sadd.s32 s26, s18;
	s22 =	sshrl.u32 s21, $0x3;
	[smem:$0x7F4] =	sst s14  }
0x2a: {  	s10 =	simm.s32 $0x4000;
	s3 =	sadd.s32 s26, s24;
	[smem:$0x7F7] =	sst s20  }
0x2b: {  	s24 =	sshrl.u32 s7, $0x3;
	[dreg:$0x1a] =	wrdreg s3;
	s3 =	sadd.s32 s26, s6  }
0x2c: {  	s21 =	simm.s32 $0x8800;
	s25 =	sadd.s32 s26, s24;
	[dreg:$0x1c] =	wrdreg s3  }
0x2d: {  	s18 =	simm.s32 $0x8480;
	s3 =	sadd.s32 s26, s8;
	[smem:$0x7FA] =	sst s25  }
0x2e: {  	s13 =	simm.s32 $0x8580;
	[dreg:$0x1d] =	wrdreg s3;
	s3 =	sadd.s32 s26, s11  }
0x2f: {  	s5 =	simm.s32 $0x0;
	[dreg:$0x1f] =	wrdreg s3;
	s3 =	sadd.s32 s26, s12  }
0x30: {  	s20 =	simm.s32 $0x6;
	[smem:$0x7F3] =	sst s3;
	s3 =	sadd.s32 s26, s15  }
0x31: {  	s14 =	simm.s32 $0x8500;
	[smem:$0x7F5] =	sst s3;
	s3 =	sadd.s32 s26, s16  }
0x32: {  	s24 =	simm.s32 $0x4;
	[smem:$0x7F6] =	sst s3;
	s3 =	sadd.s32 s26, s22  }
0x33: {  	s25 =	simm.s32 $0x8180;
	[smem:$0x7F8] =	sst s3;
	s3 =	sadd.s32 s26, s23  }
0x34: {  	s12 =	simm.s32 $0x1;
	s26 =	sadd.s32 $0x1000, s2;
	[smem:$0x7F9] =	sst s3  }
0x35: {  	s15 =	simm.s32 $0x3;
	s2 =	sadd.s32 $0x2000, s2;
	[smem:$0x7FB] =	sst s26  }
0x36: {  	s16 =	simm.s32 $0x80;
	s23 =	simm.s32 $0x2;
	[smem:$0x7FC] =	sst s2  }
0x37: {  	v0 =	vimm.f32 $0.0e+00;
	v1 =	vimm.f32 $6.250000000e-02;
	s26 =	simm.s32 $0x8200;
	s2 =	simm.s32 $0x8680;
	s3 =	simm.s32 $0x8700  }
.LBB2_1:
0x38: {  	s6 =	simm.s32 $0x0;
	s7 =	simm.s32 $0x200  }
.LBB2_2:
0x39: {  	p2 =	sne.s32 s7, $0xFE00;
	[tilespmem:s6+$0x70] =	vst v0  }
0x3a: {  	[tilespmem:s6+$0x8800] =	vst v0  }
0x3b: {  	[tilespmem:s6+$0x0] =	vst v0  }
0x3c: {  	[tilespmem:s6+$0x10] =	vst v0  }
.Ltmp0:
0x3d: {  	[tilespmem:s6+$0x20] =	vst v0;
	(pc) =	sbr.rel @p2 .LBB2_2-.Ltmp0, $4  }
0x3e: {  	[tilespmem:s6+$0x30] =	vst v0  }
0x3f: {  	[tilespmem:s6+$0x40] =	vst v0  }
0x40: {  	[tilespmem:s6+$0x50] =	vst v0  }
0x41: {  	[tilespmem:s6+$0x60] =	vst v0;
	s6 =	sshra.s32 s7, $0x2;
	s7 =	sadd.s32 $0x200, s7  }
0x42: {  	[tilespmem:s6+$0x70] =	vst v0  }
0x43: {  	[tilespmem:s6+$0x8800] =	vst v0  }
0x44: {  	[tilespmem:s6+$0x0] =	vst v0  }
0x45: {  	[tilespmem:s6+$0x10] =	vst v0  }
0x46: {  	[tilespmem:s6+$0x20] =	vst v0  }
0x47: {  	[tilespmem:s6+$0x30] =	vst v0  }
0x48: {  	[tilespmem:s6+$0x40] =	vst v0  }
0x49: {  	[tilespmem:s6+$0x50] =	vst v0  }
0x4a: {  	[tilespmem:s6+$0x60] =	vst v0;
	s6 =	simm.s32 @!p0 $0x0  }
0x4b: {  	[spmem:s17] =	stream.linear.scatter @!p0 [tilespmem:s6], [sflag:$0x6], $0x4000, $0x38;
	[tilespmem:$0xCE80] =	vst v63  }
0x4c: {  	s6 =	simm.s32 @!p0 $0x6  }
0x4d: {  	_ =	swait.ge @!p0 [sflag:s6], $0x4000  }
0x4e: {  	[sflag:s6] =	ssyncset.done @!p0 $0x0  }
0x4f: {  	s7 =	simm.s32 @!p0 $0x8800;
	[sflag:s6] =	ssyncadd.s32 @!p0 $0xFFFFC000  }
0x50: {  	[spmem:s19] =	stream.linear.scatter @!p0 [tilespmem:s7], [sflag:$0x6], $0x4000, $0x38;
	[tilespmem:$0xCE80] =	vst v63  }
0x51: {  	_ =	swait.ge @!p0 [sflag:s6], $0x4000  }
0x52: {  	[sflag:s6] =	ssyncset.done @!p0 $0x0  }
0x53: {  	[sflag:s6] =	ssyncadd.s32 @!p0 $0xFFFFC000  }
0x54: {  	s7 =	simm.s32 $0x0;
	s6 =	simm.s32 $0x200;
	[bflag:$0x0] =	sbarrier.arrive $0xFFFF  }
.LBB2_4:
0x55: {  	p2 =	sne.s32 s6, $0xFE00;
	[tilespmem:s7+$0x8800] =	vst v1;
	s7 =	smov.u32 s6;
	s6 =	sadd.s32 $0x200, s6  }
.Ltmp1:
0x56: {  	(pc) =	sbr.rel @p2 .LBB2_4-.Ltmp1, $2  }
0x57: {  	_ =	sdelay $0x2  }
0x58: {  	s7 =	sshra.s32 s7, $0x2  }
0x59: {  	[tilespmem:s7+$0x8800] =	vst v1;
	s6 =	rddreg [dreg:$0x7]  }
0x5a: {  	[tilespmem:s0], [sflag:$0x1] =	stream.linear.gather [hbm4b:s6+s0], $0x4000, $0x38;
	[tilespmem:$0xCE80] =	vst v63  }
0x5b: {  	s11 =	rddreg [dreg:$0x18];
	s22 =	simm.s32 $0x8000  }
0x5c: {  	[tilespmem:s22], [sflag:$0x3] =	stream.linear.gather [hbm4b:s11+s0], $0x80, $0x38;
	[tilespmem:$0xCE80] =	vst v63  }
0x5d: {  	s9 =	rddreg [dreg:$0x8]  }
0x5e: {  	[tilespmem:s10], [sflag:$0x2] =	stream.linear.gather [hbm4b:s9+s0], $0x4000, $0x38;
	[tilespmem:$0xCE80] =	vst v63  }
0x5f: {  	s8 =	simm.s32 $0x8080;
	s11 =	rddreg [dreg:$0x19]  }
0x60: {  	[tilespmem:s8], [sflag:$0x4] =	stream.linear.gather [hbm4b:s11+s0], $0x80, $0x38;
	[tilespmem:$0xCE80] =	vst v63  }
0x61: {  	_ =	swait.ge [sflag:s12], $0x4000  }
0x62: {  	[sflag:s12] =	ssyncset.done $0x0  }
0x63: {  	[sflag:s12] =	ssyncadd.s32 $0xFFFFC000  }
0x64: {  	_ =	swait.ge [sflag:s15], $0x80  }
0x65: {  	[sflag:s15] =	ssyncset.done $0x0  }
0x66: {  	[sflag:s15] =	ssyncadd.s32 $0xFFFFFF80  }
0x67: {  	[spmem:s17] =	stream.indirect.scatter.add.f32 [tilespmem:s0], [sflag:$0x6], $0x80, s22, s16, $0xb8;
	[tilespmem:$0xCE80] =	vst v63  }
0x68: {  	_ =	swait.ge [sflag:s20], $0x4000  }
0x69: {  	[sflag:s20] =	ssyncset.done $0x0  }
0x6a: {  	[sflag:s20] =	ssyncadd.s32 $0xFFFFC000  }
0x6b: {  	[spmem:s19] =	stream.indirect.scatter.add.f32 [tilespmem:s21], [sflag:$0x6], $0x10, s22, s16, $0xb8;
	[tilespmem:$0xCE80] =	vst v63  }
0x6c: {  	_ =	swait.ge [sflag:s20], $0x800  }
0x6d: {  	[sflag:s20] =	ssyncset.done $0x0  }
0x6e: {  	s22 =	rddreg [dreg:$0x9];
	[sflag:s20] =	ssyncadd.s32 $0xFFFFF800  }
0x6f: {  	[tilespmem:s0], [sflag:$0x1] =	stream.linear.gather [hbm4b:s22+s0], $0x4000, $0x38;
	[tilespmem:$0xCE80] =	vst v63  }
0x70: {  	s9 =	simm.s32 $0x8100;
	s7 =	rddreg [dreg:$0x1a]  }
0x71: {  	[tilespmem:s9], [sflag:$0x3] =	stream.linear.gather [hbm4b:s7+s0], $0x80, $0x38;
	[tilespmem:$0xCE80] =	vst v63  }
0x72: {  	_ =	swait.ge [sflag:s23], $0x4000  }
0x73: {  	[sflag:s23] =	ssyncset.done $0x0  }
0x74: {  	[sflag:s23] =	ssyncadd.s32 $0xFFFFC000  }
0x75: {  	_ =	swait.ge [sflag:s24], $0x80  }
0x76: {  	[sflag:s24] =	ssyncset.done $0x0  }
0x77: {  	[sflag:s24] =	ssyncadd.s32 $0xFFFFFF80  }
0x78: {  	[spmem:s17] =	stream.indirect.scatter.add.f32 [tilespmem:s10], [sflag:$0x6], $0x80, s8, s16, $0xb8;
	[tilespmem:$0xCE80] =	vst v63  }
0x79: {  	_ =	swait.ge [sflag:s20], $0x4000  }
0x7a: {  	[sflag:s20] =	ssyncset.done $0x0  }
0x7b: {  	[sflag:s20] =	ssyncadd.s32 $0xFFFFC000  }
0x7c: {  	[spmem:s19] =	stream.indirect.scatter.add.f32 [tilespmem:s21], [sflag:$0x6], $0x10, s8, s16, $0xb8;
	[tilespmem:$0xCE80] =	vst v63  }
0x7d: {  	_ =	swait.ge [sflag:s20], $0x800  }
0x7e: {  	[sflag:s20] =	ssyncset.done $0x0  }
0x7f: {  	s11 =	rddreg [dreg:$0xa];
	[sflag:s20] =	ssyncadd.s32 $0xFFFFF800  }
0x80: {  	[tilespmem:s10], [sflag:$0x2] =	stream.linear.gather [hbm4b:s11+s0], $0x4000, $0x38;
	[tilespmem:$0xCE80] =	vst v63  }
0x81: {  	s22 =	rddreg [dreg:$0x1b]  }
0x82: {  	[tilespmem:s25], [sflag:$0x4] =	stream.linear.gather [hbm4b:s22+s0], $0x80, $0x38;
	[tilespmem:$0xCE80] =	vst v63  }
0x83: {  	_ =	swait.ge [sflag:s12], $0x4000  }
0x84: {  	[sflag:s12] =	ssyncset.done $0x0  }
0x85: {  	[sflag:s12] =	ssyncadd.s32 $0xFFFFC000  }
0x86: {  	_ =	swait.ge [sflag:s15], $0x80  }
0x87: {  	[sflag:s15] =	ssyncset.done $0x0  }
0x88: {  	[sflag:s15] =	ssyncadd.s32 $0xFFFFFF80  }
0x89: {  	[spmem:s17] =	stream.indirect.scatter.add.f32 [tilespmem:s0], [sflag:$0x6], $0x80, s9, s16, $0xb8;
	[tilespmem:$0xCE80] =	vst v63  }
0x8a: {  	_ =	swait.ge [sflag:s20], $0x4000  }
0x8b: {  	[sflag:s20] =	ssyncset.done $0x0  }
0x8c: {  	[sflag:s20] =	ssyncadd.s32 $0xFFFFC000  }
0x8d: {  	[spmem:s19] =	stream.indirect.scatter.add.f32 [tilespmem:s21], [sflag:$0x6], $0x10, s9, s16, $0xb8;
	[tilespmem:$0xCE80] =	vst v63  }
0x8e: {  	_ =	swait.ge [sflag:s20], $0x800  }
0x8f: {  	[sflag:s20] =	ssyncset.done $0x0  }
0x90: {  	s7 =	rddreg [dreg:$0xb];
	[sflag:s20] =	ssyncadd.s32 $0xFFFFF800  }
0x91: {  	[tilespmem:s0], [sflag:$0x1] =	stream.linear.gather [hbm4b:s7+s0], $0x4000, $0x38;
	[tilespmem:$0xCE80] =	vst v63  }
0x92: {  	s8 =	rddreg [dreg:$0x1c]  }
0x93: {  	[tilespmem:s26], [sflag:$0x3] =	stream.linear.gather [hbm4b:s8+s0], $0x80, $0x38;
	[tilespmem:$0xCE80] =	vst v63  }
0x94: {  	_ =	swait.ge [sflag:s23], $0x4000  }
0x95: {  	[sflag:s23] =	ssyncset.done $0x0  }
0x96: {  	[sflag:s23] =	ssyncadd.s32 $0xFFFFC000  }
0x97: {  	_ =	swait.ge [sflag:s24], $0x80  }
0x98: {  	[sflag:s24] =	ssyncset.done $0x0  }
0x99: {  	[sflag:s24] =	ssyncadd.s32 $0xFFFFFF80  }
0x9a: {  	[spmem:s17] =	stream.indirect.scatter.add.f32 [tilespmem:s10], [sflag:$0x6], $0x80, s25, s16, $0xb8;
	[tilespmem:$0xCE80] =	vst v63  }
0x9b: {  	_ =	swait.ge [sflag:s20], $0x4000  }
0x9c: {  	[sflag:s20] =	ssyncset.done $0x0  }
0x9d: {  	[sflag:s20] =	ssyncadd.s32 $0xFFFFC000  }
0x9e: {  	[spmem:s19] =	stream.indirect.scatter.add.f32 [tilespmem:s21], [sflag:$0x6], $0x10, s25, s16, $0xb8;
	[tilespmem:$0xCE80] =	vst v63  }
0x9f: {  	_ =	swait.ge [sflag:s20], $0x800  }
0xa0: {  	[sflag:s20] =	ssyncset.done $0x0  }
0xa1: {  	s9 =	rddreg [dreg:$0xc];
	[sflag:s20] =	ssyncadd.s32 $0xFFFFF800  }
0xa2: {  	[tilespmem:s10], [sflag:$0x2] =	stream.linear.gather [hbm4b:s9+s0], $0x4000, $0x38;
	[tilespmem:$0xCE80] =	vst v63  }
0xa3: {  	s11 =	rddreg [dreg:$0x1d]  }
0xa4: {  	[tilespmem:s28], [sflag:$0x4] =	stream.linear.gather [hbm4b:s11+s0], $0x80, $0x38;
	[tilespmem:$0xCE80] =	vst v63  }
0xa5: {  	_ =	swait.ge [sflag:s12], $0x4000  }
0xa6: {  	[sflag:s12] =	ssyncset.done $0x0  }
0xa7: {  	[sflag:s12] =	ssyncadd.s32 $0xFFFFC000  }
0xa8: {  	_ =	swait.ge [sflag:s15], $0x80  }
0xa9: {  	[sflag:s15] =	ssyncset.done $0x0  }
0xaa: {  	[sflag:s15] =	ssyncadd.s32 $0xFFFFFF80  }
0xab: {  	[spmem:s17] =	stream.indirect.scatter.add.f32 [tilespmem:s0], [sflag:$0x6], $0x80, s26, s16, $0xb8;
	[tilespmem:$0xCE80] =	vst v63  }
0xac: {  	_ =	swait.ge [sflag:s20], $0x4000  }
0xad: {  	[sflag:s20] =	ssyncset.done $0x0  }
0xae: {  	[sflag:s20] =	ssyncadd.s32 $0xFFFFC000  }
0xaf: {  	[spmem:s19] =	stream.indirect.scatter.add.f32 [tilespmem:s21], [sflag:$0x6], $0x10, s26, s16, $0xb8;
	[tilespmem:$0xCE80] =	vst v63  }
0xb0: {  	_ =	swait.ge [sflag:s20], $0x800  }
0xb1: {  	[sflag:s20] =	ssyncset.done $0x0  }
0xb2: {  	s22 =	rddreg [dreg:$0xd];
	[sflag:s20] =	ssyncadd.s32 $0xFFFFF800  }
0xb3: {  	[tilespmem:s0], [sflag:$0x1] =	stream.linear.gather [hbm4b:s22+s0], $0x4000, $0x38;
	[tilespmem:$0xCE80] =	vst v63  }
0xb4: {  	s7 =	rddreg [dreg:$0x1e]  }
0xb5: {  	[tilespmem:s29], [sflag:$0x3] =	stream.linear.gather [hbm4b:s7+s0], $0x80, $0x38;
	[tilespmem:$0xCE80] =	vst v63  }
0xb6: {  	_ =	swait.ge [sflag:s23], $0x4000  }
0xb7: {  	[sflag:s23] =	ssyncset.done $0x0  }
0xb8: {  	[sflag:s23] =	ssyncadd.s32 $0xFFFFC000  }
0xb9: {  	_ =	swait.ge [sflag:s24], $0x80  }
0xba: {  	[sflag:s24] =	ssyncset.done $0x0  }
0xbb: {  	[sflag:s24] =	ssyncadd.s32 $0xFFFFFF80  }
0xbc: {  	[spmem:s17] =	stream.indirect.scatter.add.f32 [tilespmem:s10], [sflag:$0x6], $0x80, s28, s16, $0xb8;
	[tilespmem:$0xCE80] =	vst v63  }
0xbd: {  	_ =	swait.ge [sflag:s20], $0x4000  }
0xbe: {  	[sflag:s20] =	ssyncset.done $0x0  }
0xbf: {  	[sflag:s20] =	ssyncadd.s32 $0xFFFFC000  }
0xc0: {  	[spmem:s19] =	stream.indirect.scatter.add.f32 [tilespmem:s21], [sflag:$0x6], $0x10, s28, s16, $0xb8;
	[tilespmem:$0xCE80] =	vst v63  }
0xc1: {  	_ =	swait.ge [sflag:s20], $0x800  }
0xc2: {  	[sflag:s20] =	ssyncset.done $0x0  }
0xc3: {  	s8 =	rddreg [dreg:$0xe];
	[sflag:s20] =	ssyncadd.s32 $0xFFFFF800  }
0xc4: {  	[tilespmem:s10], [sflag:$0x2] =	stream.linear.gather [hbm4b:s8+s0], $0x4000, $0x38;
	[tilespmem:$0xCE80] =	vst v63  }
0xc5: {  	s9 =	rddreg [dreg:$0x1f]  }
0xc6: {  	[tilespmem:s30], [sflag:$0x4] =	stream.linear.gather [hbm4b:s9+s0], $0x80, $0x38;
	[tilespmem:$0xCE80] =	vst v63  }
0xc7: {  	_ =	swait.ge [sflag:s12], $0x4000  }
0xc8: {  	[sflag:s12] =	ssyncset.done $0x0  }
0xc9: {  	[sflag:s12] =	ssyncadd.s32 $0xFFFFC000  }
0xca: {  	_ =	swait.ge [sflag:s15], $0x80  }
0xcb: {  	[sflag:s15] =	ssyncset.done $0x0  }
0xcc: {  	[sflag:s15] =	ssyncadd.s32 $0xFFFFFF80  }
0xcd: {  	[spmem:s17] =	stream.indirect.scatter.add.f32 [tilespmem:s0], [sflag:$0x6], $0x80, s29, s16, $0xb8;
	[tilespmem:$0xCE80] =	vst v63  }
0xce: {  	_ =	swait.ge [sflag:s20], $0x4000  }
0xcf: {  	[sflag:s20] =	ssyncset.done $0x0  }
0xd0: {  	[sflag:s20] =	ssyncadd.s32 $0xFFFFC000  }
0xd1: {  	[spmem:s19] =	stream.indirect.scatter.add.f32 [tilespmem:s21], [sflag:$0x6], $0x10, s29, s16, $0xb8;
	[tilespmem:$0xCE80] =	vst v63  }
0xd2: {  	_ =	swait.ge [sflag:s20], $0x800  }
0xd3: {  	[sflag:s20] =	ssyncset.done $0x0;
	s11 =	rddreg [dreg:$0xf]  }
0xd4: {  	s22 =	sld [smem:$0x7F3];
	[sflag:s20] =	ssyncadd.s32 $0xFFFFF800  }
0xd5: {  	[tilespmem:s0], [sflag:$0x1] =	stream.linear.gather [hbm4b:s11+s0], $0x4000, $0x38;
	[tilespmem:$0xCE80] =	vst v63  }
0xd6: {  	_ = 	snop  }
0xd7: {  	[tilespmem:s31], [sflag:$0x3] =	stream.linear.gather [hbm4b:s22+s0], $0x80, $0x38;
	[tilespmem:$0xCE80] =	vst v63  }
0xd8: {  	_ =	swait.ge [sflag:s23], $0x4000  }
0xd9: {  	[sflag:s23] =	ssyncset.done $0x0  }
0xda: {  	[sflag:s23] =	ssyncadd.s32 $0xFFFFC000  }
0xdb: {  	_ =	swait.ge [sflag:s24], $0x80  }
0xdc: {  	[sflag:s24] =	ssyncset.done $0x0  }
0xdd: {  	[sflag:s24] =	ssyncadd.s32 $0xFFFFFF80  }
0xde: {  	[spmem:s17] =	stream.indirect.scatter.add.f32 [tilespmem:s10], [sflag:$0x6], $0x80, s30, s16, $0xb8;
	[tilespmem:$0xCE80] =	vst v63  }
0xdf: {  	_ =	swait.ge [sflag:s20], $0x4000  }
0xe0: {  	[sflag:s20] =	ssyncset.done $0x0  }
0xe1: {  	[sflag:s20] =	ssyncadd.s32 $0xFFFFC000  }
0xe2: {  	[spmem:s19] =	stream.indirect.scatter.add.f32 [tilespmem:s21], [sflag:$0x6], $0x10, s30, s16, $0xb8;
	[tilespmem:$0xCE80] =	vst v63  }
0xe3: {  	_ =	swait.ge [sflag:s20], $0x800  }
0xe4: {  	[sflag:s20] =	ssyncset.done $0x0;
	s7 =	rddreg [dreg:$0x10]  }
0xe5: {  	s8 =	sld [smem:$0x7F4];
	[sflag:s20] =	ssyncadd.s32 $0xFFFFF800  }
0xe6: {  	[tilespmem:s10], [sflag:$0x2] =	stream.linear.gather [hbm4b:s7+s0], $0x4000, $0x38;
	[tilespmem:$0xCE80] =	vst v63  }
0xe7: {  	_ = 	snop  }
0xe8: {  	[tilespmem:s18], [sflag:$0x4] =	stream.linear.gather [hbm4b:s8+s0], $0x80, $0x38;
	[tilespmem:$0xCE80] =	vst v63  }
0xe9: {  	_ =	swait.ge [sflag:s12], $0x4000  }
0xea: {  	[sflag:s12] =	ssyncset.done $0x0  }
0xeb: {  	[sflag:s12] =	ssyncadd.s32 $0xFFFFC000  }
0xec: {  	_ =	swait.ge [sflag:s15], $0x80  }
0xed: {  	[sflag:s15] =	ssyncset.done $0x0  }
0xee: {  	[sflag:s15] =	ssyncadd.s32 $0xFFFFFF80  }
0xef: {  	[spmem:s17] =	stream.indirect.scatter.add.f32 [tilespmem:s0], [sflag:$0x6], $0x80, s31, s16, $0xb8;
	[tilespmem:$0xCE80] =	vst v63  }
0xf0: {  	_ =	swait.ge [sflag:s20], $0x4000  }
0xf1: {  	[sflag:s20] =	ssyncset.done $0x0  }
0xf2: {  	[sflag:s20] =	ssyncadd.s32 $0xFFFFC000  }
0xf3: {  	[spmem:s19] =	stream.indirect.scatter.add.f32 [tilespmem:s21], [sflag:$0x6], $0x10, s31, s16, $0xb8;
	[tilespmem:$0xCE80] =	vst v63  }
0xf4: {  	_ =	swait.ge [sflag:s20], $0x800  }
0xf5: {  	[sflag:s20] =	ssyncset.done $0x0;
	s9 =	rddreg [dreg:$0x11]  }
0xf6: {  	s11 =	sld [smem:$0x7F5];
	[sflag:s20] =	ssyncadd.s32 $0xFFFFF800  }
0xf7: {  	[tilespmem:s0], [sflag:$0x1] =	stream.linear.gather [hbm4b:s9+s0], $0x4000, $0x38;
	[tilespmem:$0xCE80] =	vst v63  }
0xf8: {  	_ = 	snop  }
0xf9: {  	[tilespmem:s14], [sflag:$0x3] =	stream.linear.gather [hbm4b:s11+s0], $0x80, $0x38;
	[tilespmem:$0xCE80] =	vst v63  }
0xfa: {  	_ =	swait.ge [sflag:s23], $0x4000  }
0xfb: {  	[sflag:s23] =	ssyncset.done $0x0  }
0xfc: {  	[sflag:s23] =	ssyncadd.s32 $0xFFFFC000  }
0xfd: {  	_ =	swait.ge [sflag:s24], $0x80  }
0xfe: {  	[sflag:s24] =	ssyncset.done $0x0  }
0xff: {  	[sflag:s24] =	ssyncadd.s32 $0xFFFFFF80  }
0x100: {  	[spmem:s17] =	stream.indirect.scatter.add.f32 [tilespmem:s10], [sflag:$0x6], $0x80, s18, s16, $0xb8;
	[tilespmem:$0xCE80] =	vst v63  }
0x101: {  	_ =	swait.ge [sflag:s20], $0x4000  }
0x102: {  	[sflag:s20] =	ssyncset.done $0x0  }
0x103: {  	[sflag:s20] =	ssyncadd.s32 $0xFFFFC000  }
0x104: {  	[spmem:s19] =	stream.indirect.scatter.add.f32 [tilespmem:s21], [sflag:$0x6], $0x10, s18, s16, $0xb8;
	[tilespmem:$0xCE80] =	vst v63  }
0x105: {  	_ =	swait.ge [sflag:s20], $0x800  }
0x106: {  	[sflag:s20] =	ssyncset.done $0x0;
	s22 =	rddreg [dreg:$0x12]  }
0x107: {  	s7 =	sld [smem:$0x7F6];
	[sflag:s20] =	ssyncadd.s32 $0xFFFFF800  }
0x108: {  	[tilespmem:s10], [sflag:$0x2] =	stream.linear.gather [hbm4b:s22+s0], $0x4000, $0x38;
	[tilespmem:$0xCE80] =	vst v63  }
0x109: {  	_ = 	snop  }
0x10a: {  	[tilespmem:s13], [sflag:$0x4] =	stream.linear.gather [hbm4b:s7+s0], $0x80, $0x38;
	[tilespmem:$0xCE80] =	vst v63  }
0x10b: {  	_ =	swait.ge [sflag:s12], $0x4000  }
0x10c: {  	[sflag:s12] =	ssyncset.done $0x0  }
0x10d: {  	[sflag:s12] =	ssyncadd.s32 $0xFFFFC000  }
0x10e: {  	_ =	swait.ge [sflag:s15], $0x80  }
0x10f: {  	[sflag:s15] =	ssyncset.done $0x0  }
0x110: {  	[sflag:s15] =	ssyncadd.s32 $0xFFFFFF80  }
0x111: {  	[spmem:s17] =	stream.indirect.scatter.add.f32 [tilespmem:s0], [sflag:$0x6], $0x80, s14, s16, $0xb8;
	[tilespmem:$0xCE80] =	vst v63  }
0x112: {  	_ =	swait.ge [sflag:s20], $0x4000  }
0x113: {  	[sflag:s20] =	ssyncset.done $0x0  }
0x114: {  	[sflag:s20] =	ssyncadd.s32 $0xFFFFC000  }
0x115: {  	[spmem:s19] =	stream.indirect.scatter.add.f32 [tilespmem:s21], [sflag:$0x6], $0x10, s14, s16, $0xb8;
	[tilespmem:$0xCE80] =	vst v63  }
0x116: {  	_ =	swait.ge [sflag:s20], $0x800  }
0x117: {  	[sflag:s20] =	ssyncset.done $0x0;
	s8 =	rddreg [dreg:$0x13]  }
0x118: {  	s9 =	sld [smem:$0x7F7];
	[sflag:s20] =	ssyncadd.s32 $0xFFFFF800  }
0x119: {  	[tilespmem:s0], [sflag:$0x1] =	stream.linear.gather [hbm4b:s8+s0], $0x4000, $0x38;
	[tilespmem:$0xCE80] =	vst v63  }
0x11a: {  	_ = 	snop  }
0x11b: {  	[tilespmem:s1], [sflag:$0x3] =	stream.linear.gather [hbm4b:s9+s0], $0x80, $0x38;
	[tilespmem:$0xCE80] =	vst v63  }
0x11c: {  	_ =	swait.ge [sflag:s23], $0x4000  }
0x11d: {  	[sflag:s23] =	ssyncset.done $0x0  }
0x11e: {  	[sflag:s23] =	ssyncadd.s32 $0xFFFFC000  }
0x11f: {  	_ =	swait.ge [sflag:s24], $0x80  }
0x120: {  	[sflag:s24] =	ssyncset.done $0x0  }
0x121: {  	[sflag:s24] =	ssyncadd.s32 $0xFFFFFF80  }
0x122: {  	[spmem:s17] =	stream.indirect.scatter.add.f32 [tilespmem:s10], [sflag:$0x6], $0x80, s13, s16, $0xb8;
	[tilespmem:$0xCE80] =	vst v63  }
0x123: {  	_ =	swait.ge [sflag:s20], $0x4000  }
0x124: {  	[sflag:s20] =	ssyncset.done $0x0  }
0x125: {  	[sflag:s20] =	ssyncadd.s32 $0xFFFFC000  }
0x126: {  	[spmem:s19] =	stream.indirect.scatter.add.f32 [tilespmem:s21], [sflag:$0x6], $0x10, s13, s16, $0xb8;
	[tilespmem:$0xCE80] =	vst v63  }
0x127: {  	_ =	swait.ge [sflag:s20], $0x800  }
0x128: {  	[sflag:s20] =	ssyncset.done $0x0;
	s11 =	rddreg [dreg:$0x14]  }
0x129: {  	s22 =	sld [smem:$0x7F8];
	[sflag:s20] =	ssyncadd.s32 $0xFFFFF800  }
0x12a: {  	[tilespmem:s10], [sflag:$0x2] =	stream.linear.gather [hbm4b:s11+s0], $0x4000, $0x38;
	[tilespmem:$0xCE80] =	vst v63  }
0x12b: {  	_ = 	snop  }
0x12c: {  	[tilespmem:s2], [sflag:$0x4] =	stream.linear.gather [hbm4b:s22+s0], $0x80, $0x38;
	[tilespmem:$0xCE80] =	vst v63  }
0x12d: {  	_ =	swait.ge [sflag:s12], $0x4000  }
0x12e: {  	[sflag:s12] =	ssyncset.done $0x0  }
0x12f: {  	[sflag:s12] =	ssyncadd.s32 $0xFFFFC000  }
0x130: {  	_ =	swait.ge [sflag:s15], $0x80  }
0x131: {  	[sflag:s15] =	ssyncset.done $0x0  }
0x132: {  	[sflag:s15] =	ssyncadd.s32 $0xFFFFFF80  }
0x133: {  	[spmem:s17] =	stream.indirect.scatter.add.f32 [tilespmem:s0], [sflag:$0x6], $0x80, s1, s16, $0xb8;
	[tilespmem:$0xCE80] =	vst v63  }
0x134: {  	_ =	swait.ge [sflag:s20], $0x4000  }
0x135: {  	[sflag:s20] =	ssyncset.done $0x0  }
0x136: {  	[sflag:s20] =	ssyncadd.s32 $0xFFFFC000  }
0x137: {  	[spmem:s19] =	stream.indirect.scatter.add.f32 [tilespmem:s21], [sflag:$0x6], $0x10, s1, s16, $0xb8;
	[tilespmem:$0xCE80] =	vst v63  }
0x138: {  	_ =	swait.ge [sflag:s20], $0x800  }
0x139: {  	[sflag:s20] =	ssyncset.done $0x0;
	s7 =	rddreg [dreg:$0x15]  }
0x13a: {  	s8 =	sld [smem:$0x7F9];
	[sflag:s20] =	ssyncadd.s32 $0xFFFFF800  }
0x13b: {  	[tilespmem:s0], [sflag:$0x1] =	stream.linear.gather [hbm4b:s7+s0], $0x4000, $0x38;
	[tilespmem:$0xCE80] =	vst v63  }
0x13c: {  	_ = 	snop  }
0x13d: {  	[tilespmem:s3], [sflag:$0x3] =	stream.linear.gather [hbm4b:s8+s0], $0x80, $0x38;
	[tilespmem:$0xCE80] =	vst v63  }
0x13e: {  	_ =	swait.ge [sflag:s23], $0x4000  }
0x13f: {  	[sflag:s23] =	ssyncset.done $0x0  }
0x140: {  	[sflag:s23] =	ssyncadd.s32 $0xFFFFC000  }
0x141: {  	_ =	swait.ge [sflag:s24], $0x80  }
0x142: {  	[sflag:s24] =	ssyncset.done $0x0  }
0x143: {  	[sflag:s24] =	ssyncadd.s32 $0xFFFFFF80  }
0x144: {  	[spmem:s17] =	stream.indirect.scatter.add.f32 [tilespmem:s10], [sflag:$0x6], $0x80, s2, s16, $0xb8;
	[tilespmem:$0xCE80] =	vst v63  }
0x145: {  	_ =	swait.ge [sflag:s20], $0x4000  }
0x146: {  	[sflag:s20] =	ssyncset.done $0x0  }
0x147: {  	[sflag:s20] =	ssyncadd.s32 $0xFFFFC000  }
0x148: {  	[spmem:s19] =	stream.indirect.scatter.add.f32 [tilespmem:s21], [sflag:$0x6], $0x10, s2, s16, $0xb8;
	[tilespmem:$0xCE80] =	vst v63  }
0x149: {  	_ =	swait.ge [sflag:s20], $0x800  }
0x14a: {  	[sflag:s20] =	ssyncset.done $0x0;
	s9 =	rddreg [dreg:$0x16]  }
0x14b: {  	s11 =	sld [smem:$0x7FA];
	[sflag:s20] =	ssyncadd.s32 $0xFFFFF800  }
0x14c: {  	[tilespmem:s10], [sflag:$0x2] =	stream.linear.gather [hbm4b:s9+s0], $0x4000, $0x38;
	[tilespmem:$0xCE80] =	vst v63  }
0x14d: {  	_ = 	snop  }
0x14e: {  	[tilespmem:s4], [sflag:$0x4] =	stream.linear.gather [hbm4b:s11+s0], $0x80, $0x38;
	[tilespmem:$0xCE80] =	vst v63  }
0x14f: {  	_ =	swait.ge [sflag:s12], $0x4000  }
0x150: {  	[sflag:s12] =	ssyncset.done $0x0  }
0x151: {  	[sflag:s12] =	ssyncadd.s32 $0xFFFFC000  }
0x152: {  	_ =	swait.ge [sflag:s15], $0x80  }
0x153: {  	[sflag:s15] =	ssyncset.done $0x0  }
0x154: {  	[sflag:s15] =	ssyncadd.s32 $0xFFFFFF80  }
0x155: {  	[spmem:s17] =	stream.indirect.scatter.add.f32 [tilespmem:s0], [sflag:$0x6], $0x80, s3, s16, $0xb8;
	[tilespmem:$0xCE80] =	vst v63  }
0x156: {  	_ =	swait.ge [sflag:s20], $0x4000  }
0x157: {  	[sflag:s20] =	ssyncset.done $0x0  }
0x158: {  	[sflag:s20] =	ssyncadd.s32 $0xFFFFC000  }
0x159: {  	[spmem:s19] =	stream.indirect.scatter.add.f32 [tilespmem:s21], [sflag:$0x6], $0x10, s3, s16, $0xb8;
	[tilespmem:$0xCE80] =	vst v63  }
0x15a: {  	_ =	swait.ge [sflag:s20], $0x800  }
0x15b: {  	[sflag:s20] =	ssyncset.done $0x0  }
0x15c: {  	[sflag:s20] =	ssyncadd.s32 $0xFFFFF800  }
0x15d: {  	_ =	swait.ge [sflag:s23], $0x4000  }
0x15e: {  	[sflag:s23] =	ssyncset.done $0x0  }
0x15f: {  	[sflag:s23] =	ssyncadd.s32 $0xFFFFC000  }
0x160: {  	_ =	swait.ge [sflag:s24], $0x80  }
0x161: {  	[sflag:s24] =	ssyncset.done $0x0  }
0x162: {  	[sflag:s24] =	ssyncadd.s32 $0xFFFFFF80  }
0x163: {  	[spmem:s17] =	stream.indirect.scatter.add.f32 [tilespmem:s10], [sflag:$0x6], $0x80, s4, s16, $0xb8;
	[tilespmem:$0xCE80] =	vst v63  }
0x164: {  	_ =	swait.ge [sflag:s20], $0x4000  }
0x165: {  	[sflag:s20] =	ssyncset.done $0x0  }
0x166: {  	[sflag:s20] =	ssyncadd.s32 $0xFFFFC000  }
0x167: {  	[spmem:s19] =	stream.indirect.scatter.add.f32 [tilespmem:s21], [sflag:$0x6], $0x10, s4, s16, $0xb8;
	[tilespmem:$0xCE80] =	vst v63  }
0x168: {  	_ =	swait.ge [sflag:s20], $0x800  }
0x169: {  	[sflag:s20] =	ssyncset.done $0x0  }
0x16a: {  	[sflag:s20] =	ssyncadd.s32 $0xFFFFF800  }
0x16b: {  	[bflag:$0x0] =	sbarrier.arrive $0xFFFF  }
0x16c: {  	s8 =	sld [smem:$0x7FB];
	_ =	sdelay $0x1  }
0x16d: {  	s6 =	sshrl.u32 @!p0 s17, $0x3;
	s7 =	simm.s32 @!p0 $0x1C06  }
0x16e: {  	[hbm:s8], [sflag:s7] =	dma.local @!p0 [spmem:s6], $0x800  }
0x16f: {  	s6 =	simm.s32 @!p0 $0x6  }
0x170: {  	_ =	swait.ge @!p0 [sflag:s6], $0x800  }
0x171: {  	s9 =	sld [smem:$0x7FC]  }
0x172: {  	[sflag:s6] =	ssyncset.done @!p0 $0x0  }
0x173: {  	s8 =	sshrl.u32 @!p0 s19, $0x3;
	[sflag:s6] =	ssyncadd.s32 @!p0 $0xFFFFF800  }
0x174: {  	[hbm:s9], [sflag:s7] =	dma.local @!p0 [spmem:s8], $0x800  }
0x175: {  	_ =	swait.ge @!p0 [sflag:s6], $0x800  }
0x176: {  	[sflag:s6] =	ssyncset.done @!p0 $0x0  }
0x177: {  	[sflag:s6] =	ssyncadd.s32 @!p0 $0xFFFFF800  }
0x178: {  	s7 =	simm.s32 @!p1 $0xC800;
	s6 =	simm.s32 @!p1 $0x0;
	s8 =	rddreg [dreg:$0x2]  }
0x179: {  	[tilespmem:s7], [sflag:$0x6] =	stream.linear.gather @!p1 [hbm4b:s8+s6], $0x100, $0x38;
	[tilespmem:$0xCE80] =	vst v63  }
0x17a: {  	s8 =	simm.s32 @!p1 $0x6  }
0x17b: {  	_ =	swait.ge @!p1 [sflag:s8], $0x100  }
0x17c: {  	[sflag:s8] =	ssyncset.done @!p1 $0x0  }
0x17d: {  	[sflag:s8] =	ssyncadd.s32 @!p1 $0xFFFFFF00  }
0x17e: {  	s11 =	simm.s32 @!p1 $0xC900;
	s9 =	simm.s32 @!p1 $0x100;
	s22 =	rddreg [dreg:$0x1]  }
0x17f: {  	[tilespmem:s11], [sflag:$0x5] =	stream.indirect.gather @!p1 [hbm4b:s22+s9], $0x1, s7, s9, $0xb8;
	[tilespmem:$0xCE80] =	vst v63  }
0x180: {  	s7 =	simm.s32 @!p1 $0x5  }
0x181: {  	_ =	swait.ge @!p1 [sflag:s7], $0x100  }
0x182: {  	[sflag:s7] =	ssyncset.done @!p1 $0x0  }
0x183: {  	[sflag:s7] =	ssyncadd.s32 @!p1 $0xFFFFFF00;
	s7 =	rddreg [dreg:$0x17]  }
0x184: {  	[hbm4b:s7+s6] =	stream.linear.scatter @!p1 [tilespmem:s11], [sflag:$0x6], $0x100, $0x38;
	[tilespmem:$0xCE80] =	vst v63  }
0x185: {  	_ =	swait.ge @!p1 [sflag:s8], $0x100  }
0x186: {  	s22 =	sld [smem:$0x7FD];
	_ =	sdelay $0x1  }
0x187: {  	s5 =	sadd.s32 $0x1, s5  }
0x188: {  	p2 =	sne.s32 s5, s22  }
.Ltmp2:
0x189: {  	_ = 	snop;
	(pc) =	sbr.rel @p2 .LBB2_1-.Ltmp2, $3  }
0x18a: {  	_ =	sdelay $0x1  }
0x18b: {  	[sflag:s8] =	ssyncset.done @!p1 $0x0  }
0x18c: {  	[sflag:s8] =	ssyncadd.s32 @!p1 $0xFFFFFF00  }
0x18d: {  	_ =	sfence.sel $0x180000  }
0x18e: {  	[bflag:$0x0] =	sbarrier.arrive $0xFFFF  }
0x18f: {  	_ =	strace $0x90000047  }
0x190: {  	[bflag:$0x2] =	sbarrier.arrive $0xFFFF  }
0x191: {  	s0 =	rddreg [dreg:$0x6]  }
0x192: {  	s0 =	sadd.s32 @!p0 $0x100000, s0  }
0x193: {  	[sflag:s0] =	ssyncadd.tile.s32 @!p0 $0x1;
	_ =	shalt  }
.Lfunc_end2:
_tile_overlayer_lowered:
.L_overlay_start_2:
0x194: {  	(tag) =	ssettag $0x2  }
0x195: {  	s0 =	rddreg [dreg:$0x0];
	s2 =	stileid.u32  }
0x196: {  	s1 =	rddreg [dreg:$0x1];
	p0 =	sne.s32 s2, $0x0  }
0x197: {  	s3 =	rddreg [dreg:$0x2];
	[bflag:$0x3] =	sbarrier.arrive $0xFFFF;
	s2 =	simm.s32 @!p0 $0x1C06  }
0x198: {  	[timem:s3], [sflag:s2] =	dma.local @!p0 [hbm:s0], s1  }
0x199: {  	s0 =	simm.s32 @!p0 $0x6  }
0x19a: {  	_ =	swait.ge @!p0 [sflag:s0], s1  }
0x19b: {  	s1 =	ssub.s32 @!p0 $0x0, s1;
	[sflag:s0] =	ssyncset.done @!p0 $0x0  }
0x19c: {  	[sflag:s0] =	ssyncadd.s32 @!p0 s1  }
0x19d: {  	[bflag:$0x3] =	sbarrier.arrive $0xFFFF  }
0x19e: {  	_ =	shalt  }

</sc_bundles>
